<compile_context>
chip_gen: v7x
topology: tpu7x:2x2x1
jax: 0.10.2.dev20260603
libtpu: 0.0.44.dev20260713+nightly
codegen_flags: <defaults>
</compile_context>

<pallas_src>
import functools

import jax
import jax.numpy as jnp
from jax import lax
from jax.experimental import pallas as pl
from jax.experimental.pallas import tpu as pltpu
from jax.experimental.pallas import tpu_sc as plsc

N_NODES = 10000
N_EDGES = 320000
NODE_DIM = 128
EDGE_DIM = 16
EDGE_DIM_OUT = 128
PKD = EDGE_DIM_OUT // 2

NW = 32
E_BLK = 64
NB = N_EDGES // E_BLK
NB_MAIN = 156
NB_EXTRA = NB - NW * NB_MAIN
PF = NB_MAIN + 1


def _node_proj_body(x_ref, ws_ref, wd_ref, ps_ref, pd_ref):
    x = x_ref[...]
    ps_ref[...] = jnp.dot(x, ws_ref[...], preferred_element_type=jnp.float32)
    pd_ref[...] = jnp.dot(x, wd_ref[...], preferred_element_type=jnp.float32)


def _node_proj(node_emb, ws_t, wd_t):
    blk = 2000
    grid = (N_NODES // blk,)
    return pl.pallas_call(
        _node_proj_body,
        grid=grid,
        in_specs=[
            pl.BlockSpec((blk, NODE_DIM), lambda i: (i, 0)),
            pl.BlockSpec((NODE_DIM, NODE_DIM), lambda i: (0, 0)),
            pl.BlockSpec((NODE_DIM, NODE_DIM), lambda i: (0, 0)),
        ],
        out_specs=[
            pl.BlockSpec((blk, EDGE_DIM_OUT), lambda i: (i, 0)),
            pl.BlockSpec((blk, EDGE_DIM_OUT), lambda i: (i, 0)),
        ],
        out_shape=[
            jax.ShapeDtypeStruct((N_NODES, EDGE_DIM_OUT), jnp.float32),
            jax.ShapeDtypeStruct((N_NODES, EDGE_DIM_OUT), jnp.float32),
        ],
    )(node_emb, ws_t, wd_t)


_sc_mesh = plsc.VectorSubcoreMesh(core_axis_name="c", subcore_axis_name="s")


@functools.partial(
    pl.kernel,
    out_type=jax.ShapeDtypeStruct((NB, E_BLK, PKD), jnp.int32),
    mesh=_sc_mesh,
    scratch_types=[
        pltpu.VMEM((PF * E_BLK,), jnp.int32),
        pltpu.VMEM((PF * E_BLK,), jnp.int32),
        pltpu.VMEM((E_BLK, EDGE_DIM_OUT), jnp.float32),
        pltpu.VMEM((E_BLK, EDGE_DIM_OUT), jnp.float32),
        pltpu.VMEM((E_BLK, EDGE_DIM_OUT), jnp.float32),
        pltpu.VMEM((E_BLK, EDGE_DIM_OUT), jnp.float32),
        pltpu.VMEM((E_BLK, EDGE_DIM_OUT), jnp.float32),
        pltpu.VMEM((E_BLK, EDGE_DIM_OUT), jnp.float32),
        pltpu.VMEM((E_BLK, PKD), jnp.int32),
        pltpu.VMEM((E_BLK, PKD), jnp.int32),
        pltpu.VMEM((E_BLK, PKD), jnp.int32),
        pltpu.SemaphoreType.DMA,
        pltpu.SemaphoreType.DMA,
        pltpu.SemaphoreType.DMA,
        pltpu.SemaphoreType.DMA,
        pltpu.SemaphoreType.DMA,
        pltpu.SemaphoreType.DMA,
    ],
)
def _sc_gather_add(ps_hbm, pd_hbm, src_hbm, dst_hbm, out_hbm,
                   idx_s, idx_d, rs0, rs1, rs2, rd0, rd1, rd2,
                   go0, go1, go2, sg0, sg1, sg2, so0, so1, so2):
    num_c = lax.axis_size("c")
    wid = lax.axis_index("s") * num_c + lax.axis_index("c")
    start = wid * NB_MAIN + jnp.minimum(wid, NB_EXTRA)
    pf_start = jnp.minimum(start, NB - PF)
    off = start - pf_start

    pltpu.sync_copy(src_hbm.at[pl.ds(pf_start * E_BLK, PF * E_BLK)], idx_s)
    pltpu.sync_copy(dst_hbm.at[pl.ds(pf_start * E_BLK, PF * E_BLK)], idx_d)

    RS = (rs0, rs1, rs2)
    RD = (rd0, rd1, rd2)
    GO = (go0, go1, go2)
    SG = (sg0, sg1, sg2)
    SO = (so0, so1, so2)

    def issue_gather(p, loc):
        k = (loc + off) * E_BLK
        pltpu.async_copy(ps_hbm.at[idx_s.at[pl.ds(k, E_BLK)]], RS[p], SG[p])
        pltpu.async_copy(pd_hbm.at[idx_d.at[pl.ds(k, E_BLK)]], RD[p], SG[p])

    def wait_gather(p, loc):
        k = (loc + off) * E_BLK
        pltpu.make_async_copy(ps_hbm.at[idx_s.at[pl.ds(k, E_BLK)]], RS[p], SG[p]).wait()
        pltpu.make_async_copy(pd_hbm.at[idx_d.at[pl.ds(k, E_BLK)]], RD[p], SG[p]).wait()

    def issue_out(p, loc):
        pltpu.async_copy(GO[p], out_hbm.at[start + loc], SO[p])

    def wait_out(p):
        pltpu.make_async_copy(GO[p], out_hbm.at[start], SO[p]).wait()

    def compute(p):
        rs, rd, go = RS[p], RD[p], GO[p]
        mhi = jnp.int32(-65536)
        h = jnp.int32(32768)

        @plsc.parallel_loop(0, E_BLK, unroll=2)
        def _rows(r):
            for cc in range(PKD // 16):
                e_sl = pl.ds(cc * 32, 16)
                o_sl = pl.ds(cc * 32 + 16, 16)
                se = rs[r, e_sl] + rd[r, e_sl]
                so = rs[r, o_sl] + rd[r, o_sl]
                u = lax.bitcast_convert_type(se, jnp.int32)
                v = lax.bitcast_convert_type(so, jnp.int32)
                go[r, pl.ds(cc * 16, 16)] = (
                    lax.shift_right_logical(u + h, 16) | ((v + h) & mhi))

    issue_gather(0, 0)

    def iter_body(i3, carry):
        for j in range(3):
            loc = 3 * i3 + j
            q = (j + 1) % 3
            nxt = loc + 1

            @pl.when(nxt < NB_MAIN)
            def _():
                issue_gather(q, nxt)

            wait_gather(j, loc)

            @pl.when(loc >= 3)
            def _():
                wait_out(j)

            compute(j)
            issue_out(j, loc)
        return carry

    lax.fori_loop(0, NB_MAIN // 3, iter_body, 0)
    wait_out(0)
    wait_out(1)
    wait_out(2)

    @pl.when(wid < NB_EXTRA)
    def _():
        issue_gather(0, NB_MAIN)
        wait_gather(0, NB_MAIN)
        compute(0)
        issue_out(0, NB_MAIN)
        wait_out(0)


def _finish_body(ee_ref, g_ref, we_ref, b_ref, o_ref):
    t = jnp.dot(ee_ref[...], we_ref[...], preferred_element_type=jnp.float32)
    g = g_ref[...].astype(jnp.float32)
    o_ref[...] = jnp.maximum(t + g + b_ref[...], 0.0)


def _finish(edge_emb, g, we_t, b2d):
    blk = 8000
    grid = (N_EDGES // blk,)
    return pl.pallas_call(
        _finish_body,
        grid=grid,
        in_specs=[
            pl.BlockSpec((blk, EDGE_DIM), lambda i: (i, 0)),
            pl.BlockSpec((blk, EDGE_DIM_OUT), lambda i: (i, 0)),
            pl.BlockSpec((EDGE_DIM, EDGE_DIM_OUT), lambda i: (0, 0)),
            pl.BlockSpec((1, EDGE_DIM_OUT), lambda i: (0, 0)),
        ],
        out_specs=pl.BlockSpec((blk, EDGE_DIM_OUT), lambda i: (i, 0)),
        out_shape=jax.ShapeDtypeStruct((N_EDGES, EDGE_DIM_OUT), jnp.float32),
    )(edge_emb, g, we_t, b2d)


def kernel(edge_index, edge_emb, node_emb, W, b):
    ei = edge_index.astype(jnp.int32)
    src1 = ei[0]
    dst1 = ei[1]

    we_t = W[:, :EDGE_DIM].T
    ws_t = W[:, EDGE_DIM:EDGE_DIM + NODE_DIM].T
    wd_t = W[:, EDGE_DIM + NODE_DIM:].T

    perm = []
    for grp in range(EDGE_DIM_OUT // 32):
        perm += [32 * grp + 2 * j for j in range(16)]
        perm += [32 * grp + 2 * j + 1 for j in range(16)]
    perm = jnp.array(perm, dtype=jnp.int32)

    ps, pd = _node_proj(node_emb, ws_t[:, perm], wd_t[:, perm])
    g = _sc_gather_add(ps, pd, src1, dst1)
    g2 = lax.bitcast_convert_type(
        g.reshape(N_EDGES, PKD), jnp.bfloat16).reshape(N_EDGES, EDGE_DIM_OUT)
    return _finish(edge_emb, g2, we_t, b.reshape(1, EDGE_DIM_OUT))

# --- scband reference (transcript-rebuilt; emitter-appended) ---
"""Pipeline reference for scband-edge-updating-33827162423514 (READ-ONLY COPY).

The authoritative reference and input builder live on the scoring server;
editing this copy changes nothing except your own understanding.
"""

import jax, jax.numpy as jnp
import numpy as np

N_NODES = 10000
N_EDGES = 320000
NODE_DIM = 128
EDGE_DIM = 16
EDGE_DIM_OUT = 128


def setup_inputs(seed: int = 0) -> dict:
    key = jax.random.key(seed)
    k1, k2, k3, k4 = jax.random.split(key, 4)
    edge_index = jax.random.randint(k1, (2, N_EDGES), 0, N_NODES)
    edge_emb = jax.random.normal(k2, (N_EDGES, EDGE_DIM), dtype=jnp.float32)
    node_emb = jax.random.normal(k3, (N_NODES, NODE_DIM), dtype=jnp.float32)
    # Linear layer params: in_features = 2*node_dim + edge_dim, out_features = edge_dim_out
    in_feat = 2 * NODE_DIM + EDGE_DIM
    bound = 1.0 / np.sqrt(in_feat)
    W = jax.random.uniform(k4, (EDGE_DIM_OUT, in_feat), dtype=jnp.float32, minval=-bound, maxval=bound)
    b = jnp.zeros((EDGE_DIM_OUT,), dtype=jnp.float32)
    return {"edge_index": edge_index, "edge_emb": edge_emb, "node_emb": node_emb, "W": W, "b": b}


def reference(edge_index, edge_emb, node_emb, W, b):
    src = edge_index[0]
    dst = edge_index[1]
    src_emb = jnp.take(node_emb, src, axis=0)
    dst_emb = jnp.take(node_emb, dst, axis=0)
    edge_input = jnp.concatenate([edge_emb, src_emb, dst_emb], axis=1)
    updated_edge_attr = jax.nn.relu(edge_input @ W.T + b)
    return updated_edge_attr

if __name__ == "__main__":
    import jax
    _d = setup_inputs()
    print(jax.jit(kernel)(*tuple(_d.values())))

</pallas_src>

<mosaic_0001>
#map = affine_map<(d0, d1) -> (0, 0)>
#map1 = affine_map<(d0, d1) -> (0)>
#map2 = affine_map<(d0, d1) -> (0, 0, 0)>
module attributes {stable_mosaic.version = 14 : i64} {
  func.func @_sc_gather_add(%arg0: i32, %arg1: i32, %arg2: memref<10000x128xf32, #tpu.memory_space<hbm>>, %arg3: memref<10000x128xf32, #tpu.memory_space<hbm>>, %arg4: memref<320000xi32, #tpu.memory_space<hbm>>, %arg5: memref<320000xi32, #tpu.memory_space<hbm>>, %arg6: memref<5000x64x64xi32, #tpu.memory_space<hbm>>, %arg7: memref<10048xi32, #tpu.memory_space<vmem>>, %arg8: memref<10048xi32, #tpu.memory_space<vmem>>, %arg9: memref<64x128xf32, #tpu.memory_space<vmem>>, %arg10: memref<64x128xf32, #tpu.memory_space<vmem>>, %arg11: memref<64x128xf32, #tpu.memory_space<vmem>>, %arg12: memref<64x128xf32, #tpu.memory_space<vmem>>, %arg13: memref<64x128xf32, #tpu.memory_space<vmem>>, %arg14: memref<64x128xf32, #tpu.memory_space<vmem>>, %arg15: memref<64x64xi32, #tpu.memory_space<vmem>>, %arg16: memref<64x64xi32, #tpu.memory_space<vmem>>, %arg17: memref<64x64xi32, #tpu.memory_space<vmem>>, %arg18: memref<!tpu.dma_semaphore, #tpu.memory_space<semaphore_mem>>, %arg19: memref<!tpu.dma_semaphore, #tpu.memory_space<semaphore_mem>>, %arg20: memref<!tpu.dma_semaphore, #tpu.memory_space<semaphore_mem>>, %arg21: memref<!tpu.dma_semaphore, #tpu.memory_space<semaphore_mem>>, %arg22: memref<!tpu.dma_semaphore, #tpu.memory_space<semaphore_mem>>, %arg23: memref<!tpu.dma_semaphore, #tpu.memory_space<semaphore_mem>>) attributes {dimension_semantics = [#tpu.dimension_semantics<core_parallel>, #tpu.dimension_semantics<subcore_parallel>], iteration_bounds = array<i64: 2, 16>, scalar_prefetch = 0 : i64, scratch_operands = 17 : i64, tpu.core_type = #tpu.core_type<sc_vector_subcore>, window_params = [{transform_indices = #map}, {transform_indices = #map}, {transform_indices = #map1}, {transform_indices = #map1}, {transform_indices = #map2}]} {
    %mul3A = arith.constant 2 : i32
    %mul3A_0 = arith.muli %arg1, %mul3A : i32
    %add3A = arith.addi %mul3A_0, %arg0 : i32
    %mul3A_1 = arith.constant 156 : i32
    %mul3A_2 = arith.muli %add3A, %mul3A_1 : i32
    %min3A = arith.constant 8 : i32
    %min3A_3 = arith.minsi %add3A, %min3A : i32
    %add3A_4 = arith.addi %mul3A_2, %min3A_3 : i32
    %min3A_5 = arith.constant 4843 : i32
    %min3A_6 = arith.minsi %add3A_4, %min3A_5 : i32
    %sub3A = arith.subi %add3A_4, %min3A_6 : i32
    %mul3A_7 = arith.constant 64 : i32
    %mul3A_8 = arith.muli %min3A_6, %mul3A_7 : i32
    "tpu.region"() ({
      %run_scoped3A = tpu.sem_alloc : memref<!tpu.dma_semaphore, #tpu.memory_space<semaphore_mem>>
      %dma_start3A_52 = tpu.memref_slice %arg4[%mul3A_8] : memref<320000xi32, #tpu.memory_space<hbm>> -> memref<10048xi32, #tpu.memory_space<hbm>>
      %dma_start3A_53 = tpu.memref_slice %arg4[%mul3A_8] : memref<320000xi32, #tpu.memory_space<hbm>> -> memref<10048xi32, #tpu.memory_space<hbm>>
      tpu.enqueue_dma source(%dma_start3A_53 : memref<10048xi32, #tpu.memory_space<hbm>>) target(%arg7 : memref<10048xi32, #tpu.memory_space<vmem>>) target_semaphore(%run_scoped3A : memref<!tpu.dma_semaphore, #tpu.memory_space<semaphore_mem>>)
      %dma_wait3A_54 = tpu.memref_slice %arg4[%mul3A_8] : memref<320000xi32, #tpu.memory_space<hbm>> -> memref<10048xi32, #tpu.memory_space<hbm>>
      %dma_wait3A_55 = tpu.memref_slice %arg4[%mul3A_8] : memref<320000xi32, #tpu.memory_space<hbm>> -> memref<10048xi32, #tpu.memory_space<hbm>>
      tpu.wait_dma2 semaphore(%run_scoped3A : memref<!tpu.dma_semaphore, #tpu.memory_space<semaphore_mem>>) src(%dma_wait3A_55 : memref<10048xi32, #tpu.memory_space<hbm>>) dst(%arg7 : memref<10048xi32, #tpu.memory_space<vmem>>)
      tpu.yield
    }) : () -> ()
    %mul3A_9 = arith.constant 64 : i32
    %mul3A_10 = arith.muli %min3A_6, %mul3A_9 : i32
    "tpu.region"() ({
      %run_scoped3A = tpu.sem_alloc : memref<!tpu.dma_semaphore, #tpu.memory_space<semaphore_mem>>
      %dma_start3A_52 = tpu.memref_slice %arg5[%mul3A_10] : memref<320000xi32, #tpu.memory_space<hbm>> -> memref<10048xi32, #tpu.memory_space<hbm>>
      %dma_start3A_53 = tpu.memref_slice %arg5[%mul3A_10] : memref<320000xi32, #tpu.memory_space<hbm>> -> memref<10048xi32, #tpu.memory_space<hbm>>
      tpu.enqueue_dma source(%dma_start3A_53 : memref<10048xi32, #tpu.memory_space<hbm>>) target(%arg8 : memref<10048xi32, #tpu.memory_space<vmem>>) target_semaphore(%run_scoped3A : memref<!tpu.dma_semaphore, #tpu.memory_space<semaphore_mem>>)
      %dma_wait3A_54 = tpu.memref_slice %arg5[%mul3A_10] : memref<320000xi32, #tpu.memory_space<hbm>> -> memref<10048xi32, #tpu.memory_space<hbm>>
      %dma_wait3A_55 = tpu.memref_slice %arg5[%mul3A_10] : memref<320000xi32, #tpu.memory_space<hbm>> -> memref<10048xi32, #tpu.memory_space<hbm>>
      tpu.wait_dma2 semaphore(%run_scoped3A : memref<!tpu.dma_semaphore, #tpu.memory_space<semaphore_mem>>) src(%dma_wait3A_55 : memref<10048xi32, #tpu.memory_space<hbm>>) dst(%arg8 : memref<10048xi32, #tpu.memory_space<vmem>>)
      tpu.yield
    }) : () -> ()
    %add3A_11 = arith.constant 0 : i32
    %add3A_12 = arith.addi %add3A_11, %sub3A : i32
    %mul3A_13 = arith.constant 64 : i32
    %mul3A_14 = arith.muli %add3A_12, %mul3A_13 : i32
    %dma_start3A = tpu.memref_slice %arg7[%mul3A_14] : memref<10048xi32, #tpu.memory_space<vmem>> -> memref<64xi32, #tpu.memory_space<vmem>>
    %dma_start3A_15 = arith.constant 0 : i32
    %dma_start3A_16 = arith.constant 0 : i32
    %dma_start3A_17 = tpu.memref_slice %arg2[%dma_start3A_15, %dma_start3A_16] : memref<10000x128xf32, #tpu.memory_space<hbm>> -> memref<10000x128xf32, #tpu.memory_space<hbm>>
    tpu.enqueue_indirect_dma source(%dma_start3A_17 : memref<10000x128xf32, #tpu.memory_space<hbm>>) target(%arg9 : memref<64x128xf32, #tpu.memory_space<vmem>>) offsets(%dma_start3A : memref<64xi32, #tpu.memory_space<vmem>>) semaphore(%arg18 : memref<!tpu.dma_semaphore, #tpu.memory_space<semaphore_mem>>)
    %dma_start3A_18 = tpu.memref_slice %arg8[%mul3A_14] : memref<10048xi32, #tpu.memory_space<vmem>> -> memref<64xi32, #tpu.memory_space<vmem>>
    %dma_start3A_19 = arith.constant 0 : i32
    %dma_start3A_20 = arith.constant 0 : i32
    %dma_start3A_21 = tpu.memref_slice %arg3[%dma_start3A_19, %dma_start3A_20] : memref<10000x128xf32, #tpu.memory_space<hbm>> -> memref<10000x128xf32, #tpu.memory_space<hbm>>
    tpu.enqueue_indirect_dma source(%dma_start3A_21 : memref<10000x128xf32, #tpu.memory_space<hbm>>) target(%arg12 : memref<64x128xf32, #tpu.memory_space<vmem>>) offsets(%dma_start3A_18 : memref<64xi32, #tpu.memory_space<vmem>>) semaphore(%arg18 : memref<!tpu.dma_semaphore, #tpu.memory_space<semaphore_mem>>)
    %scan3A = arith.constant 0 : i32
    %scan3A_22 = arith.constant 0 : i32
    %scan3A_23 = arith.constant 52 : i32
    %scan3A_24 = arith.addi %scan3A_22, %scan3A_23 : i32
    %scan3A_25 = arith.constant 1 : i32
    scf.for %scan3A_52 = %scan3A_22 to %scan3A_24 step %scan3A_25  : i32 {
      %mul3A_53 = arith.constant 3 : i32
      %mul3A_54 = arith.muli %mul3A_53, %scan3A_52 : i32
      %add3A_55 = arith.constant 0 : i32
      %add3A_56 = arith.addi %mul3A_54, %add3A_55 : i32
      %add3A_57 = arith.constant 1 : i32
      %add3A_58 = arith.addi %add3A_56, %add3A_57 : i32
      %lt3A_59 = arith.constant 156 : i32
      %lt3A_60 = arith.cmpi slt, %add3A_58, %lt3A_59 : i32
      %convert_element_type3A_61 = arith.extui %lt3A_60 : i1 to i32
      %cond3A_62 = arith.constant 0 : i32
      %cond3A_63 = arith.cmpi ne, %convert_element_type3A_61, %cond3A_62 : i32
      scf.if %cond3A_63 {
        %add3A_174 = arith.addi %add3A_58, %sub3A : i32
        %mul3A_175 = arith.constant 64 : i32
        %mul3A_176 = arith.muli %add3A_174, %mul3A_175 : i32
        %dma_start3A_177 = tpu.memref_slice %arg7[%mul3A_176] : memref<10048xi32, #tpu.memory_space<vmem>> -> memref<64xi32, #tpu.memory_space<vmem>>
        %dma_start3A_178 = arith.constant 0 : i32
        %dma_start3A_179 = arith.constant 0 : i32
        %dma_start3A_180 = tpu.memref_slice %arg2[%dma_start3A_178, %dma_start3A_179] : memref<10000x128xf32, #tpu.memory_space<hbm>> -> memref<10000x128xf32, #tpu.memory_space<hbm>>
        tpu.enqueue_indirect_dma source(%dma_start3A_180 : memref<10000x128xf32, #tpu.memory_space<hbm>>) target(%arg10 : memref<64x128xf32, #tpu.memory_space<vmem>>) offsets(%dma_start3A_177 : memref<64xi32, #tpu.memory_space<vmem>>) semaphore(%arg19 : memref<!tpu.dma_semaphore, #tpu.memory_space<semaphore_mem>>)
        %dma_start3A_181 = tpu.memref_slice %arg8[%mul3A_176] : memref<10048xi32, #tpu.memory_space<vmem>> -> memref<64xi32, #tpu.memory_space<vmem>>
        %dma_start3A_182 = arith.constant 0 : i32
        %dma_start3A_183 = arith.constant 0 : i32
        %dma_start3A_184 = tpu.memref_slice %arg3[%dma_start3A_182, %dma_start3A_183] : memref<10000x128xf32, #tpu.memory_space<hbm>> -> memref<10000x128xf32, #tpu.memory_space<hbm>>
        tpu.enqueue_indirect_dma source(%dma_start3A_184 : memref<10000x128xf32, #tpu.memory_space<hbm>>) target(%arg13 : memref<64x128xf32, #tpu.memory_space<vmem>>) offsets(%dma_start3A_181 : memref<64xi32, #tpu.memory_space<vmem>>) semaphore(%arg19 : memref<!tpu.dma_semaphore, #tpu.memory_space<semaphore_mem>>)
      } else {
      }
      %add3A_64 = arith.addi %add3A_56, %sub3A : i32
      %mul3A_65 = arith.constant 64 : i32
      %mul3A_66 = arith.muli %add3A_64, %mul3A_65 : i32
      %dma_wait3A_67 = tpu.memref_slice %arg7[%mul3A_66] : memref<10048xi32, #tpu.memory_space<vmem>> -> memref<64xi32, #tpu.memory_space<vmem>>
      %dma_wait3A_68 = arith.constant 0 : i32
      %dma_wait3A_69 = arith.constant 0 : i32
      %dma_wait3A_70 = tpu.memref_slice %arg2[%dma_wait3A_68, %dma_wait3A_69] : memref<10000x128xf32, #tpu.memory_space<hbm>> -> memref<10000x128xf32, #tpu.memory_space<hbm>>
      tpu.wait_indirect_dma semaphore(%arg18 : memref<!tpu.dma_semaphore, #tpu.memory_space<semaphore_mem>>) src(%dma_wait3A_70 : memref<10000x128xf32, #tpu.memory_space<hbm>>) dst(%arg9 : memref<64x128xf32, #tpu.memory_space<vmem>>)
      %dma_wait3A_71 = tpu.memref_slice %arg8[%mul3A_66] : memref<10048xi32, #tpu.memory_space<vmem>> -> memref<64xi32, #tpu.memory_space<vmem>>
      %dma_wait3A_72 = arith.constant 0 : i32
      %dma_wait3A_73 = arith.constant 0 : i32
      %dma_wait3A_74 = tpu.memref_slice %arg3[%dma_wait3A_72, %dma_wait3A_73] : memref<10000x128xf32, #tpu.memory_space<hbm>> -> memref<10000x128xf32, #tpu.memory_space<hbm>>
      tpu.wait_indirect_dma semaphore(%arg18 : memref<!tpu.dma_semaphore, #tpu.memory_space<semaphore_mem>>) src(%dma_wait3A_74 : memref<10000x128xf32, #tpu.memory_space<hbm>>) dst(%arg12 : memref<64x128xf32, #tpu.memory_space<vmem>>)
      %ge3A = arith.constant 3 : i32
      %ge3A_75 = arith.cmpi sge, %add3A_56, %ge3A : i32
      %convert_element_type3A_76 = arith.extui %ge3A_75 : i1 to i32
      %cond3A_77 = arith.constant 0 : i32
      %cond3A_78 = arith.cmpi ne, %convert_element_type3A_76, %cond3A_77 : i32
      scf.if %cond3A_78 {
        %dma_wait3A_174 = arith.constant 0 : i32
        %dma_wait3A_175 = arith.constant 0 : i32
        %dma_wait3A_176 = tpu.memref_slice %arg6[%add3A_4, %dma_wait3A_174, %dma_wait3A_175] : memref<5000x64x64xi32, #tpu.memory_space<hbm>> -> memref<1x64x64xi32, #tpu.memory_space<hbm>>
        %dma_wait3A_177 = tpu.memref_squeeze %dma_wait3A_176 : memref<1x64x64xi32, #tpu.memory_space<hbm>> -> memref<64x64xi32, #tpu.memory_space<hbm>>
        %dma_wait3A_178 = arith.constant 0 : i32
        %dma_wait3A_179 = arith.constant 0 : i32
        %dma_wait3A_180 = tpu.memref_slice %arg6[%add3A_4, %dma_wait3A_178, %dma_wait3A_179] : memref<5000x64x64xi32, #tpu.memory_space<hbm>> -> memref<1x64x64xi32, #tpu.memory_space<hbm>>
        %dma_wait3A_181 = tpu.memref_squeeze %dma_wait3A_180 : memref<1x64x64xi32, #tpu.memory_space<hbm>> -> memref<64x64xi32, #tpu.memory_space<hbm>>
        tpu.wait_dma2 semaphore(%arg21 : memref<!tpu.dma_semaphore, #tpu.memory_space<semaphore_mem>>) src(%arg15 : memref<64x64xi32, #tpu.memory_space<vmem>>) dst(%dma_wait3A_181 : memref<64x64xi32, #tpu.memory_space<hbm>>)
      } else {
      }
      %parallel_loop3A = arith.constant 0 : i32
      %parallel_loop3A_79 = arith.constant 64 : i32
      %parallel_loop3A_80 = arith.constant 1 : i32
      %parallel_loop3A_81 = arith.constant 32768 : i32
      %parallel_loop3A_82 = arith.constant -65536 : i32
      scf.for %parallel_loop3A_174 = %parallel_loop3A to %parallel_loop3A_79 step %parallel_loop3A_80  : i32 {
        %parallel_loop3A_175 = arith.index_cast %parallel_loop3A_174 : i32 to index
        %parallel_loop3A_176 = arith.constant 0 : index
        %parallel_loop3A_177 = tpu.vector_load %arg9[%parallel_loop3A_175, %parallel_loop3A_176] {strides = array<i32>} : memref<64x128xf32, #tpu.memory_space<vmem>>, vector<1x16xf32>,
        %parallel_loop3A_178 = vector.shape_cast %parallel_loop3A_177 : vector<1x16xf32> to vector<16xf32>
        %parallel_loop3A_179 = arith.index_cast %parallel_loop3A_174 : i32 to index
        %parallel_loop3A_180 = arith.constant 0 : index
        %parallel_loop3A_181 = tpu.vector_load %arg12[%parallel_loop3A_179, %parallel_loop3A_180] {strides = array<i32>} : memref<64x128xf32, #tpu.memory_space<vmem>>, vector<1x16xf32>,
        %parallel_loop3A_182 = vector.shape_cast %parallel_loop3A_181 : vector<1x16xf32> to vector<16xf32>
        %parallel_loop3A_183 = arith.addf %parallel_loop3A_178, %parallel_loop3A_182 : vector<16xf32>
        %parallel_loop3A_184 = arith.index_cast %parallel_loop3A_174 : i32 to index
        %parallel_loop3A_185 = arith.constant 16 : index
        %parallel_loop3A_186 = tpu.vector_load %arg9[%parallel_loop3A_184, %parallel_loop3A_185] {strides = array<i32>} : memref<64x128xf32, #tpu.memory_space<vmem>>, vector<1x16xf32>,
        %parallel_loop3A_187 = vector.shape_cast %parallel_loop3A_186 : vector<1x16xf32> to vector<16xf32>
        %parallel_loop3A_188 = arith.index_cast %parallel_loop3A_174 : i32 to index
        %parallel_loop3A_189 = arith.constant 16 : index
        %parallel_loop3A_190 = tpu.vector_load %arg12[%parallel_loop3A_188, %parallel_loop3A_189] {strides = array<i32>} : memref<64x128xf32, #tpu.memory_space<vmem>>, vector<1x16xf32>,
        %parallel_loop3A_191 = vector.shape_cast %parallel_loop3A_190 : vector<1x16xf32> to vector<16xf32>
        %parallel_loop3A_192 = arith.addf %parallel_loop3A_187, %parallel_loop3A_191 : vector<16xf32>
        %parallel_loop3A_193 = tpu.bitcast %parallel_loop3A_183 : vector<16xf32> -> vector<16xi32>
        %parallel_loop3A_194 = tpu.bitcast %parallel_loop3A_192 : vector<16xf32> -> vector<16xi32>
        %parallel_loop3A_195 = vector.broadcast %parallel_loop3A_81 : i32 to vector<16xi32>
        %parallel_loop3A_196 = arith.addi %parallel_loop3A_193, %parallel_loop3A_195 : vector<16xi32>
        %parallel_loop3A_197 = arith.constant 16 : i32
        %parallel_loop3A_198 = vector.broadcast %parallel_loop3A_197 : i32 to vector<16xi32>
        %parallel_loop3A_199 = arith.shrui %parallel_loop3A_196, %parallel_loop3A_198 : vector<16xi32>
        %parallel_loop3A_200 = vector.broadcast %parallel_loop3A_81 : i32 to vector<16xi32>
        %parallel_loop3A_201 = arith.addi %parallel_loop3A_194, %parallel_loop3A_200 : vector<16xi32>
        %parallel_loop3A_202 = vector.broadcast %parallel_loop3A_82 : i32 to vector<16xi32>
        %parallel_loop3A_203 = arith.andi %parallel_loop3A_201, %parallel_loop3A_202 : vector<16xi32>
        %parallel_loop3A_204 = arith.ori %parallel_loop3A_199, %parallel_loop3A_203 : vector<16xi32>
        %parallel_loop3A_205 = arith.index_cast %parallel_loop3A_174 : i32 to index
        %parallel_loop3A_206 = arith.constant 0 : index
        %parallel_loop3A_207 = tpu.vector_load %arg15[%parallel_loop3A_205, %parallel_loop3A_206] {strides = array<i32>} : memref<64x64xi32, #tpu.memory_space<vmem>>, vector<1x16xi32>,
        %parallel_loop3A_208 = vector.shape_cast %parallel_loop3A_207 : vector<1x16xi32> to vector<16xi32>
        %parallel_loop3A_209 = vector.shape_cast %parallel_loop3A_204 : vector<16xi32> to vector<1x16xi32>
        tpu.vector_store %arg15[%parallel_loop3A_205, %parallel_loop3A_206], %parallel_loop3A_209 {strides = array<i32>} : memref<64x64xi32, #tpu.memory_space<vmem>>, vector<1x16xi32>,
        %parallel_loop3A_210 = arith.index_cast %parallel_loop3A_174 : i32 to index
        %parallel_loop3A_211 = arith.constant 32 : index
        %parallel_loop3A_212 = tpu.vector_load %arg9[%parallel_loop3A_210, %parallel_loop3A_211] {strides = array<i32>} : memref<64x128xf32, #tpu.memory_space<vmem>>, vector<1x16xf32>,
        %parallel_loop3A_213 = vector.shape_cast %parallel_loop3A_212 : vector<1x16xf32> to vector<16xf32>
        %parallel_loop3A_214 = arith.index_cast %parallel_loop3A_174 : i32 to index
        %parallel_loop3A_215 = arith.constant 32 : index
        %parallel_loop3A_216 = tpu.vector_load %arg12[%parallel_loop3A_214, %parallel_loop3A_215] {strides = array<i32>} : memref<64x128xf32, #tpu.memory_space<vmem>>, vector<1x16xf32>,
        %parallel_loop3A_217 = vector.shape_cast %parallel_loop3A_216 : vector<1x16xf32> to vector<16xf32>
        %parallel_loop3A_218 = arith.addf %parallel_loop3A_213, %parallel_loop3A_217 : vector<16xf32>
        %parallel_loop3A_219 = arith.index_cast %parallel_loop3A_174 : i32 to index
        %parallel_loop3A_220 = arith.constant 48 : index
        %parallel_loop3A_221 = tpu.vector_load %arg9[%parallel_loop3A_219, %parallel_loop3A_220] {strides = array<i32>} : memref<64x128xf32, #tpu.memory_space<vmem>>, vector<1x16xf32>,
        %parallel_loop3A_222 = vector.shape_cast %parallel_loop3A_221 : vector<1x16xf32> to vector<16xf32>
        %parallel_loop3A_223 = arith.index_cast %parallel_loop3A_174 : i32 to index
        %parallel_loop3A_224 = arith.constant 48 : index
        %parallel_loop3A_225 = tpu.vector_load %arg12[%parallel_loop3A_223, %parallel_loop3A_224] {strides = array<i32>} : memref<64x128xf32, #tpu.memory_space<vmem>>, vector<1x16xf32>,
        %parallel_loop3A_226 = vector.shape_cast %parallel_loop3A_225 : vector<1x16xf32> to vector<16xf32>
        %parallel_loop3A_227 = arith.addf %parallel_loop3A_222, %parallel_loop3A_226 : vector<16xf32>
        %parallel_loop3A_228 = tpu.bitcast %parallel_loop3A_218 : vector<16xf32> -> vector<16xi32>
        %parallel_loop3A_229 = tpu.bitcast %parallel_loop3A_227 : vector<16xf32> -> vector<16xi32>
        %parallel_loop3A_230 = vector.broadcast %parallel_loop3A_81 : i32 to vector<16xi32>
        %parallel_loop3A_231 = arith.addi %parallel_loop3A_228, %parallel_loop3A_230 : vector<16xi32>
        %parallel_loop3A_232 = arith.constant 16 : i32
        %parallel_loop3A_233 = vector.broadcast %parallel_loop3A_232 : i32 to vector<16xi32>
        %parallel_loop3A_234 = arith.shrui %parallel_loop3A_231, %parallel_loop3A_233 : vector<16xi32>
        %parallel_loop3A_235 = vector.broadcast %parallel_loop3A_81 : i32 to vector<16xi32>
        %parallel_loop3A_236 = arith.addi %parallel_loop3A_229, %parallel_loop3A_235 : vector<16xi32>
        %parallel_loop3A_237 = vector.broadcast %parallel_loop3A_82 : i32 to vector<16xi32>
        %parallel_loop3A_238 = arith.andi %parallel_loop3A_236, %parallel_loop3A_237 : vector<16xi32>
        %parallel_loop3A_239 = arith.ori %parallel_loop3A_234, %parallel_loop3A_238 : vector<16xi32>
        %parallel_loop3A_240 = arith.index_cast %parallel_loop3A_174 : i32 to index
        %parallel_loop3A_241 = arith.constant 16 : index
        %parallel_loop3A_242 = tpu.vector_load %arg15[%parallel_loop3A_240, %parallel_loop3A_241] {strides = array<i32>} : memref<64x64xi32, #tpu.memory_space<vmem>>, vector<1x16xi32>,
        %parallel_loop3A_243 = vector.shape_cast %parallel_loop3A_242 : vector<1x16xi32> to vector<16xi32>
        %parallel_loop3A_244 = vector.shape_cast %parallel_loop3A_239 : vector<16xi32> to vector<1x16xi32>
        tpu.vector_store %arg15[%parallel_loop3A_240, %parallel_loop3A_241], %parallel_loop3A_244 {strides = array<i32>} : memref<64x64xi32, #tpu.memory_space<vmem>>, vector<1x16xi32>,
        %parallel_loop3A_245 = arith.index_cast %parallel_loop3A_174 : i32 to index
        %parallel_loop3A_246 = arith.constant 64 : index
        %parallel_loop3A_247 = tpu.vector_load %arg9[%parallel_loop3A_245, %parallel_loop3A_246] {strides = array<i32>} : memref<64x128xf32, #tpu.memory_space<vmem>>, vector<1x16xf32>,
        %parallel_loop3A_248 = vector.shape_cast %parallel_loop3A_247 : vector<1x16xf32> to vector<16xf32>
        %parallel_loop3A_249 = arith.index_cast %parallel_loop3A_174 : i32 to index
        %parallel_loop3A_250 = arith.constant 64 : index
        %parallel_loop3A_251 = tpu.vector_load %arg12[%parallel_loop3A_249, %parallel_loop3A_250] {strides = array<i32>} : memref<64x128xf32, #tpu.memory_space<vmem>>, vector<1x16xf32>,
        %parallel_loop3A_252 = vector.shape_cast %parallel_loop3A_251 : vector<1x16xf32> to vector<16xf32>
        %parallel_loop3A_253 = arith.addf %parallel_loop3A_248, %parallel_loop3A_252 : vector<16xf32>
        %parallel_loop3A_254 = arith.index_cast %parallel_loop3A_174 : i32 to index
        %parallel_loop3A_255 = arith.constant 80 : index
        %parallel_loop3A_256 = tpu.vector_load %arg9[%parallel_loop3A_254, %parallel_loop3A_255] {strides = array<i32>} : memref<64x128xf32, #tpu.memory_space<vmem>>, vector<1x16xf32>,
        %parallel_loop3A_257 = vector.shape_cast %parallel_loop3A_256 : vector<1x16xf32> to vector<16xf32>
        %parallel_loop3A_258 = arith.index_cast %parallel_loop3A_174 : i32 to index
        %parallel_loop3A_259 = arith.constant 80 : index
        %parallel_loop3A_260 = tpu.vector_load %arg12[%parallel_loop3A_258, %parallel_loop3A_259] {strides = array<i32>} : memref<64x128xf32, #tpu.memory_space<vmem>>, vector<1x16xf32>,
        %parallel_loop3A_261 = vector.shape_cast %parallel_loop3A_260 : vector<1x16xf32> to vector<16xf32>
        %parallel_loop3A_262 = arith.addf %parallel_loop3A_257, %parallel_loop3A_261 : vector<16xf32>
        %parallel_loop3A_263 = tpu.bitcast %parallel_loop3A_253 : vector<16xf32> -> vector<16xi32>
        %parallel_loop3A_264 = tpu.bitcast %parallel_loop3A_262 : vector<16xf32> -> vector<16xi32>
        %parallel_loop3A_265 = vector.broadcast %parallel_loop3A_81 : i32 to vector<16xi32>
        %parallel_loop3A_266 = arith.addi %parallel_loop3A_263, %parallel_loop3A_265 : vector<16xi32>
        %parallel_loop3A_267 = arith.constant 16 : i32
        %parallel_loop3A_268 = vector.broadcast %parallel_loop3A_267 : i32 to vector<16xi32>
        %parallel_loop3A_269 = arith.shrui %parallel_loop3A_266, %parallel_loop3A_268 : vector<16xi32>
        %parallel_loop3A_270 = vector.broadcast %parallel_loop3A_81 : i32 to vector<16xi32>
        %parallel_loop3A_271 = arith.addi %parallel_loop3A_264, %parallel_loop3A_270 : vector<16xi32>
        %parallel_loop3A_272 = vector.broadcast %parallel_loop3A_82 : i32 to vector<16xi32>
        %parallel_loop3A_273 = arith.andi %parallel_loop3A_271, %parallel_loop3A_272 : vector<16xi32>
        %parallel_loop3A_274 = arith.ori %parallel_loop3A_269, %parallel_loop3A_273 : vector<16xi32>
        %parallel_loop3A_275 = arith.index_cast %parallel_loop3A_174 : i32 to index
        %parallel_loop3A_276 = arith.constant 32 : index
        %parallel_loop3A_277 = tpu.vector_load %arg15[%parallel_loop3A_275, %parallel_loop3A_276] {strides = array<i32>} : memref<64x64xi32, #tpu.memory_space<vmem>>, vector<1x16xi32>,
        %parallel_loop3A_278 = vector.shape_cast %parallel_loop3A_277 : vector<1x16xi32> to vector<16xi32>
        %parallel_loop3A_279 = vector.shape_cast %parallel_loop3A_274 : vector<16xi32> to vector<1x16xi32>
        tpu.vector_store %arg15[%parallel_loop3A_275, %parallel_loop3A_276], %parallel_loop3A_279 {strides = array<i32>} : memref<64x64xi32, #tpu.memory_space<vmem>>, vector<1x16xi32>,
        %parallel_loop3A_280 = arith.index_cast %parallel_loop3A_174 : i32 to index
        %parallel_loop3A_281 = arith.constant 96 : index
        %parallel_loop3A_282 = tpu.vector_load %arg9[%parallel_loop3A_280, %parallel_loop3A_281] {strides = array<i32>} : memref<64x128xf32, #tpu.memory_space<vmem>>, vector<1x16xf32>,
        %parallel_loop3A_283 = vector.shape_cast %parallel_loop3A_282 : vector<1x16xf32> to vector<16xf32>
        %parallel_loop3A_284 = arith.index_cast %parallel_loop3A_174 : i32 to index
        %parallel_loop3A_285 = arith.constant 96 : index
        %parallel_loop3A_286 = tpu.vector_load %arg12[%parallel_loop3A_284, %parallel_loop3A_285] {strides = array<i32>} : memref<64x128xf32, #tpu.memory_space<vmem>>, vector<1x16xf32>,
        %parallel_loop3A_287 = vector.shape_cast %parallel_loop3A_286 : vector<1x16xf32> to vector<16xf32>
        %parallel_loop3A_288 = arith.addf %parallel_loop3A_283, %parallel_loop3A_287 : vector<16xf32>
        %parallel_loop3A_289 = arith.index_cast %parallel_loop3A_174 : i32 to index
        %parallel_loop3A_290 = arith.constant 112 : index
        %parallel_loop3A_291 = tpu.vector_load %arg9[%parallel_loop3A_289, %parallel_loop3A_290] {strides = array<i32>} : memref<64x128xf32, #tpu.memory_space<vmem>>, vector<1x16xf32>,
        %parallel_loop3A_292 = vector.shape_cast %parallel_loop3A_291 : vector<1x16xf32> to vector<16xf32>
        %parallel_loop3A_293 = arith.index_cast %parallel_loop3A_174 : i32 to index
        %parallel_loop3A_294 = arith.constant 112 : index
        %parallel_loop3A_295 = tpu.vector_load %arg12[%parallel_loop3A_293, %parallel_loop3A_294] {strides = array<i32>} : memref<64x128xf32, #tpu.memory_space<vmem>>, vector<1x16xf32>,
        %parallel_loop3A_296 = vector.shape_cast %parallel_loop3A_295 : vector<1x16xf32> to vector<16xf32>
        %parallel_loop3A_297 = arith.addf %parallel_loop3A_292, %parallel_loop3A_296 : vector<16xf32>
        %parallel_loop3A_298 = tpu.bitcast %parallel_loop3A_288 : vector<16xf32> -> vector<16xi32>
        %parallel_loop3A_299 = tpu.bitcast %parallel_loop3A_297 : vector<16xf32> -> vector<16xi32>
        %parallel_loop3A_300 = vector.broadcast %parallel_loop3A_81 : i32 to vector<16xi32>
        %parallel_loop3A_301 = arith.addi %parallel_loop3A_298, %parallel_loop3A_300 : vector<16xi32>
        %parallel_loop3A_302 = arith.constant 16 : i32
        %parallel_loop3A_303 = vector.broadcast %parallel_loop3A_302 : i32 to vector<16xi32>
        %parallel_loop3A_304 = arith.shrui %parallel_loop3A_301, %parallel_loop3A_303 : vector<16xi32>
        %parallel_loop3A_305 = vector.broadcast %parallel_loop3A_81 : i32 to vector<16xi32>
        %parallel_loop3A_306 = arith.addi %parallel_loop3A_299, %parallel_loop3A_305 : vector<16xi32>
        %parallel_loop3A_307 = vector.broadcast %parallel_loop3A_82 : i32 to vector<16xi32>
        %parallel_loop3A_308 = arith.andi %parallel_loop3A_306, %parallel_loop3A_307 : vector<16xi32>
        %parallel_loop3A_309 = arith.ori %parallel_loop3A_304, %parallel_loop3A_308 : vector<16xi32>
        %parallel_loop3A_310 = arith.index_cast %parallel_loop3A_174 : i32 to index
        %parallel_loop3A_311 = arith.constant 48 : index
        %parallel_loop3A_312 = tpu.vector_load %arg15[%parallel_loop3A_310, %parallel_loop3A_311] {strides = array<i32>} : memref<64x64xi32, #tpu.memory_space<vmem>>, vector<1x16xi32>,
        %parallel_loop3A_313 = vector.shape_cast %parallel_loop3A_312 : vector<1x16xi32> to vector<16xi32>
        %parallel_loop3A_314 = vector.shape_cast %parallel_loop3A_309 : vector<16xi32> to vector<1x16xi32>
        tpu.vector_store %arg15[%parallel_loop3A_310, %parallel_loop3A_311], %parallel_loop3A_314 {strides = array<i32>} : memref<64x64xi32, #tpu.memory_space<vmem>>, vector<1x16xi32>,
      } {sc.loop_unroll_factor = 2 : i64, sc.parallel_access}
      %add3A_83 = arith.addi %add3A_4, %add3A_56 : i32
      %dma_start3A_84 = arith.constant 0 : i32
      %dma_start3A_85 = arith.constant 0 : i32
      %dma_start3A_86 = tpu.memref_slice %arg6[%add3A_83, %dma_start3A_84, %dma_start3A_85] : memref<5000x64x64xi32, #tpu.memory_space<hbm>> -> memref<1x64x64xi32, #tpu.memory_space<hbm>>
      %dma_start3A_87 = tpu.memref_squeeze %dma_start3A_86 : memref<1x64x64xi32, #tpu.memory_space<hbm>> -> memref<64x64xi32, #tpu.memory_space<hbm>>
      %dma_start3A_88 = arith.constant 0 : i32
      %dma_start3A_89 = arith.constant 0 : i32
      %dma_start3A_90 = tpu.memref_slice %arg6[%add3A_83, %dma_start3A_88, %dma_start3A_89] : memref<5000x64x64xi32, #tpu.memory_space<hbm>> -> memref<1x64x64xi32, #tpu.memory_space<hbm>>
      %dma_start3A_91 = tpu.memref_squeeze %dma_start3A_90 : memref<1x64x64xi32, #tpu.memory_space<hbm>> -> memref<64x64xi32, #tpu.memory_space<hbm>>
      tpu.enqueue_dma source(%arg15 : memref<64x64xi32, #tpu.memory_space<vmem>>) target(%dma_start3A_91 : memref<64x64xi32, #tpu.memory_space<hbm>>) target_semaphore(%arg21 : memref<!tpu.dma_semaphore, #tpu.memory_space<semaphore_mem>>)
      %mul3A_92 = arith.constant 3 : i32
      %mul3A_93 = arith.muli %mul3A_92, %scan3A_52 : i32
      %add3A_94 = arith.constant 1 : i32
      %add3A_95 = arith.addi %mul3A_93, %add3A_94 : i32
      %add3A_96 = arith.constant 1 : i32
      %add3A_97 = arith.addi %add3A_95, %add3A_96 : i32
      %lt3A_98 = arith.constant 156 : i32
      %lt3A_99 = arith.cmpi slt, %add3A_97, %lt3A_98 : i32
      %convert_element_type3A_100 = arith.extui %lt3A_99 : i1 to i32
      %cond3A_101 = arith.constant 0 : i32
      %cond3A_102 = arith.cmpi ne, %convert_element_type3A_100, %cond3A_101 : i32
      scf.if %cond3A_102 {
        %add3A_174 = arith.addi %add3A_97, %sub3A : i32
        %mul3A_175 = arith.constant 64 : i32
        %mul3A_176 = arith.muli %add3A_174, %mul3A_175 : i32
        %dma_start3A_177 = tpu.memref_slice %arg7[%mul3A_176] : memref<10048xi32, #tpu.memory_space<vmem>> -> memref<64xi32, #tpu.memory_space<vmem>>
        %dma_start3A_178 = arith.constant 0 : i32
        %dma_start3A_179 = arith.constant 0 : i32
        %dma_start3A_180 = tpu.memref_slice %arg2[%dma_start3A_178, %dma_start3A_179] : memref<10000x128xf32, #tpu.memory_space<hbm>> -> memref<10000x128xf32, #tpu.memory_space<hbm>>
        tpu.enqueue_indirect_dma source(%dma_start3A_180 : memref<10000x128xf32, #tpu.memory_space<hbm>>) target(%arg11 : memref<64x128xf32, #tpu.memory_space<vmem>>) offsets(%dma_start3A_177 : memref<64xi32, #tpu.memory_space<vmem>>) semaphore(%arg20 : memref<!tpu.dma_semaphore, #tpu.memory_space<semaphore_mem>>)
        %dma_start3A_181 = tpu.memref_slice %arg8[%mul3A_176] : memref<10048xi32, #tpu.memory_space<vmem>> -> memref<64xi32, #tpu.memory_space<vmem>>
        %dma_start3A_182 = arith.constant 0 : i32
        %dma_start3A_183 = arith.constant 0 : i32
        %dma_start3A_184 = tpu.memref_slice %arg3[%dma_start3A_182, %dma_start3A_183] : memref<10000x128xf32, #tpu.memory_space<hbm>> -> memref<10000x128xf32, #tpu.memory_space<hbm>>
        tpu.enqueue_indirect_dma source(%dma_start3A_184 : memref<10000x128xf32, #tpu.memory_space<hbm>>) target(%arg14 : memref<64x128xf32, #tpu.memory_space<vmem>>) offsets(%dma_start3A_181 : memref<64xi32, #tpu.memory_space<vmem>>) semaphore(%arg20 : memref<!tpu.dma_semaphore, #tpu.memory_space<semaphore_mem>>)
      } else {
      }
      %add3A_103 = arith.addi %add3A_95, %sub3A : i32
      %mul3A_104 = arith.constant 64 : i32
      %mul3A_105 = arith.muli %add3A_103, %mul3A_104 : i32
      %dma_wait3A_106 = tpu.memref_slice %arg7[%mul3A_105] : memref<10048xi32, #tpu.memory_space<vmem>> -> memref<64xi32, #tpu.memory_space<vmem>>
      %dma_wait3A_107 = arith.constant 0 : i32
      %dma_wait3A_108 = arith.constant 0 : i32
      %dma_wait3A_109 = tpu.memref_slice %arg2[%dma_wait3A_107, %dma_wait3A_108] : memref<10000x128xf32, #tpu.memory_space<hbm>> -> memref<10000x128xf32, #tpu.memory_space<hbm>>
      tpu.wait_indirect_dma semaphore(%arg19 : memref<!tpu.dma_semaphore, #tpu.memory_space<semaphore_mem>>) src(%dma_wait3A_109 : memref<10000x128xf32, #tpu.memory_space<hbm>>) dst(%arg10 : memref<64x128xf32, #tpu.memory_space<vmem>>)
      %dma_wait3A_110 = tpu.memref_slice %arg8[%mul3A_105] : memref<10048xi32, #tpu.memory_space<vmem>> -> memref<64xi32, #tpu.memory_space<vmem>>
      %dma_wait3A_111 = arith.constant 0 : i32
      %dma_wait3A_112 = arith.constant 0 : i32
      %dma_wait3A_113 = tpu.memref_slice %arg3[%dma_wait3A_111, %dma_wait3A_112] : memref<10000x128xf32, #tpu.memory_space<hbm>> -> memref<10000x128xf32, #tpu.memory_space<hbm>>
      tpu.wait_indirect_dma semaphore(%arg19 : memref<!tpu.dma_semaphore, #tpu.memory_space<semaphore_mem>>) src(%dma_wait3A_113 : memref<10000x128xf32, #tpu.memory_space<hbm>>) dst(%arg13 : memref<64x128xf32, #tpu.memory_space<vmem>>)
      %ge3A_114 = arith.constant 3 : i32
      %ge3A_115 = arith.cmpi sge, %add3A_95, %ge3A_114 : i32
      %convert_element_type3A_116 = arith.extui %ge3A_115 : i1 to i32
      %cond3A_117 = arith.constant 0 : i32
      %cond3A_118 = arith.cmpi ne, %convert_element_type3A_116, %cond3A_117 : i32
      scf.if %cond3A_118 {
        %dma_wait3A_174 = arith.constant 0 : i32
        %dma_wait3A_175 = arith.constant 0 : i32
        %dma_wait3A_176 = tpu.memref_slice %arg6[%add3A_4, %dma_wait3A_174, %dma_wait3A_175] : memref<5000x64x64xi32, #tpu.memory_space<hbm>> -> memref<1x64x64xi32, #tpu.memory_space<hbm>>
        %dma_wait3A_177 = tpu.memref_squeeze %dma_wait3A_176 : memref<1x64x64xi32, #tpu.memory_space<hbm>> -> memref<64x64xi32, #tpu.memory_space<hbm>>
        %dma_wait3A_178 = arith.constant 0 : i32
        %dma_wait3A_179 = arith.constant 0 : i32
        %dma_wait3A_180 = tpu.memref_slice %arg6[%add3A_4, %dma_wait3A_178, %dma_wait3A_179] : memref<5000x64x64xi32, #tpu.memory_space<hbm>> -> memref<1x64x64xi32, #tpu.memory_space<hbm>>
        %dma_wait3A_181 = tpu.memref_squeeze %dma_wait3A_180 : memref<1x64x64xi32, #tpu.memory_space<hbm>> -> memref<64x64xi32, #tpu.memory_space<hbm>>
        tpu.wait_dma2 semaphore(%arg22 : memref<!tpu.dma_semaphore, #tpu.memory_space<semaphore_mem>>) src(%arg16 : memref<64x64xi32, #tpu.memory_space<vmem>>) dst(%dma_wait3A_181 : memref<64x64xi32, #tpu.memory_space<hbm>>)
      } else {
      }
      %parallel_loop3A_119 = arith.constant 0 : i32
      %parallel_loop3A_120 = arith.constant 64 : i32
      %parallel_loop3A_121 = arith.constant 1 : i32
      %parallel_loop3A_122 = arith.constant 32768 : i32
      %parallel_loop3A_123 = arith.constant -65536 : i32
      scf.for %parallel_loop3A_174 = %parallel_loop3A_119 to %parallel_loop3A_120 step %parallel_loop3A_121  : i32 {
        %parallel_loop3A_175 = arith.index_cast %parallel_loop3A_174 : i32 to index
        %parallel_loop3A_176 = arith.constant 0 : index
        %parallel_loop3A_177 = tpu.vector_load %arg10[%parallel_loop3A_175, %parallel_loop3A_176] {strides = array<i32>} : memref<64x128xf32, #tpu.memory_space<vmem>>, vector<1x16xf32>,
        %parallel_loop3A_178 = vector.shape_cast %parallel_loop3A_177 : vector<1x16xf32> to vector<16xf32>
        %parallel_loop3A_179 = arith.index_cast %parallel_loop3A_174 : i32 to index
        %parallel_loop3A_180 = arith.constant 0 : index
        %parallel_loop3A_181 = tpu.vector_load %arg13[%parallel_loop3A_179, %parallel_loop3A_180] {strides = array<i32>} : memref<64x128xf32, #tpu.memory_space<vmem>>, vector<1x16xf32>,
        %parallel_loop3A_182 = vector.shape_cast %parallel_loop3A_181 : vector<1x16xf32> to vector<16xf32>
        %parallel_loop3A_183 = arith.addf %parallel_loop3A_178, %parallel_loop3A_182 : vector<16xf32>
        %parallel_loop3A_184 = arith.index_cast %parallel_loop3A_174 : i32 to index
        %parallel_loop3A_185 = arith.constant 16 : index
        %parallel_loop3A_186 = tpu.vector_load %arg10[%parallel_loop3A_184, %parallel_loop3A_185] {strides = array<i32>} : memref<64x128xf32, #tpu.memory_space<vmem>>, vector<1x16xf32>,
        %parallel_loop3A_187 = vector.shape_cast %parallel_loop3A_186 : vector<1x16xf32> to vector<16xf32>
        %parallel_loop3A_188 = arith.index_cast %parallel_loop3A_174 : i32 to index
        %parallel_loop3A_189 = arith.constant 16 : index
        %parallel_loop3A_190 = tpu.vector_load %arg13[%parallel_loop3A_188, %parallel_loop3A_189] {strides = array<i32>} : memref<64x128xf32, #tpu.memory_space<vmem>>, vector<1x16xf32>,
        %parallel_loop3A_191 = vector.shape_cast %parallel_loop3A_190 : vector<1x16xf32> to vector<16xf32>
        %parallel_loop3A_192 = arith.addf %parallel_loop3A_187, %parallel_loop3A_191 : vector<16xf32>
        %parallel_loop3A_193 = tpu.bitcast %parallel_loop3A_183 : vector<16xf32> -> vector<16xi32>
        %parallel_loop3A_194 = tpu.bitcast %parallel_loop3A_192 : vector<16xf32> -> vector<16xi32>
        %parallel_loop3A_195 = vector.broadcast %parallel_loop3A_122 : i32 to vector<16xi32>
        %parallel_loop3A_196 = arith.addi %parallel_loop3A_193, %parallel_loop3A_195 : vector<16xi32>
        %parallel_loop3A_197 = arith.constant 16 : i32
        %parallel_loop3A_198 = vector.broadcast %parallel_loop3A_197 : i32 to vector<16xi32>
        %parallel_loop3A_199 = arith.shrui %parallel_loop3A_196, %parallel_loop3A_198 : vector<16xi32>
        %parallel_loop3A_200 = vector.broadcast %parallel_loop3A_122 : i32 to vector<16xi32>
        %parallel_loop3A_201 = arith.addi %parallel_loop3A_194, %parallel_loop3A_200 : vector<16xi32>
        %parallel_loop3A_202 = vector.broadcast %parallel_loop3A_123 : i32 to vector<16xi32>
        %parallel_loop3A_203 = arith.andi %parallel_loop3A_201, %parallel_loop3A_202 : vector<16xi32>
        %parallel_loop3A_204 = arith.ori %parallel_loop3A_199, %parallel_loop3A_203 : vector<16xi32>
        %parallel_loop3A_205 = arith.index_cast %parallel_loop3A_174 : i32 to index
        %parallel_loop3A_206 = arith.constant 0 : index
        %parallel_loop3A_207 = tpu.vector_load %arg16[%parallel_loop3A_205, %parallel_loop3A_206] {strides = array<i32>} : memref<64x64xi32, #tpu.memory_space<vmem>>, vector<1x16xi32>,
        %parallel_loop3A_208 = vector.shape_cast %parallel_loop3A_207 : vector<1x16xi32> to vector<16xi32>
        %parallel_loop3A_209 = vector.shape_cast %parallel_loop3A_204 : vector<16xi32> to vector<1x16xi32>
        tpu.vector_store %arg16[%parallel_loop3A_205, %parallel_loop3A_206], %parallel_loop3A_209 {strides = array<i32>} : memref<64x64xi32, #tpu.memory_space<vmem>>, vector<1x16xi32>,
        %parallel_loop3A_210 = arith.index_cast %parallel_loop3A_174 : i32 to index
        %parallel_loop3A_211 = arith.constant 32 : index
        %parallel_loop3A_212 = tpu.vector_load %arg10[%parallel_loop3A_210, %parallel_loop3A_211] {strides = array<i32>} : memref<64x128xf32, #tpu.memory_space<vmem>>, vector<1x16xf32>,
        %parallel_loop3A_213 = vector.shape_cast %parallel_loop3A_212 : vector<1x16xf32> to vector<16xf32>
        %parallel_loop3A_214 = arith.index_cast %parallel_loop3A_174 : i32 to index
        %parallel_loop3A_215 = arith.constant 32 : index
        %parallel_loop3A_216 = tpu.vector_load %arg13[%parallel_loop3A_214, %parallel_loop3A_215] {strides = array<i32>} : memref<64x128xf32, #tpu.memory_space<vmem>>, vector<1x16xf32>,
        %parallel_loop3A_217 = vector.shape_cast %parallel_loop3A_216 : vector<1x16xf32> to vector<16xf32>
        %parallel_loop3A_218 = arith.addf %parallel_loop3A_213, %parallel_loop3A_217 : vector<16xf32>
        %parallel_loop3A_219 = arith.index_cast %parallel_loop3A_174 : i32 to index
        %parallel_loop3A_220 = arith.constant 48 : index
        %parallel_loop3A_221 = tpu.vector_load %arg10[%parallel_loop3A_219, %parallel_loop3A_220] {strides = array<i32>} : memref<64x128xf32, #tpu.memory_space<vmem>>, vector<1x16xf32>,
        %parallel_loop3A_222 = vector.shape_cast %parallel_loop3A_221 : vector<1x16xf32> to vector<16xf32>
        %parallel_loop3A_223 = arith.index_cast %parallel_loop3A_174 : i32 to index
        %parallel_loop3A_224 = arith.constant 48 : index
        %parallel_loop3A_225 = tpu.vector_load %arg13[%parallel_loop3A_223, %parallel_loop3A_224] {strides = array<i32>} : memref<64x128xf32, #tpu.memory_space<vmem>>, vector<1x16xf32>,
        %parallel_loop3A_226 = vector.shape_cast %parallel_loop3A_225 : vector<1x16xf32> to vector<16xf32>
        %parallel_loop3A_227 = arith.addf %parallel_loop3A_222, %parallel_loop3A_226 : vector<16xf32>
        %parallel_loop3A_228 = tpu.bitcast %parallel_loop3A_218 : vector<16xf32> -> vector<16xi32>
        %parallel_loop3A_229 = tpu.bitcast %parallel_loop3A_227 : vector<16xf32> -> vector<16xi32>
        %parallel_loop3A_230 = vector.broadcast %parallel_loop3A_122 : i32 to vector<16xi32>
        %parallel_loop3A_231 = arith.addi %parallel_loop3A_228, %parallel_loop3A_230 : vector<16xi32>
        %parallel_loop3A_232 = arith.constant 16 : i32
        %parallel_loop3A_233 = vector.broadcast %parallel_loop3A_232 : i32 to vector<16xi32>
        %parallel_loop3A_234 = arith.shrui %parallel_loop3A_231, %parallel_loop3A_233 : vector<16xi32>
        %parallel_loop3A_235 = vector.broadcast %parallel_loop3A_122 : i32 to vector<16xi32>
        %parallel_loop3A_236 = arith.addi %parallel_loop3A_229, %parallel_loop3A_235 : vector<16xi32>
        %parallel_loop3A_237 = vector.broadcast %parallel_loop3A_123 : i32 to vector<16xi32>
        %parallel_loop3A_238 = arith.andi %parallel_loop3A_236, %parallel_loop3A_237 : vector<16xi32>
        %parallel_loop3A_239 = arith.ori %parallel_loop3A_234, %parallel_loop3A_238 : vector<16xi32>
        %parallel_loop3A_240 = arith.index_cast %parallel_loop3A_174 : i32 to index
        %parallel_loop3A_241 = arith.constant 16 : index
        %parallel_loop3A_242 = tpu.vector_load %arg16[%parallel_loop3A_240, %parallel_loop3A_241] {strides = array<i32>} : memref<64x64xi32, #tpu.memory_space<vmem>>, vector<1x16xi32>,
        %parallel_loop3A_243 = vector.shape_cast %parallel_loop3A_242 : vector<1x16xi32> to vector<16xi32>
        %parallel_loop3A_244 = vector.shape_cast %parallel_loop3A_239 : vector<16xi32> to vector<1x16xi32>
        tpu.vector_store %arg16[%parallel_loop3A_240, %parallel_loop3A_241], %parallel_loop3A_244 {strides = array<i32>} : memref<64x64xi32, #tpu.memory_space<vmem>>, vector<1x16xi32>,
        %parallel_loop3A_245 = arith.index_cast %parallel_loop3A_174 : i32 to index
        %parallel_loop3A_246 = arith.constant 64 : index
        %parallel_loop3A_247 = tpu.vector_load %arg10[%parallel_loop3A_245, %parallel_loop3A_246] {strides = array<i32>} : memref<64x128xf32, #tpu.memory_space<vmem>>, vector<1x16xf32>,
        %parallel_loop3A_248 = vector.shape_cast %parallel_loop3A_247 : vector<1x16xf32> to vector<16xf32>
        %parallel_loop3A_249 = arith.index_cast %parallel_loop3A_174 : i32 to index
        %parallel_loop3A_250 = arith.constant 64 : index
        %parallel_loop3A_251 = tpu.vector_load %arg13[%parallel_loop3A_249, %parallel_loop3A_250] {strides = array<i32>} : memref<64x128xf32, #tpu.memory_space<vmem>>, vector<1x16xf32>,
        %parallel_loop3A_252 = vector.shape_cast %parallel_loop3A_251 : vector<1x16xf32> to vector<16xf32>
        %parallel_loop3A_253 = arith.addf %parallel_loop3A_248, %parallel_loop3A_252 : vector<16xf32>
        %parallel_loop3A_254 = arith.index_cast %parallel_loop3A_174 : i32 to index
        %parallel_loop3A_255 = arith.constant 80 : index
        %parallel_loop3A_256 = tpu.vector_load %arg10[%parallel_loop3A_254, %parallel_loop3A_255] {strides = array<i32>} : memref<64x128xf32, #tpu.memory_space<vmem>>, vector<1x16xf32>,
        %parallel_loop3A_257 = vector.shape_cast %parallel_loop3A_256 : vector<1x16xf32> to vector<16xf32>
        %parallel_loop3A_258 = arith.index_cast %parallel_loop3A_174 : i32 to index
        %parallel_loop3A_259 = arith.constant 80 : index
        %parallel_loop3A_260 = tpu.vector_load %arg13[%parallel_loop3A_258, %parallel_loop3A_259] {strides = array<i32>} : memref<64x128xf32, #tpu.memory_space<vmem>>, vector<1x16xf32>,
        %parallel_loop3A_261 = vector.shape_cast %parallel_loop3A_260 : vector<1x16xf32> to vector<16xf32>
        %parallel_loop3A_262 = arith.addf %parallel_loop3A_257, %parallel_loop3A_261 : vector<16xf32>
        %parallel_loop3A_263 = tpu.bitcast %parallel_loop3A_253 : vector<16xf32> -> vector<16xi32>
        %parallel_loop3A_264 = tpu.bitcast %parallel_loop3A_262 : vector<16xf32> -> vector<16xi32>
        %parallel_loop3A_265 = vector.broadcast %parallel_loop3A_122 : i32 to vector<16xi32>
        %parallel_loop3A_266 = arith.addi %parallel_loop3A_263, %parallel_loop3A_265 : vector<16xi32>
        %parallel_loop3A_267 = arith.constant 16 : i32
        %parallel_loop3A_268 = vector.broadcast %parallel_loop3A_267 : i32 to vector<16xi32>
        %parallel_loop3A_269 = arith.shrui %parallel_loop3A_266, %parallel_loop3A_268 : vector<16xi32>
        %parallel_loop3A_270 = vector.broadcast %parallel_loop3A_122 : i32 to vector<16xi32>
        %parallel_loop3A_271 = arith.addi %parallel_loop3A_264, %parallel_loop3A_270 : vector<16xi32>
        %parallel_loop3A_272 = vector.broadcast %parallel_loop3A_123 : i32 to vector<16xi32>
        %parallel_loop3A_273 = arith.andi %parallel_loop3A_271, %parallel_loop3A_272 : vector<16xi32>
        %parallel_loop3A_274 = arith.ori %parallel_loop3A_269, %parallel_loop3A_273 : vector<16xi32>
        %parallel_loop3A_275 = arith.index_cast %parallel_loop3A_174 : i32 to index
        %parallel_loop3A_276 = arith.constant 32 : index
        %parallel_loop3A_277 = tpu.vector_load %arg16[%parallel_loop3A_275, %parallel_loop3A_276] {strides = array<i32>} : memref<64x64xi32, #tpu.memory_space<vmem>>, vector<1x16xi32>,
        %parallel_loop3A_278 = vector.shape_cast %parallel_loop3A_277 : vector<1x16xi32> to vector<16xi32>
        %parallel_loop3A_279 = vector.shape_cast %parallel_loop3A_274 : vector<16xi32> to vector<1x16xi32>
        tpu.vector_store %arg16[%parallel_loop3A_275, %parallel_loop3A_276], %parallel_loop3A_279 {strides = array<i32>} : memref<64x64xi32, #tpu.memory_space<vmem>>, vector<1x16xi32>,
        %parallel_loop3A_280 = arith.index_cast %parallel_loop3A_174 : i32 to index
        %parallel_loop3A_281 = arith.constant 96 : index
        %parallel_loop3A_282 = tpu.vector_load %arg10[%parallel_loop3A_280, %parallel_loop3A_281] {strides = array<i32>} : memref<64x128xf32, #tpu.memory_space<vmem>>, vector<1x16xf32>,
        %parallel_loop3A_283 = vector.shape_cast %parallel_loop3A_282 : vector<1x16xf32> to vector<16xf32>
        %parallel_loop3A_284 = arith.index_cast %parallel_loop3A_174 : i32 to index
        %parallel_loop3A_285 = arith.constant 96 : index
        %parallel_loop3A_286 = tpu.vector_load %arg13[%parallel_loop3A_284, %parallel_loop3A_285] {strides = array<i32>} : memref<64x128xf32, #tpu.memory_space<vmem>>, vector<1x16xf32>,
        %parallel_loop3A_287 = vector.shape_cast %parallel_loop3A_286 : vector<1x16xf32> to vector<16xf32>
        %parallel_loop3A_288 = arith.addf %parallel_loop3A_283, %parallel_loop3A_287 : vector<16xf32>
        %parallel_loop3A_289 = arith.index_cast %parallel_loop3A_174 : i32 to index
        %parallel_loop3A_290 = arith.constant 112 : index
        %parallel_loop3A_291 = tpu.vector_load %arg10[%parallel_loop3A_289, %parallel_loop3A_290] {strides = array<i32>} : memref<64x128xf32, #tpu.memory_space<vmem>>, vector<1x16xf32>,
        %parallel_loop3A_292 = vector.shape_cast %parallel_loop3A_291 : vector<1x16xf32> to vector<16xf32>
        %parallel_loop3A_293 = arith.index_cast %parallel_loop3A_174 : i32 to index
        %parallel_loop3A_294 = arith.constant 112 : index
        %parallel_loop3A_295 = tpu.vector_load %arg13[%parallel_loop3A_293, %parallel_loop3A_294] {strides = array<i32>} : memref<64x128xf32, #tpu.memory_space<vmem>>, vector<1x16xf32>,
        %parallel_loop3A_296 = vector.shape_cast %parallel_loop3A_295 : vector<1x16xf32> to vector<16xf32>
        %parallel_loop3A_297 = arith.addf %parallel_loop3A_292, %parallel_loop3A_296 : vector<16xf32>
        %parallel_loop3A_298 = tpu.bitcast %parallel_loop3A_288 : vector<16xf32> -> vector<16xi32>
        %parallel_loop3A_299 = tpu.bitcast %parallel_loop3A_297 : vector<16xf32> -> vector<16xi32>
        %parallel_loop3A_300 = vector.broadcast %parallel_loop3A_122 : i32 to vector<16xi32>
        %parallel_loop3A_301 = arith.addi %parallel_loop3A_298, %parallel_loop3A_300 : vector<16xi32>
        %parallel_loop3A_302 = arith.constant 16 : i32
        %parallel_loop3A_303 = vector.broadcast %parallel_loop3A_302 : i32 to vector<16xi32>
        %parallel_loop3A_304 = arith.shrui %parallel_loop3A_301, %parallel_loop3A_303 : vector<16xi32>
        %parallel_loop3A_305 = vector.broadcast %parallel_loop3A_122 : i32 to vector<16xi32>
        %parallel_loop3A_306 = arith.addi %parallel_loop3A_299, %parallel_loop3A_305 : vector<16xi32>
        %parallel_loop3A_307 = vector.broadcast %parallel_loop3A_123 : i32 to vector<16xi32>
        %parallel_loop3A_308 = arith.andi %parallel_loop3A_306, %parallel_loop3A_307 : vector<16xi32>
        %parallel_loop3A_309 = arith.ori %parallel_loop3A_304, %parallel_loop3A_308 : vector<16xi32>
        %parallel_loop3A_310 = arith.index_cast %parallel_loop3A_174 : i32 to index
        %parallel_loop3A_311 = arith.constant 48 : index
        %parallel_loop3A_312 = tpu.vector_load %arg16[%parallel_loop3A_310, %parallel_loop3A_311] {strides = array<i32>} : memref<64x64xi32, #tpu.memory_space<vmem>>, vector<1x16xi32>,
        %parallel_loop3A_313 = vector.shape_cast %parallel_loop3A_312 : vector<1x16xi32> to vector<16xi32>
        %parallel_loop3A_314 = vector.shape_cast %parallel_loop3A_309 : vector<16xi32> to vector<1x16xi32>
        tpu.vector_store %arg16[%parallel_loop3A_310, %parallel_loop3A_311], %parallel_loop3A_314 {strides = array<i32>} : memref<64x64xi32, #tpu.memory_space<vmem>>, vector<1x16xi32>,
      } {sc.loop_unroll_factor = 2 : i64, sc.parallel_access}
      %add3A_124 = arith.addi %add3A_4, %add3A_95 : i32
      %dma_start3A_125 = arith.constant 0 : i32
      %dma_start3A_126 = arith.constant 0 : i32
      %dma_start3A_127 = tpu.memref_slice %arg6[%add3A_124, %dma_start3A_125, %dma_start3A_126] : memref<5000x64x64xi32, #tpu.memory_space<hbm>> -> memref<1x64x64xi32, #tpu.memory_space<hbm>>
      %dma_start3A_128 = tpu.memref_squeeze %dma_start3A_127 : memref<1x64x64xi32, #tpu.memory_space<hbm>> -> memref<64x64xi32, #tpu.memory_space<hbm>>
      %dma_start3A_129 = arith.constant 0 : i32
      %dma_start3A_130 = arith.constant 0 : i32
      %dma_start3A_131 = tpu.memref_slice %arg6[%add3A_124, %dma_start3A_129, %dma_start3A_130] : memref<5000x64x64xi32, #tpu.memory_space<hbm>> -> memref<1x64x64xi32, #tpu.memory_space<hbm>>
      %dma_start3A_132 = tpu.memref_squeeze %dma_start3A_131 : memref<1x64x64xi32, #tpu.memory_space<hbm>> -> memref<64x64xi32, #tpu.memory_space<hbm>>
      tpu.enqueue_dma source(%arg16 : memref<64x64xi32, #tpu.memory_space<vmem>>) target(%dma_start3A_132 : memref<64x64xi32, #tpu.memory_space<hbm>>) target_semaphore(%arg22 : memref<!tpu.dma_semaphore, #tpu.memory_space<semaphore_mem>>)
      %mul3A_133 = arith.constant 3 : i32
      %mul3A_134 = arith.muli %mul3A_133, %scan3A_52 : i32
      %add3A_135 = arith.constant 2 : i32
      %add3A_136 = arith.addi %mul3A_134, %add3A_135 : i32
      %add3A_137 = arith.constant 1 : i32
      %add3A_138 = arith.addi %add3A_136, %add3A_137 : i32
      %lt3A_139 = arith.constant 156 : i32
      %lt3A_140 = arith.cmpi slt, %add3A_138, %lt3A_139 : i32
      %convert_element_type3A_141 = arith.extui %lt3A_140 : i1 to i32
      %cond3A_142 = arith.constant 0 : i32
      %cond3A_143 = arith.cmpi ne, %convert_element_type3A_141, %cond3A_142 : i32
      scf.if %cond3A_143 {
        %add3A_174 = arith.addi %add3A_138, %sub3A : i32
        %mul3A_175 = arith.constant 64 : i32
        %mul3A_176 = arith.muli %add3A_174, %mul3A_175 : i32
        %dma_start3A_177 = tpu.memref_slice %arg7[%mul3A_176] : memref<10048xi32, #tpu.memory_space<vmem>> -> memref<64xi32, #tpu.memory_space<vmem>>
        %dma_start3A_178 = arith.constant 0 : i32
        %dma_start3A_179 = arith.constant 0 : i32
        %dma_start3A_180 = tpu.memref_slice %arg2[%dma_start3A_178, %dma_start3A_179] : memref<10000x128xf32, #tpu.memory_space<hbm>> -> memref<10000x128xf32, #tpu.memory_space<hbm>>
        tpu.enqueue_indirect_dma source(%dma_start3A_180 : memref<10000x128xf32, #tpu.memory_space<hbm>>) target(%arg9 : memref<64x128xf32, #tpu.memory_space<vmem>>) offsets(%dma_start3A_177 : memref<64xi32, #tpu.memory_space<vmem>>) semaphore(%arg18 : memref<!tpu.dma_semaphore, #tpu.memory_space<semaphore_mem>>)
        %dma_start3A_181 = tpu.memref_slice %arg8[%mul3A_176] : memref<10048xi32, #tpu.memory_space<vmem>> -> memref<64xi32, #tpu.memory_space<vmem>>
        %dma_start3A_182 = arith.constant 0 : i32
        %dma_start3A_183 = arith.constant 0 : i32
        %dma_start3A_184 = tpu.memref_slice %arg3[%dma_start3A_182, %dma_start3A_183] : memref<10000x128xf32, #tpu.memory_space<hbm>> -> memref<10000x128xf32, #tpu.memory_space<hbm>>
        tpu.enqueue_indirect_dma source(%dma_start3A_184 : memref<10000x128xf32, #tpu.memory_space<hbm>>) target(%arg12 : memref<64x128xf32, #tpu.memory_space<vmem>>) offsets(%dma_start3A_181 : memref<64xi32, #tpu.memory_space<vmem>>) semaphore(%arg18 : memref<!tpu.dma_semaphore, #tpu.memory_space<semaphore_mem>>)
      } else {
      }
      %add3A_144 = arith.addi %add3A_136, %sub3A : i32
      %mul3A_145 = arith.constant 64 : i32
      %mul3A_146 = arith.muli %add3A_144, %mul3A_145 : i32
      %dma_wait3A_147 = tpu.memref_slice %arg7[%mul3A_146] : memref<10048xi32, #tpu.memory_space<vmem>> -> memref<64xi32, #tpu.memory_space<vmem>>
      %dma_wait3A_148 = arith.constant 0 : i32
      %dma_wait3A_149 = arith.constant 0 : i32
      %dma_wait3A_150 = tpu.memref_slice %arg2[%dma_wait3A_148, %dma_wait3A_149] : memref<10000x128xf32, #tpu.memory_space<hbm>> -> memref<10000x128xf32, #tpu.memory_space<hbm>>
      tpu.wait_indirect_dma semaphore(%arg20 : memref<!tpu.dma_semaphore, #tpu.memory_space<semaphore_mem>>) src(%dma_wait3A_150 : memref<10000x128xf32, #tpu.memory_space<hbm>>) dst(%arg11 : memref<64x128xf32, #tpu.memory_space<vmem>>)
      %dma_wait3A_151 = tpu.memref_slice %arg8[%mul3A_146] : memref<10048xi32, #tpu.memory_space<vmem>> -> memref<64xi32, #tpu.memory_space<vmem>>
      %dma_wait3A_152 = arith.constant 0 : i32
      %dma_wait3A_153 = arith.constant 0 : i32
      %dma_wait3A_154 = tpu.memref_slice %arg3[%dma_wait3A_152, %dma_wait3A_153] : memref<10000x128xf32, #tpu.memory_space<hbm>> -> memref<10000x128xf32, #tpu.memory_space<hbm>>
      tpu.wait_indirect_dma semaphore(%arg20 : memref<!tpu.dma_semaphore, #tpu.memory_space<semaphore_mem>>) src(%dma_wait3A_154 : memref<10000x128xf32, #tpu.memory_space<hbm>>) dst(%arg14 : memref<64x128xf32, #tpu.memory_space<vmem>>)
      %ge3A_155 = arith.constant 3 : i32
      %ge3A_156 = arith.cmpi sge, %add3A_136, %ge3A_155 : i32
      %convert_element_type3A_157 = arith.extui %ge3A_156 : i1 to i32
      %cond3A_158 = arith.constant 0 : i32
      %cond3A_159 = arith.cmpi ne, %convert_element_type3A_157, %cond3A_158 : i32
      scf.if %cond3A_159 {
        %dma_wait3A_174 = arith.constant 0 : i32
        %dma_wait3A_175 = arith.constant 0 : i32
        %dma_wait3A_176 = tpu.memref_slice %arg6[%add3A_4, %dma_wait3A_174, %dma_wait3A_175] : memref<5000x64x64xi32, #tpu.memory_space<hbm>> -> memref<1x64x64xi32, #tpu.memory_space<hbm>>
        %dma_wait3A_177 = tpu.memref_squeeze %dma_wait3A_176 : memref<1x64x64xi32, #tpu.memory_space<hbm>> -> memref<64x64xi32, #tpu.memory_space<hbm>>
        %dma_wait3A_178 = arith.constant 0 : i32
        %dma_wait3A_179 = arith.constant 0 : i32
        %dma_wait3A_180 = tpu.memref_slice %arg6[%add3A_4, %dma_wait3A_178, %dma_wait3A_179] : memref<5000x64x64xi32, #tpu.memory_space<hbm>> -> memref<1x64x64xi32, #tpu.memory_space<hbm>>
        %dma_wait3A_181 = tpu.memref_squeeze %dma_wait3A_180 : memref<1x64x64xi32, #tpu.memory_space<hbm>> -> memref<64x64xi32, #tpu.memory_space<hbm>>
        tpu.wait_dma2 semaphore(%arg23 : memref<!tpu.dma_semaphore, #tpu.memory_space<semaphore_mem>>) src(%arg17 : memref<64x64xi32, #tpu.memory_space<vmem>>) dst(%dma_wait3A_181 : memref<64x64xi32, #tpu.memory_space<hbm>>)
      } else {
      }
      %parallel_loop3A_160 = arith.constant 0 : i32
      %parallel_loop3A_161 = arith.constant 64 : i32
      %parallel_loop3A_162 = arith.constant 1 : i32
      %parallel_loop3A_163 = arith.constant 32768 : i32
      %parallel_loop3A_164 = arith.constant -65536 : i32
      scf.for %parallel_loop3A_174 = %parallel_loop3A_160 to %parallel_loop3A_161 step %parallel_loop3A_162  : i32 {
        %parallel_loop3A_175 = arith.index_cast %parallel_loop3A_174 : i32 to index
        %parallel_loop3A_176 = arith.constant 0 : index
        %parallel_loop3A_177 = tpu.vector_load %arg11[%parallel_loop3A_175, %parallel_loop3A_176] {strides = array<i32>} : memref<64x128xf32, #tpu.memory_space<vmem>>, vector<1x16xf32>,
        %parallel_loop3A_178 = vector.shape_cast %parallel_loop3A_177 : vector<1x16xf32> to vector<16xf32>
        %parallel_loop3A_179 = arith.index_cast %parallel_loop3A_174 : i32 to index
        %parallel_loop3A_180 = arith.constant 0 : index
        %parallel_loop3A_181 = tpu.vector_load %arg14[%parallel_loop3A_179, %parallel_loop3A_180] {strides = array<i32>} : memref<64x128xf32, #tpu.memory_space<vmem>>, vector<1x16xf32>,
        %parallel_loop3A_182 = vector.shape_cast %parallel_loop3A_181 : vector<1x16xf32> to vector<16xf32>
        %parallel_loop3A_183 = arith.addf %parallel_loop3A_178, %parallel_loop3A_182 : vector<16xf32>
        %parallel_loop3A_184 = arith.index_cast %parallel_loop3A_174 : i32 to index
        %parallel_loop3A_185 = arith.constant 16 : index
        %parallel_loop3A_186 = tpu.vector_load %arg11[%parallel_loop3A_184, %parallel_loop3A_185] {strides = array<i32>} : memref<64x128xf32, #tpu.memory_space<vmem>>, vector<1x16xf32>,
        %parallel_loop3A_187 = vector.shape_cast %parallel_loop3A_186 : vector<1x16xf32> to vector<16xf32>
        %parallel_loop3A_188 = arith.index_cast %parallel_loop3A_174 : i32 to index
        %parallel_loop3A_189 = arith.constant 16 : index
        %parallel_loop3A_190 = tpu.vector_load %arg14[%parallel_loop3A_188, %parallel_loop3A_189] {strides = array<i32>} : memref<64x128xf32, #tpu.memory_space<vmem>>, vector<1x16xf32>,
        %parallel_loop3A_191 = vector.shape_cast %parallel_loop3A_190 : vector<1x16xf32> to vector<16xf32>
        %parallel_loop3A_192 = arith.addf %parallel_loop3A_187, %parallel_loop3A_191 : vector<16xf32>
        %parallel_loop3A_193 = tpu.bitcast %parallel_loop3A_183 : vector<16xf32> -> vector<16xi32>
        %parallel_loop3A_194 = tpu.bitcast %parallel_loop3A_192 : vector<16xf32> -> vector<16xi32>
        %parallel_loop3A_195 = vector.broadcast %parallel_loop3A_163 : i32 to vector<16xi32>
        %parallel_loop3A_196 = arith.addi %parallel_loop3A_193, %parallel_loop3A_195 : vector<16xi32>
        %parallel_loop3A_197 = arith.constant 16 : i32
        %parallel_loop3A_198 = vector.broadcast %parallel_loop3A_197 : i32 to vector<16xi32>
        %parallel_loop3A_199 = arith.shrui %parallel_loop3A_196, %parallel_loop3A_198 : vector<16xi32>
        %parallel_loop3A_200 = vector.broadcast %parallel_loop3A_163 : i32 to vector<16xi32>
        %parallel_loop3A_201 = arith.addi %parallel_loop3A_194, %parallel_loop3A_200 : vector<16xi32>
        %parallel_loop3A_202 = vector.broadcast %parallel_loop3A_164 : i32 to vector<16xi32>
        %parallel_loop3A_203 = arith.andi %parallel_loop3A_201, %parallel_loop3A_202 : vector<16xi32>
        %parallel_loop3A_204 = arith.ori %parallel_loop3A_199, %parallel_loop3A_203 : vector<16xi32>
        %parallel_loop3A_205 = arith.index_cast %parallel_loop3A_174 : i32 to index
        %parallel_loop3A_206 = arith.constant 0 : index
        %parallel_loop3A_207 = tpu.vector_load %arg17[%parallel_loop3A_205, %parallel_loop3A_206] {strides = array<i32>} : memref<64x64xi32, #tpu.memory_space<vmem>>, vector<1x16xi32>,
        %parallel_loop3A_208 = vector.shape_cast %parallel_loop3A_207 : vector<1x16xi32> to vector<16xi32>
        %parallel_loop3A_209 = vector.shape_cast %parallel_loop3A_204 : vector<16xi32> to vector<1x16xi32>
        tpu.vector_store %arg17[%parallel_loop3A_205, %parallel_loop3A_206], %parallel_loop3A_209 {strides = array<i32>} : memref<64x64xi32, #tpu.memory_space<vmem>>, vector<1x16xi32>,
        %parallel_loop3A_210 = arith.index_cast %parallel_loop3A_174 : i32 to index
        %parallel_loop3A_211 = arith.constant 32 : index
        %parallel_loop3A_212 = tpu.vector_load %arg11[%parallel_loop3A_210, %parallel_loop3A_211] {strides = array<i32>} : memref<64x128xf32, #tpu.memory_space<vmem>>, vector<1x16xf32>,
        %parallel_loop3A_213 = vector.shape_cast %parallel_loop3A_212 : vector<1x16xf32> to vector<16xf32>
        %parallel_loop3A_214 = arith.index_cast %parallel_loop3A_174 : i32 to index
        %parallel_loop3A_215 = arith.constant 32 : index
        %parallel_loop3A_216 = tpu.vector_load %arg14[%parallel_loop3A_214, %parallel_loop3A_215] {strides = array<i32>} : memref<64x128xf32, #tpu.memory_space<vmem>>, vector<1x16xf32>,
        %parallel_loop3A_217 = vector.shape_cast %parallel_loop3A_216 : vector<1x16xf32> to vector<16xf32>
        %parallel_loop3A_218 = arith.addf %parallel_loop3A_213, %parallel_loop3A_217 : vector<16xf32>
        %parallel_loop3A_219 = arith.index_cast %parallel_loop3A_174 : i32 to index
        %parallel_loop3A_220 = arith.constant 48 : index
        %parallel_loop3A_221 = tpu.vector_load %arg11[%parallel_loop3A_219, %parallel_loop3A_220] {strides = array<i32>} : memref<64x128xf32, #tpu.memory_space<vmem>>, vector<1x16xf32>,
        %parallel_loop3A_222 = vector.shape_cast %parallel_loop3A_221 : vector<1x16xf32> to vector<16xf32>
        %parallel_loop3A_223 = arith.index_cast %parallel_loop3A_174 : i32 to index
        %parallel_loop3A_224 = arith.constant 48 : index
        %parallel_loop3A_225 = tpu.vector_load %arg14[%parallel_loop3A_223, %parallel_loop3A_224] {strides = array<i32>} : memref<64x128xf32, #tpu.memory_space<vmem>>, vector<1x16xf32>,
        %parallel_loop3A_226 = vector.shape_cast %parallel_loop3A_225 : vector<1x16xf32> to vector<16xf32>
        %parallel_loop3A_227 = arith.addf %parallel_loop3A_222, %parallel_loop3A_226 : vector<16xf32>
        %parallel_loop3A_228 = tpu.bitcast %parallel_loop3A_218 : vector<16xf32> -> vector<16xi32>
        %parallel_loop3A_229 = tpu.bitcast %parallel_loop3A_227 : vector<16xf32> -> vector<16xi32>
        %parallel_loop3A_230 = vector.broadcast %parallel_loop3A_163 : i32 to vector<16xi32>
        %parallel_loop3A_231 = arith.addi %parallel_loop3A_228, %parallel_loop3A_230 : vector<16xi32>
        %parallel_loop3A_232 = arith.constant 16 : i32
        %parallel_loop3A_233 = vector.broadcast %parallel_loop3A_232 : i32 to vector<16xi32>
        %parallel_loop3A_234 = arith.shrui %parallel_loop3A_231, %parallel_loop3A_233 : vector<16xi32>
        %parallel_loop3A_235 = vector.broadcast %parallel_loop3A_163 : i32 to vector<16xi32>
        %parallel_loop3A_236 = arith.addi %parallel_loop3A_229, %parallel_loop3A_235 : vector<16xi32>
        %parallel_loop3A_237 = vector.broadcast %parallel_loop3A_164 : i32 to vector<16xi32>
        %parallel_loop3A_238 = arith.andi %parallel_loop3A_236, %parallel_loop3A_237 : vector<16xi32>
        %parallel_loop3A_239 = arith.ori %parallel_loop3A_234, %parallel_loop3A_238 : vector<16xi32>
        %parallel_loop3A_240 = arith.index_cast %parallel_loop3A_174 : i32 to index
        %parallel_loop3A_241 = arith.constant 16 : index
        %parallel_loop3A_242 = tpu.vector_load %arg17[%parallel_loop3A_240, %parallel_loop3A_241] {strides = array<i32>} : memref<64x64xi32, #tpu.memory_space<vmem>>, vector<1x16xi32>,
        %parallel_loop3A_243 = vector.shape_cast %parallel_loop3A_242 : vector<1x16xi32> to vector<16xi32>
        %parallel_loop3A_244 = vector.shape_cast %parallel_loop3A_239 : vector<16xi32> to vector<1x16xi32>
        tpu.vector_store %arg17[%parallel_loop3A_240, %parallel_loop3A_241], %parallel_loop3A_244 {strides = array<i32>} : memref<64x64xi32, #tpu.memory_space<vmem>>, vector<1x16xi32>,
        %parallel_loop3A_245 = arith.index_cast %parallel_loop3A_174 : i32 to index
        %parallel_loop3A_246 = arith.constant 64 : index
        %parallel_loop3A_247 = tpu.vector_load %arg11[%parallel_loop3A_245, %parallel_loop3A_246] {strides = array<i32>} : memref<64x128xf32, #tpu.memory_space<vmem>>, vector<1x16xf32>,
        %parallel_loop3A_248 = vector.shape_cast %parallel_loop3A_247 : vector<1x16xf32> to vector<16xf32>
        %parallel_loop3A_249 = arith.index_cast %parallel_loop3A_174 : i32 to index
        %parallel_loop3A_250 = arith.constant 64 : index
        %parallel_loop3A_251 = tpu.vector_load %arg14[%parallel_loop3A_249, %parallel_loop3A_250] {strides = array<i32>} : memref<64x128xf32, #tpu.memory_space<vmem>>, vector<1x16xf32>,
        %parallel_loop3A_252 = vector.shape_cast %parallel_loop3A_251 : vector<1x16xf32> to vector<16xf32>
        %parallel_loop3A_253 = arith.addf %parallel_loop3A_248, %parallel_loop3A_252 : vector<16xf32>
        %parallel_loop3A_254 = arith.index_cast %parallel_loop3A_174 : i32 to index
        %parallel_loop3A_255 = arith.constant 80 : index
        %parallel_loop3A_256 = tpu.vector_load %arg11[%parallel_loop3A_254, %parallel_loop3A_255] {strides = array<i32>} : memref<64x128xf32, #tpu.memory_space<vmem>>, vector<1x16xf32>,
        %parallel_loop3A_257 = vector.shape_cast %parallel_loop3A_256 : vector<1x16xf32> to vector<16xf32>
        %parallel_loop3A_258 = arith.index_cast %parallel_loop3A_174 : i32 to index
        %parallel_loop3A_259 = arith.constant 80 : index
        %parallel_loop3A_260 = tpu.vector_load %arg14[%parallel_loop3A_258, %parallel_loop3A_259] {strides = array<i32>} : memref<64x128xf32, #tpu.memory_space<vmem>>, vector<1x16xf32>,
        %parallel_loop3A_261 = vector.shape_cast %parallel_loop3A_260 : vector<1x16xf32> to vector<16xf32>
        %parallel_loop3A_262 = arith.addf %parallel_loop3A_257, %parallel_loop3A_261 : vector<16xf32>
        %parallel_loop3A_263 = tpu.bitcast %parallel_loop3A_253 : vector<16xf32> -> vector<16xi32>
        %parallel_loop3A_264 = tpu.bitcast %parallel_loop3A_262 : vector<16xf32> -> vector<16xi32>
        %parallel_loop3A_265 = vector.broadcast %parallel_loop3A_163 : i32 to vector<16xi32>
        %parallel_loop3A_266 = arith.addi %parallel_loop3A_263, %parallel_loop3A_265 : vector<16xi32>
        %parallel_loop3A_267 = arith.constant 16 : i32
        %parallel_loop3A_268 = vector.broadcast %parallel_loop3A_267 : i32 to vector<16xi32>
        %parallel_loop3A_269 = arith.shrui %parallel_loop3A_266, %parallel_loop3A_268 : vector<16xi32>
        %parallel_loop3A_270 = vector.broadcast %parallel_loop3A_163 : i32 to vector<16xi32>
        %parallel_loop3A_271 = arith.addi %parallel_loop3A_264, %parallel_loop3A_270 : vector<16xi32>
        %parallel_loop3A_272 = vector.broadcast %parallel_loop3A_164 : i32 to vector<16xi32>
        %parallel_loop3A_273 = arith.andi %parallel_loop3A_271, %parallel_loop3A_272 : vector<16xi32>
        %parallel_loop3A_274 = arith.ori %parallel_loop3A_269, %parallel_loop3A_273 : vector<16xi32>
        %parallel_loop3A_275 = arith.index_cast %parallel_loop3A_174 : i32 to index
        %parallel_loop3A_276 = arith.constant 32 : index
        %parallel_loop3A_277 = tpu.vector_load %arg17[%parallel_loop3A_275, %parallel_loop3A_276] {strides = array<i32>} : memref<64x64xi32, #tpu.memory_space<vmem>>, vector<1x16xi32>,
        %parallel_loop3A_278 = vector.shape_cast %parallel_loop3A_277 : vector<1x16xi32> to vector<16xi32>
        %parallel_loop3A_279 = vector.shape_cast %parallel_loop3A_274 : vector<16xi32> to vector<1x16xi32>
        tpu.vector_store %arg17[%parallel_loop3A_275, %parallel_loop3A_276], %parallel_loop3A_279 {strides = array<i32>} : memref<64x64xi32, #tpu.memory_space<vmem>>, vector<1x16xi32>,
        %parallel_loop3A_280 = arith.index_cast %parallel_loop3A_174 : i32 to index
        %parallel_loop3A_281 = arith.constant 96 : index
        %parallel_loop3A_282 = tpu.vector_load %arg11[%parallel_loop3A_280, %parallel_loop3A_281] {strides = array<i32>} : memref<64x128xf32, #tpu.memory_space<vmem>>, vector<1x16xf32>,
        %parallel_loop3A_283 = vector.shape_cast %parallel_loop3A_282 : vector<1x16xf32> to vector<16xf32>
        %parallel_loop3A_284 = arith.index_cast %parallel_loop3A_174 : i32 to index
        %parallel_loop3A_285 = arith.constant 96 : index
        %parallel_loop3A_286 = tpu.vector_load %arg14[%parallel_loop3A_284, %parallel_loop3A_285] {strides = array<i32>} : memref<64x128xf32, #tpu.memory_space<vmem>>, vector<1x16xf32>,
        %parallel_loop3A_287 = vector.shape_cast %parallel_loop3A_286 : vector<1x16xf32> to vector<16xf32>
        %parallel_loop3A_288 = arith.addf %parallel_loop3A_283, %parallel_loop3A_287 : vector<16xf32>
        %parallel_loop3A_289 = arith.index_cast %parallel_loop3A_174 : i32 to index
        %parallel_loop3A_290 = arith.constant 112 : index
        %parallel_loop3A_291 = tpu.vector_load %arg11[%parallel_loop3A_289, %parallel_loop3A_290] {strides = array<i32>} : memref<64x128xf32, #tpu.memory_space<vmem>>, vector<1x16xf32>,
        %parallel_loop3A_292 = vector.shape_cast %parallel_loop3A_291 : vector<1x16xf32> to vector<16xf32>
        %parallel_loop3A_293 = arith.index_cast %parallel_loop3A_174 : i32 to index
        %parallel_loop3A_294 = arith.constant 112 : index
        %parallel_loop3A_295 = tpu.vector_load %arg14[%parallel_loop3A_293, %parallel_loop3A_294] {strides = array<i32>} : memref<64x128xf32, #tpu.memory_space<vmem>>, vector<1x16xf32>,
        %parallel_loop3A_296 = vector.shape_cast %parallel_loop3A_295 : vector<1x16xf32> to vector<16xf32>
        %parallel_loop3A_297 = arith.addf %parallel_loop3A_292, %parallel_loop3A_296 : vector<16xf32>
        %parallel_loop3A_298 = tpu.bitcast %parallel_loop3A_288 : vector<16xf32> -> vector<16xi32>
        %parallel_loop3A_299 = tpu.bitcast %parallel_loop3A_297 : vector<16xf32> -> vector<16xi32>
        %parallel_loop3A_300 = vector.broadcast %parallel_loop3A_163 : i32 to vector<16xi32>
        %parallel_loop3A_301 = arith.addi %parallel_loop3A_298, %parallel_loop3A_300 : vector<16xi32>
        %parallel_loop3A_302 = arith.constant 16 : i32
        %parallel_loop3A_303 = vector.broadcast %parallel_loop3A_302 : i32 to vector<16xi32>
        %parallel_loop3A_304 = arith.shrui %parallel_loop3A_301, %parallel_loop3A_303 : vector<16xi32>
        %parallel_loop3A_305 = vector.broadcast %parallel_loop3A_163 : i32 to vector<16xi32>
        %parallel_loop3A_306 = arith.addi %parallel_loop3A_299, %parallel_loop3A_305 : vector<16xi32>
        %parallel_loop3A_307 = vector.broadcast %parallel_loop3A_164 : i32 to vector<16xi32>
        %parallel_loop3A_308 = arith.andi %parallel_loop3A_306, %parallel_loop3A_307 : vector<16xi32>
        %parallel_loop3A_309 = arith.ori %parallel_loop3A_304, %parallel_loop3A_308 : vector<16xi32>
        %parallel_loop3A_310 = arith.index_cast %parallel_loop3A_174 : i32 to index
        %parallel_loop3A_311 = arith.constant 48 : index
        %parallel_loop3A_312 = tpu.vector_load %arg17[%parallel_loop3A_310, %parallel_loop3A_311] {strides = array<i32>} : memref<64x64xi32, #tpu.memory_space<vmem>>, vector<1x16xi32>,
        %parallel_loop3A_313 = vector.shape_cast %parallel_loop3A_312 : vector<1x16xi32> to vector<16xi32>
        %parallel_loop3A_314 = vector.shape_cast %parallel_loop3A_309 : vector<16xi32> to vector<1x16xi32>
        tpu.vector_store %arg17[%parallel_loop3A_310, %parallel_loop3A_311], %parallel_loop3A_314 {strides = array<i32>} : memref<64x64xi32, #tpu.memory_space<vmem>>, vector<1x16xi32>,
      } {sc.loop_unroll_factor = 2 : i64, sc.parallel_access}
      %add3A_165 = arith.addi %add3A_4, %add3A_136 : i32
      %dma_start3A_166 = arith.constant 0 : i32
      %dma_start3A_167 = arith.constant 0 : i32
      %dma_start3A_168 = tpu.memref_slice %arg6[%add3A_165, %dma_start3A_166, %dma_start3A_167] : memref<5000x64x64xi32, #tpu.memory_space<hbm>> -> memref<1x64x64xi32, #tpu.memory_space<hbm>>
      %dma_start3A_169 = tpu.memref_squeeze %dma_start3A_168 : memref<1x64x64xi32, #tpu.memory_space<hbm>> -> memref<64x64xi32, #tpu.memory_space<hbm>>
      %dma_start3A_170 = arith.constant 0 : i32
      %dma_start3A_171 = arith.constant 0 : i32
      %dma_start3A_172 = tpu.memref_slice %arg6[%add3A_165, %dma_start3A_170, %dma_start3A_171] : memref<5000x64x64xi32, #tpu.memory_space<hbm>> -> memref<1x64x64xi32, #tpu.memory_space<hbm>>
      %dma_start3A_173 = tpu.memref_squeeze %dma_start3A_172 : memref<1x64x64xi32, #tpu.memory_space<hbm>> -> memref<64x64xi32, #tpu.memory_space<hbm>>
      tpu.enqueue_dma source(%arg17 : memref<64x64xi32, #tpu.memory_space<vmem>>) target(%dma_start3A_173 : memref<64x64xi32, #tpu.memory_space<hbm>>) target_semaphore(%arg23 : memref<!tpu.dma_semaphore, #tpu.memory_space<semaphore_mem>>)
    }
    %scan3A_26 = arith.constant 52 : i32
    %dma_wait3A = arith.constant 0 : i32
    %dma_wait3A_27 = arith.constant 0 : i32
    %dma_wait3A_28 = tpu.memref_slice %arg6[%add3A_4, %dma_wait3A, %dma_wait3A_27] : memref<5000x64x64xi32, #tpu.memory_space<hbm>> -> memref<1x64x64xi32, #tpu.memory_space<hbm>>
    %dma_wait3A_29 = tpu.memref_squeeze %dma_wait3A_28 : memref<1x64x64xi32, #tpu.memory_space<hbm>> -> memref<64x64xi32, #tpu.memory_space<hbm>>
    %dma_wait3A_30 = arith.constant 0 : i32
    %dma_wait3A_31 = arith.constant 0 : i32
    %dma_wait3A_32 = tpu.memref_slice %arg6[%add3A_4, %dma_wait3A_30, %dma_wait3A_31] : memref<5000x64x64xi32, #tpu.memory_space<hbm>> -> memref<1x64x64xi32, #tpu.memory_space<hbm>>
    %dma_wait3A_33 = tpu.memref_squeeze %dma_wait3A_32 : memref<1x64x64xi32, #tpu.memory_space<hbm>> -> memref<64x64xi32, #tpu.memory_space<hbm>>
    tpu.wait_dma2 semaphore(%arg21 : memref<!tpu.dma_semaphore, #tpu.memory_space<semaphore_mem>>) src(%arg15 : memref<64x64xi32, #tpu.memory_space<vmem>>) dst(%dma_wait3A_33 : memref<64x64xi32, #tpu.memory_space<hbm>>)
    %dma_wait3A_34 = arith.constant 0 : i32
    %dma_wait3A_35 = arith.constant 0 : i32
    %dma_wait3A_36 = tpu.memref_slice %arg6[%add3A_4, %dma_wait3A_34, %dma_wait3A_35] : memref<5000x64x64xi32, #tpu.memory_space<hbm>> -> memref<1x64x64xi32, #tpu.memory_space<hbm>>
    %dma_wait3A_37 = tpu.memref_squeeze %dma_wait3A_36 : memref<1x64x64xi32, #tpu.memory_space<hbm>> -> memref<64x64xi32, #tpu.memory_space<hbm>>
    %dma_wait3A_38 = arith.constant 0 : i32
    %dma_wait3A_39 = arith.constant 0 : i32
    %dma_wait3A_40 = tpu.memref_slice %arg6[%add3A_4, %dma_wait3A_38, %dma_wait3A_39] : memref<5000x64x64xi32, #tpu.memory_space<hbm>> -> memref<1x64x64xi32, #tpu.memory_space<hbm>>
    %dma_wait3A_41 = tpu.memref_squeeze %dma_wait3A_40 : memref<1x64x64xi32, #tpu.memory_space<hbm>> -> memref<64x64xi32, #tpu.memory_space<hbm>>
    tpu.wait_dma2 semaphore(%arg22 : memref<!tpu.dma_semaphore, #tpu.memory_space<semaphore_mem>>) src(%arg16 : memref<64x64xi32, #tpu.memory_space<vmem>>) dst(%dma_wait3A_41 : memref<64x64xi32, #tpu.memory_space<hbm>>)
    %dma_wait3A_42 = arith.constant 0 : i32
    %dma_wait3A_43 = arith.constant 0 : i32
    %dma_wait3A_44 = tpu.memref_slice %arg6[%add3A_4, %dma_wait3A_42, %dma_wait3A_43] : memref<5000x64x64xi32, #tpu.memory_space<hbm>> -> memref<1x64x64xi32, #tpu.memory_space<hbm>>
    %dma_wait3A_45 = tpu.memref_squeeze %dma_wait3A_44 : memref<1x64x64xi32, #tpu.memory_space<hbm>> -> memref<64x64xi32, #tpu.memory_space<hbm>>
    %dma_wait3A_46 = arith.constant 0 : i32
    %dma_wait3A_47 = arith.constant 0 : i32
    %dma_wait3A_48 = tpu.memref_slice %arg6[%add3A_4, %dma_wait3A_46, %dma_wait3A_47] : memref<5000x64x64xi32, #tpu.memory_space<hbm>> -> memref<1x64x64xi32, #tpu.memory_space<hbm>>
    %dma_wait3A_49 = tpu.memref_squeeze %dma_wait3A_48 : memref<1x64x64xi32, #tpu.memory_space<hbm>> -> memref<64x64xi32, #tpu.memory_space<hbm>>
    tpu.wait_dma2 semaphore(%arg23 : memref<!tpu.dma_semaphore, #tpu.memory_space<semaphore_mem>>) src(%arg17 : memref<64x64xi32, #tpu.memory_space<vmem>>) dst(%dma_wait3A_49 : memref<64x64xi32, #tpu.memory_space<hbm>>)
    %lt3A = arith.constant 8 : i32
    %lt3A_50 = arith.cmpi slt, %add3A, %lt3A : i32
    %convert_element_type3A = arith.extui %lt3A_50 : i1 to i32
    %cond3A = arith.constant 0 : i32
    %cond3A_51 = arith.cmpi ne, %convert_element_type3A, %cond3A : i32
    scf.if %cond3A_51 {
      %add3A_52 = arith.constant 156 : i32
      %add3A_53 = arith.addi %add3A_52, %sub3A : i32
      %mul3A_54 = arith.constant 64 : i32
      %mul3A_55 = arith.muli %add3A_53, %mul3A_54 : i32
      %dma_start3A_56 = tpu.memref_slice %arg7[%mul3A_55] : memref<10048xi32, #tpu.memory_space<vmem>> -> memref<64xi32, #tpu.memory_space<vmem>>
      %dma_start3A_57 = arith.constant 0 : i32
      %dma_start3A_58 = arith.constant 0 : i32
      %dma_start3A_59 = tpu.memref_slice %arg2[%dma_start3A_57, %dma_start3A_58] : memref<10000x128xf32, #tpu.memory_space<hbm>> -> memref<10000x128xf32, #tpu.memory_space<hbm>>
      tpu.enqueue_indirect_dma source(%dma_start3A_59 : memref<10000x128xf32, #tpu.memory_space<hbm>>) target(%arg9 : memref<64x128xf32, #tpu.memory_space<vmem>>) offsets(%dma_start3A_56 : memref<64xi32, #tpu.memory_space<vmem>>) semaphore(%arg18 : memref<!tpu.dma_semaphore, #tpu.memory_space<semaphore_mem>>)
      %dma_start3A_60 = tpu.memref_slice %arg8[%mul3A_55] : memref<10048xi32, #tpu.memory_space<vmem>> -> memref<64xi32, #tpu.memory_space<vmem>>
      %dma_start3A_61 = arith.constant 0 : i32
      %dma_start3A_62 = arith.constant 0 : i32
      %dma_start3A_63 = tpu.memref_slice %arg3[%dma_start3A_61, %dma_start3A_62] : memref<10000x128xf32, #tpu.memory_space<hbm>> -> memref<10000x128xf32, #tpu.memory_space<hbm>>
      tpu.enqueue_indirect_dma source(%dma_start3A_63 : memref<10000x128xf32, #tpu.memory_space<hbm>>) target(%arg12 : memref<64x128xf32, #tpu.memory_space<vmem>>) offsets(%dma_start3A_60 : memref<64xi32, #tpu.memory_space<vmem>>) semaphore(%arg18 : memref<!tpu.dma_semaphore, #tpu.memory_space<semaphore_mem>>)
      %add3A_64 = arith.constant 156 : i32
      %add3A_65 = arith.addi %add3A_64, %sub3A : i32
      %mul3A_66 = arith.constant 64 : i32
      %mul3A_67 = arith.muli %add3A_65, %mul3A_66 : i32
      %dma_wait3A_68 = tpu.memref_slice %arg7[%mul3A_67] : memref<10048xi32, #tpu.memory_space<vmem>> -> memref<64xi32, #tpu.memory_space<vmem>>
      %dma_wait3A_69 = arith.constant 0 : i32
      %dma_wait3A_70 = arith.constant 0 : i32
      %dma_wait3A_71 = tpu.memref_slice %arg2[%dma_wait3A_69, %dma_wait3A_70] : memref<10000x128xf32, #tpu.memory_space<hbm>> -> memref<10000x128xf32, #tpu.memory_space<hbm>>
      tpu.wait_indirect_dma semaphore(%arg18 : memref<!tpu.dma_semaphore, #tpu.memory_space<semaphore_mem>>) src(%dma_wait3A_71 : memref<10000x128xf32, #tpu.memory_space<hbm>>) dst(%arg9 : memref<64x128xf32, #tpu.memory_space<vmem>>)
      %dma_wait3A_72 = tpu.memref_slice %arg8[%mul3A_67] : memref<10048xi32, #tpu.memory_space<vmem>> -> memref<64xi32, #tpu.memory_space<vmem>>
      %dma_wait3A_73 = arith.constant 0 : i32
      %dma_wait3A_74 = arith.constant 0 : i32
      %dma_wait3A_75 = tpu.memref_slice %arg3[%dma_wait3A_73, %dma_wait3A_74] : memref<10000x128xf32, #tpu.memory_space<hbm>> -> memref<10000x128xf32, #tpu.memory_space<hbm>>
      tpu.wait_indirect_dma semaphore(%arg18 : memref<!tpu.dma_semaphore, #tpu.memory_space<semaphore_mem>>) src(%dma_wait3A_75 : memref<10000x128xf32, #tpu.memory_space<hbm>>) dst(%arg12 : memref<64x128xf32, #tpu.memory_space<vmem>>)
      %parallel_loop3A = arith.constant 0 : i32
      %parallel_loop3A_76 = arith.constant 64 : i32
      %parallel_loop3A_77 = arith.constant 1 : i32
      %parallel_loop3A_78 = arith.constant 32768 : i32
      %parallel_loop3A_79 = arith.constant -65536 : i32
      scf.for %parallel_loop3A_98 = %parallel_loop3A to %parallel_loop3A_76 step %parallel_loop3A_77  : i32 {
        %parallel_loop3A_99 = arith.index_cast %parallel_loop3A_98 : i32 to index
        %parallel_loop3A_100 = arith.constant 0 : index
        %parallel_loop3A_101 = tpu.vector_load %arg9[%parallel_loop3A_99, %parallel_loop3A_100] {strides = array<i32>} : memref<64x128xf32, #tpu.memory_space<vmem>>, vector<1x16xf32>,
        %parallel_loop3A_102 = vector.shape_cast %parallel_loop3A_101 : vector<1x16xf32> to vector<16xf32>
        %parallel_loop3A_103 = arith.index_cast %parallel_loop3A_98 : i32 to index
        %parallel_loop3A_104 = arith.constant 0 : index
        %parallel_loop3A_105 = tpu.vector_load %arg12[%parallel_loop3A_103, %parallel_loop3A_104] {strides = array<i32>} : memref<64x128xf32, #tpu.memory_space<vmem>>, vector<1x16xf32>,
        %parallel_loop3A_106 = vector.shape_cast %parallel_loop3A_105 : vector<1x16xf32> to vector<16xf32>
        %parallel_loop3A_107 = arith.addf %parallel_loop3A_102, %parallel_loop3A_106 : vector<16xf32>
        %parallel_loop3A_108 = arith.index_cast %parallel_loop3A_98 : i32 to index
        %parallel_loop3A_109 = arith.constant 16 : index
        %parallel_loop3A_110 = tpu.vector_load %arg9[%parallel_loop3A_108, %parallel_loop3A_109] {strides = array<i32>} : memref<64x128xf32, #tpu.memory_space<vmem>>, vector<1x16xf32>,
        %parallel_loop3A_111 = vector.shape_cast %parallel_loop3A_110 : vector<1x16xf32> to vector<16xf32>
        %parallel_loop3A_112 = arith.index_cast %parallel_loop3A_98 : i32 to index
        %parallel_loop3A_113 = arith.constant 16 : index
        %parallel_loop3A_114 = tpu.vector_load %arg12[%parallel_loop3A_112, %parallel_loop3A_113] {strides = array<i32>} : memref<64x128xf32, #tpu.memory_space<vmem>>, vector<1x16xf32>,
        %parallel_loop3A_115 = vector.shape_cast %parallel_loop3A_114 : vector<1x16xf32> to vector<16xf32>
        %parallel_loop3A_116 = arith.addf %parallel_loop3A_111, %parallel_loop3A_115 : vector<16xf32>
        %parallel_loop3A_117 = tpu.bitcast %parallel_loop3A_107 : vector<16xf32> -> vector<16xi32>
        %parallel_loop3A_118 = tpu.bitcast %parallel_loop3A_116 : vector<16xf32> -> vector<16xi32>
        %parallel_loop3A_119 = vector.broadcast %parallel_loop3A_78 : i32 to vector<16xi32>
        %parallel_loop3A_120 = arith.addi %parallel_loop3A_117, %parallel_loop3A_119 : vector<16xi32>
        %parallel_loop3A_121 = arith.constant 16 : i32
        %parallel_loop3A_122 = vector.broadcast %parallel_loop3A_121 : i32 to vector<16xi32>
        %parallel_loop3A_123 = arith.shrui %parallel_loop3A_120, %parallel_loop3A_122 : vector<16xi32>
        %parallel_loop3A_124 = vector.broadcast %parallel_loop3A_78 : i32 to vector<16xi32>
        %parallel_loop3A_125 = arith.addi %parallel_loop3A_118, %parallel_loop3A_124 : vector<16xi32>
        %parallel_loop3A_126 = vector.broadcast %parallel_loop3A_79 : i32 to vector<16xi32>
        %parallel_loop3A_127 = arith.andi %parallel_loop3A_125, %parallel_loop3A_126 : vector<16xi32>
        %parallel_loop3A_128 = arith.ori %parallel_loop3A_123, %parallel_loop3A_127 : vector<16xi32>
        %parallel_loop3A_129 = arith.index_cast %parallel_loop3A_98 : i32 to index
        %parallel_loop3A_130 = arith.constant 0 : index
        %parallel_loop3A_131 = tpu.vector_load %arg15[%parallel_loop3A_129, %parallel_loop3A_130] {strides = array<i32>} : memref<64x64xi32, #tpu.memory_space<vmem>>, vector<1x16xi32>,
        %parallel_loop3A_132 = vector.shape_cast %parallel_loop3A_131 : vector<1x16xi32> to vector<16xi32>
        %parallel_loop3A_133 = vector.shape_cast %parallel_loop3A_128 : vector<16xi32> to vector<1x16xi32>
        tpu.vector_store %arg15[%parallel_loop3A_129, %parallel_loop3A_130], %parallel_loop3A_133 {strides = array<i32>} : memref<64x64xi32, #tpu.memory_space<vmem>>, vector<1x16xi32>,
        %parallel_loop3A_134 = arith.index_cast %parallel_loop3A_98 : i32 to index
        %parallel_loop3A_135 = arith.constant 32 : index
        %parallel_loop3A_136 = tpu.vector_load %arg9[%parallel_loop3A_134, %parallel_loop3A_135] {strides = array<i32>} : memref<64x128xf32, #tpu.memory_space<vmem>>, vector<1x16xf32>,
        %parallel_loop3A_137 = vector.shape_cast %parallel_loop3A_136 : vector<1x16xf32> to vector<16xf32>
        %parallel_loop3A_138 = arith.index_cast %parallel_loop3A_98 : i32 to index
        %parallel_loop3A_139 = arith.constant 32 : index
        %parallel_loop3A_140 = tpu.vector_load %arg12[%parallel_loop3A_138, %parallel_loop3A_139] {strides = array<i32>} : memref<64x128xf32, #tpu.memory_space<vmem>>, vector<1x16xf32>,
        %parallel_loop3A_141 = vector.shape_cast %parallel_loop3A_140 : vector<1x16xf32> to vector<16xf32>
        %parallel_loop3A_142 = arith.addf %parallel_loop3A_137, %parallel_loop3A_141 : vector<16xf32>
        %parallel_loop3A_143 = arith.index_cast %parallel_loop3A_98 : i32 to index
        %parallel_loop3A_144 = arith.constant 48 : index
        %parallel_loop3A_145 = tpu.vector_load %arg9[%parallel_loop3A_143, %parallel_loop3A_144] {strides = array<i32>} : memref<64x128xf32, #tpu.memory_space<vmem>>, vector<1x16xf32>,
        %parallel_loop3A_146 = vector.shape_cast %parallel_loop3A_145 : vector<1x16xf32> to vector<16xf32>
        %parallel_loop3A_147 = arith.index_cast %parallel_loop3A_98 : i32 to index
        %parallel_loop3A_148 = arith.constant 48 : index
        %parallel_loop3A_149 = tpu.vector_load %arg12[%parallel_loop3A_147, %parallel_loop3A_148] {strides = array<i32>} : memref<64x128xf32, #tpu.memory_space<vmem>>, vector<1x16xf32>,
        %parallel_loop3A_150 = vector.shape_cast %parallel_loop3A_149 : vector<1x16xf32> to vector<16xf32>
        %parallel_loop3A_151 = arith.addf %parallel_loop3A_146, %parallel_loop3A_150 : vector<16xf32>
        %parallel_loop3A_152 = tpu.bitcast %parallel_loop3A_142 : vector<16xf32> -> vector<16xi32>
        %parallel_loop3A_153 = tpu.bitcast %parallel_loop3A_151 : vector<16xf32> -> vector<16xi32>
        %parallel_loop3A_154 = vector.broadcast %parallel_loop3A_78 : i32 to vector<16xi32>
        %parallel_loop3A_155 = arith.addi %parallel_loop3A_152, %parallel_loop3A_154 : vector<16xi32>
        %parallel_loop3A_156 = arith.constant 16 : i32
        %parallel_loop3A_157 = vector.broadcast %parallel_loop3A_156 : i32 to vector<16xi32>
        %parallel_loop3A_158 = arith.shrui %parallel_loop3A_155, %parallel_loop3A_157 : vector<16xi32>
        %parallel_loop3A_159 = vector.broadcast %parallel_loop3A_78 : i32 to vector<16xi32>
        %parallel_loop3A_160 = arith.addi %parallel_loop3A_153, %parallel_loop3A_159 : vector<16xi32>
        %parallel_loop3A_161 = vector.broadcast %parallel_loop3A_79 : i32 to vector<16xi32>
        %parallel_loop3A_162 = arith.andi %parallel_loop3A_160, %parallel_loop3A_161 : vector<16xi32>
        %parallel_loop3A_163 = arith.ori %parallel_loop3A_158, %parallel_loop3A_162 : vector<16xi32>
        %parallel_loop3A_164 = arith.index_cast %parallel_loop3A_98 : i32 to index
        %parallel_loop3A_165 = arith.constant 16 : index
        %parallel_loop3A_166 = tpu.vector_load %arg15[%parallel_loop3A_164, %parallel_loop3A_165] {strides = array<i32>} : memref<64x64xi32, #tpu.memory_space<vmem>>, vector<1x16xi32>,
        %parallel_loop3A_167 = vector.shape_cast %parallel_loop3A_166 : vector<1x16xi32> to vector<16xi32>
        %parallel_loop3A_168 = vector.shape_cast %parallel_loop3A_163 : vector<16xi32> to vector<1x16xi32>
        tpu.vector_store %arg15[%parallel_loop3A_164, %parallel_loop3A_165], %parallel_loop3A_168 {strides = array<i32>} : memref<64x64xi32, #tpu.memory_space<vmem>>, vector<1x16xi32>,
        %parallel_loop3A_169 = arith.index_cast %parallel_loop3A_98 : i32 to index
        %parallel_loop3A_170 = arith.constant 64 : index
        %parallel_loop3A_171 = tpu.vector_load %arg9[%parallel_loop3A_169, %parallel_loop3A_170] {strides = array<i32>} : memref<64x128xf32, #tpu.memory_space<vmem>>, vector<1x16xf32>,
        %parallel_loop3A_172 = vector.shape_cast %parallel_loop3A_171 : vector<1x16xf32> to vector<16xf32>
        %parallel_loop3A_173 = arith.index_cast %parallel_loop3A_98 : i32 to index
        %parallel_loop3A_174 = arith.constant 64 : index
        %parallel_loop3A_175 = tpu.vector_load %arg12[%parallel_loop3A_173, %parallel_loop3A_174] {strides = array<i32>} : memref<64x128xf32, #tpu.memory_space<vmem>>, vector<1x16xf32>,
        %parallel_loop3A_176 = vector.shape_cast %parallel_loop3A_175 : vector<1x16xf32> to vector<16xf32>
        %parallel_loop3A_177 = arith.addf %parallel_loop3A_172, %parallel_loop3A_176 : vector<16xf32>
        %parallel_loop3A_178 = arith.index_cast %parallel_loop3A_98 : i32 to index
        %parallel_loop3A_179 = arith.constant 80 : index
        %parallel_loop3A_180 = tpu.vector_load %arg9[%parallel_loop3A_178, %parallel_loop3A_179] {strides = array<i32>} : memref<64x128xf32, #tpu.memory_space<vmem>>, vector<1x16xf32>,
        %parallel_loop3A_181 = vector.shape_cast %parallel_loop3A_180 : vector<1x16xf32> to vector<16xf32>
        %parallel_loop3A_182 = arith.index_cast %parallel_loop3A_98 : i32 to index
        %parallel_loop3A_183 = arith.constant 80 : index
        %parallel_loop3A_184 = tpu.vector_load %arg12[%parallel_loop3A_182, %parallel_loop3A_183] {strides = array<i32>} : memref<64x128xf32, #tpu.memory_space<vmem>>, vector<1x16xf32>,
        %parallel_loop3A_185 = vector.shape_cast %parallel_loop3A_184 : vector<1x16xf32> to vector<16xf32>
        %parallel_loop3A_186 = arith.addf %parallel_loop3A_181, %parallel_loop3A_185 : vector<16xf32>
        %parallel_loop3A_187 = tpu.bitcast %parallel_loop3A_177 : vector<16xf32> -> vector<16xi32>
        %parallel_loop3A_188 = tpu.bitcast %parallel_loop3A_186 : vector<16xf32> -> vector<16xi32>
        %parallel_loop3A_189 = vector.broadcast %parallel_loop3A_78 : i32 to vector<16xi32>
        %parallel_loop3A_190 = arith.addi %parallel_loop3A_187, %parallel_loop3A_189 : vector<16xi32>
        %parallel_loop3A_191 = arith.constant 16 : i32
        %parallel_loop3A_192 = vector.broadcast %parallel_loop3A_191 : i32 to vector<16xi32>
        %parallel_loop3A_193 = arith.shrui %parallel_loop3A_190, %parallel_loop3A_192 : vector<16xi32>
        %parallel_loop3A_194 = vector.broadcast %parallel_loop3A_78 : i32 to vector<16xi32>
        %parallel_loop3A_195 = arith.addi %parallel_loop3A_188, %parallel_loop3A_194 : vector<16xi32>
        %parallel_loop3A_196 = vector.broadcast %parallel_loop3A_79 : i32 to vector<16xi32>
        %parallel_loop3A_197 = arith.andi %parallel_loop3A_195, %parallel_loop3A_196 : vector<16xi32>
        %parallel_loop3A_198 = arith.ori %parallel_loop3A_193, %parallel_loop3A_197 : vector<16xi32>
        %parallel_loop3A_199 = arith.index_cast %parallel_loop3A_98 : i32 to index
        %parallel_loop3A_200 = arith.constant 32 : index
        %parallel_loop3A_201 = tpu.vector_load %arg15[%parallel_loop3A_199, %parallel_loop3A_200] {strides = array<i32>} : memref<64x64xi32, #tpu.memory_space<vmem>>, vector<1x16xi32>,
        %parallel_loop3A_202 = vector.shape_cast %parallel_loop3A_201 : vector<1x16xi32> to vector<16xi32>
        %parallel_loop3A_203 = vector.shape_cast %parallel_loop3A_198 : vector<16xi32> to vector<1x16xi32>
        tpu.vector_store %arg15[%parallel_loop3A_199, %parallel_loop3A_200], %parallel_loop3A_203 {strides = array<i32>} : memref<64x64xi32, #tpu.memory_space<vmem>>, vector<1x16xi32>,
        %parallel_loop3A_204 = arith.index_cast %parallel_loop3A_98 : i32 to index
        %parallel_loop3A_205 = arith.constant 96 : index
        %parallel_loop3A_206 = tpu.vector_load %arg9[%parallel_loop3A_204, %parallel_loop3A_205] {strides = array<i32>} : memref<64x128xf32, #tpu.memory_space<vmem>>, vector<1x16xf32>,
        %parallel_loop3A_207 = vector.shape_cast %parallel_loop3A_206 : vector<1x16xf32> to vector<16xf32>
        %parallel_loop3A_208 = arith.index_cast %parallel_loop3A_98 : i32 to index
        %parallel_loop3A_209 = arith.constant 96 : index
        %parallel_loop3A_210 = tpu.vector_load %arg12[%parallel_loop3A_208, %parallel_loop3A_209] {strides = array<i32>} : memref<64x128xf32, #tpu.memory_space<vmem>>, vector<1x16xf32>,
        %parallel_loop3A_211 = vector.shape_cast %parallel_loop3A_210 : vector<1x16xf32> to vector<16xf32>
        %parallel_loop3A_212 = arith.addf %parallel_loop3A_207, %parallel_loop3A_211 : vector<16xf32>
        %parallel_loop3A_213 = arith.index_cast %parallel_loop3A_98 : i32 to index
        %parallel_loop3A_214 = arith.constant 112 : index
        %parallel_loop3A_215 = tpu.vector_load %arg9[%parallel_loop3A_213, %parallel_loop3A_214] {strides = array<i32>} : memref<64x128xf32, #tpu.memory_space<vmem>>, vector<1x16xf32>,
        %parallel_loop3A_216 = vector.shape_cast %parallel_loop3A_215 : vector<1x16xf32> to vector<16xf32>
        %parallel_loop3A_217 = arith.index_cast %parallel_loop3A_98 : i32 to index
        %parallel_loop3A_218 = arith.constant 112 : index
        %parallel_loop3A_219 = tpu.vector_load %arg12[%parallel_loop3A_217, %parallel_loop3A_218] {strides = array<i32>} : memref<64x128xf32, #tpu.memory_space<vmem>>, vector<1x16xf32>,
        %parallel_loop3A_220 = vector.shape_cast %parallel_loop3A_219 : vector<1x16xf32> to vector<16xf32>
        %parallel_loop3A_221 = arith.addf %parallel_loop3A_216, %parallel_loop3A_220 : vector<16xf32>
        %parallel_loop3A_222 = tpu.bitcast %parallel_loop3A_212 : vector<16xf32> -> vector<16xi32>
        %parallel_loop3A_223 = tpu.bitcast %parallel_loop3A_221 : vector<16xf32> -> vector<16xi32>
        %parallel_loop3A_224 = vector.broadcast %parallel_loop3A_78 : i32 to vector<16xi32>
        %parallel_loop3A_225 = arith.addi %parallel_loop3A_222, %parallel_loop3A_224 : vector<16xi32>
        %parallel_loop3A_226 = arith.constant 16 : i32
        %parallel_loop3A_227 = vector.broadcast %parallel_loop3A_226 : i32 to vector<16xi32>
        %parallel_loop3A_228 = arith.shrui %parallel_loop3A_225, %parallel_loop3A_227 : vector<16xi32>
        %parallel_loop3A_229 = vector.broadcast %parallel_loop3A_78 : i32 to vector<16xi32>
        %parallel_loop3A_230 = arith.addi %parallel_loop3A_223, %parallel_loop3A_229 : vector<16xi32>
        %parallel_loop3A_231 = vector.broadcast %parallel_loop3A_79 : i32 to vector<16xi32>
        %parallel_loop3A_232 = arith.andi %parallel_loop3A_230, %parallel_loop3A_231 : vector<16xi32>
        %parallel_loop3A_233 = arith.ori %parallel_loop3A_228, %parallel_loop3A_232 : vector<16xi32>
        %parallel_loop3A_234 = arith.index_cast %parallel_loop3A_98 : i32 to index
        %parallel_loop3A_235 = arith.constant 48 : index
        %parallel_loop3A_236 = tpu.vector_load %arg15[%parallel_loop3A_234, %parallel_loop3A_235] {strides = array<i32>} : memref<64x64xi32, #tpu.memory_space<vmem>>, vector<1x16xi32>,
        %parallel_loop3A_237 = vector.shape_cast %parallel_loop3A_236 : vector<1x16xi32> to vector<16xi32>
        %parallel_loop3A_238 = vector.shape_cast %parallel_loop3A_233 : vector<16xi32> to vector<1x16xi32>
        tpu.vector_store %arg15[%parallel_loop3A_234, %parallel_loop3A_235], %parallel_loop3A_238 {strides = array<i32>} : memref<64x64xi32, #tpu.memory_space<vmem>>, vector<1x16xi32>,
      } {sc.loop_unroll_factor = 2 : i64, sc.parallel_access}
      %add3A_80 = arith.constant 156 : i32
      %add3A_81 = arith.addi %add3A_4, %add3A_80 : i32
      %dma_start3A_82 = arith.constant 0 : i32
      %dma_start3A_83 = arith.constant 0 : i32
      %dma_start3A_84 = tpu.memref_slice %arg6[%add3A_81, %dma_start3A_82, %dma_start3A_83] : memref<5000x64x64xi32, #tpu.memory_space<hbm>> -> memref<1x64x64xi32, #tpu.memory_space<hbm>>
      %dma_start3A_85 = tpu.memref_squeeze %dma_start3A_84 : memref<1x64x64xi32, #tpu.memory_space<hbm>> -> memref<64x64xi32, #tpu.memory_space<hbm>>
      %dma_start3A_86 = arith.constant 0 : i32
      %dma_start3A_87 = arith.constant 0 : i32
      %dma_start3A_88 = tpu.memref_slice %arg6[%add3A_81, %dma_start3A_86, %dma_start3A_87] : memref<5000x64x64xi32, #tpu.memory_space<hbm>> -> memref<1x64x64xi32, #tpu.memory_space<hbm>>
      %dma_start3A_89 = tpu.memref_squeeze %dma_start3A_88 : memref<1x64x64xi32, #tpu.memory_space<hbm>> -> memref<64x64xi32, #tpu.memory_space<hbm>>
      tpu.enqueue_dma source(%arg15 : memref<64x64xi32, #tpu.memory_space<vmem>>) target(%dma_start3A_89 : memref<64x64xi32, #tpu.memory_space<hbm>>) target_semaphore(%arg21 : memref<!tpu.dma_semaphore, #tpu.memory_space<semaphore_mem>>)
      %dma_wait3A_90 = arith.constant 0 : i32
      %dma_wait3A_91 = arith.constant 0 : i32
      %dma_wait3A_92 = tpu.memref_slice %arg6[%add3A_4, %dma_wait3A_90, %dma_wait3A_91] : memref<5000x64x64xi32, #tpu.memory_space<hbm>> -> memref<1x64x64xi32, #tpu.memory_space<hbm>>
      %dma_wait3A_93 = tpu.memref_squeeze %dma_wait3A_92 : memref<1x64x64xi32, #tpu.memory_space<hbm>> -> memref<64x64xi32, #tpu.memory_space<hbm>>
      %dma_wait3A_94 = arith.constant 0 : i32
      %dma_wait3A_95 = arith.constant 0 : i32
      %dma_wait3A_96 = tpu.memref_slice %arg6[%add3A_4, %dma_wait3A_94, %dma_wait3A_95] : memref<5000x64x64xi32, #tpu.memory_space<hbm>> -> memref<1x64x64xi32, #tpu.memory_space<hbm>>
      %dma_wait3A_97 = tpu.memref_squeeze %dma_wait3A_96 : memref<1x64x64xi32, #tpu.memory_space<hbm>> -> memref<64x64xi32, #tpu.memory_space<hbm>>
      tpu.wait_dma2 semaphore(%arg21 : memref<!tpu.dma_semaphore, #tpu.memory_space<semaphore_mem>>) src(%arg15 : memref<64x64xi32, #tpu.memory_space<vmem>>) dst(%dma_wait3A_97 : memref<64x64xi32, #tpu.memory_space<hbm>>)
    } else {
    }
    return
  }
}

module attributes {stable_mosaic.version = 14 : i64} {
  func.func @_node_proj_body(%arg0: i32, %arg1: memref<2000x128xf32, #tpu.memory_space<vmem>>, %arg2: memref<128x128xf32, #tpu.memory_space<vmem>>, %arg3: memref<128x128xf32, #tpu.memory_space<vmem>>, %arg4: memref<2000x128xf32, #tpu.memory_space<vmem>>, %arg5: memref<2000x128xf32, #tpu.memory_space<vmem>>) attributes {dimension_semantics = [#tpu.dimension_semantics<arbitrary>], iteration_bounds = array<i64: 5>, scalar_prefetch = 0 : i64, scratch_operands = 0 : i64, tpu.core_type = #tpu.core_type<tc>, window_params = [{transform_indices = @transform_0, window_bounds = array<i64: 2000, 128>}, {pipeline_mode = #tpu.pipeline_mode<synchronous>, transform_indices = @transform_1, window_bounds = array<i64: 128, 128>}, {pipeline_mode = #tpu.pipeline_mode<synchronous>, transform_indices = @transform_2, window_bounds = array<i64: 128, 128>}, {transform_indices = @transform_3, window_bounds = array<i64: 2000, 128>}, {transform_indices = @transform_4, window_bounds = array<i64: 2000, 128>}]} {
    %get3A = arith.constant 0 : index
    %get3A_0 = arith.constant 0 : index
    %get3A_1 = vector.load %arg1[%get3A, %get3A_0] : memref<2000x128xf32, #tpu.memory_space<vmem>>, vector<2000x128xf32>
    %get3A_2 = arith.constant 0 : index
    %get3A_3 = arith.constant 0 : index
    %get3A_4 = vector.load %arg2[%get3A_2, %get3A_3] : memref<128x128xf32, #tpu.memory_space<vmem>>, vector<128x128xf32>
    %dot_general3A = arith.constant dense<0.000000e+00> : vector<2000x128xf32>
    %dot_general3A_5 = tpu.matmul %get3A_1, %get3A_4, %dot_general3A {dimension_numbers = #tpu.dot_dimension_numbers<[1], [0], [0], [1], [0, 0, 1, 1], [], []>, transpose_lhs_hint = false} : vector<2000x128xf32>, vector<128x128xf32>, vector<2000x128xf32> -> vector<2000x128xf32>
    %swap3A = arith.constant 0 : index
    %swap3A_6 = arith.constant 0 : index
    %swap3A_7 = vector.load %arg4[%swap3A, %swap3A_6] : memref<2000x128xf32, #tpu.memory_space<vmem>>, vector<2000x128xf32>
    tpu.vector_store %arg4[%swap3A, %swap3A_6], %dot_general3A_5 {strides = array<i32>} : memref<2000x128xf32, #tpu.memory_space<vmem>>, vector<2000x128xf32>,
    %get3A_8 = arith.constant 0 : index
    %get3A_9 = arith.constant 0 : index
    %get3A_10 = vector.load %arg3[%get3A_8, %get3A_9] : memref<128x128xf32, #tpu.memory_space<vmem>>, vector<128x128xf32>
    %dot_general3A_11 = arith.constant dense<0.000000e+00> : vector<2000x128xf32>
    %dot_general3A_12 = tpu.matmul %get3A_1, %get3A_10, %dot_general3A_11 {dimension_numbers = #tpu.dot_dimension_numbers<[1], [0], [0], [1], [0, 0, 1, 1], [], []>, transpose_lhs_hint = false} : vector<2000x128xf32>, vector<128x128xf32>, vector<2000x128xf32> -> vector<2000x128xf32>
    %swap3A_13 = arith.constant 0 : index
    %swap3A_14 = arith.constant 0 : index
    %swap3A_15 = vector.load %arg5[%swap3A_13, %swap3A_14] : memref<2000x128xf32, #tpu.memory_space<vmem>>, vector<2000x128xf32>
    tpu.vector_store %arg5[%swap3A_13, %swap3A_14], %dot_general3A_12 {strides = array<i32>} : memref<2000x128xf32, #tpu.memory_space<vmem>>, vector<2000x128xf32>,
    return
  }
  func.func @transform_0(%arg0: i32) -> (i32, i32) {
    %c0_i32 = arith.constant 0 : i32
    %c0_i32_0 = arith.constant 0 : i32
    return %arg0, %c0_i32 : i32, i32
  }
  func.func @transform_1(%arg0: i32) -> (i32, i32) {
    %c0_i32 = arith.constant 0 : i32
    %c0_i32_0 = arith.constant 0 : i32
    %c0_i32_1 = arith.constant 0 : i32
    return %c0_i32, %c0_i32_0 : i32, i32
  }
  func.func @transform_2(%arg0: i32) -> (i32, i32) {
    %c0_i32 = arith.constant 0 : i32
    %c0_i32_0 = arith.constant 0 : i32
    %c0_i32_1 = arith.constant 0 : i32
    return %c0_i32, %c0_i32_0 : i32, i32
  }
  func.func @transform_3(%arg0: i32) -> (i32, i32) {
    %c0_i32 = arith.constant 0 : i32
    %c0_i32_0 = arith.constant 0 : i32
    return %arg0, %c0_i32 : i32, i32
  }
  func.func @transform_4(%arg0: i32) -> (i32, i32) {
    %c0_i32 = arith.constant 0 : i32
    %c0_i32_0 = arith.constant 0 : i32
    return %arg0, %c0_i32 : i32, i32
  }
}

module attributes {stable_mosaic.version = 14 : i64} {
  func.func @_finish_body(%arg0: i32, %arg1: memref<8000x16xf32, #tpu.memory_space<vmem>>, %arg2: memref<8000x128xbf16, #tpu.memory_space<vmem>>, %arg3: memref<16x128xf32, #tpu.memory_space<vmem>>, %arg4: memref<1x128xf32, #tpu.memory_space<vmem>>, %arg5: memref<8000x128xf32, #tpu.memory_space<vmem>>) attributes {dimension_semantics = [#tpu.dimension_semantics<arbitrary>], iteration_bounds = array<i64: 40>, scalar_prefetch = 0 : i64, scratch_operands = 0 : i64, tpu.core_type = #tpu.core_type<tc>, window_params = [{transform_indices = @transform_0, window_bounds = array<i64: 8000, 16>}, {transform_indices = @transform_1, window_bounds = array<i64: 8000, 128>}, {pipeline_mode = #tpu.pipeline_mode<synchronous>, transform_indices = @transform_2, window_bounds = array<i64: 16, 128>}, {pipeline_mode = #tpu.pipeline_mode<synchronous>, transform_indices = @transform_3, window_bounds = array<i64: 1, 128>}, {transform_indices = @transform_4, window_bounds = array<i64: 8000, 128>}]} {
    %get3A = arith.constant 0 : index
    %get3A_0 = arith.constant 0 : index
    %get3A_1 = vector.load %arg1[%get3A, %get3A_0] : memref<8000x16xf32, #tpu.memory_space<vmem>>, vector<8000x16xf32>
    %get3A_2 = arith.constant 0 : index
    %get3A_3 = arith.constant 0 : index
    %get3A_4 = vector.load %arg3[%get3A_2, %get3A_3] : memref<16x128xf32, #tpu.memory_space<vmem>>, vector<16x128xf32>
    %dot_general3A = arith.constant dense<0.000000e+00> : vector<8000x128xf32>
    %dot_general3A_5 = tpu.matmul %get3A_1, %get3A_4, %dot_general3A {dimension_numbers = #tpu.dot_dimension_numbers<[1], [0], [0], [1], [0, 0, 1, 1], [], []>, transpose_lhs_hint = false} : vector<8000x16xf32>, vector<16x128xf32>, vector<8000x128xf32> -> vector<8000x128xf32>
    %get3A_6 = arith.constant 0 : index
    %get3A_7 = arith.constant 0 : index
    %get3A_8 = vector.load %arg2[%get3A_6, %get3A_7] : memref<8000x128xbf16, #tpu.memory_space<vmem>>, vector<8000x128xbf16>
    %convert_element_type3A = arith.extf %get3A_8 : vector<8000x128xbf16> to vector<8000x128xf32>
    %add3A = arith.addf %dot_general3A_5, %convert_element_type3A : vector<8000x128xf32>
    %get3A_9 = arith.constant 0 : index
    %get3A_10 = arith.constant 0 : index
    %get3A_11 = vector.load %arg4[%get3A_9, %get3A_10] : memref<1x128xf32, #tpu.memory_space<vmem>>, vector<1x128xf32>
    %add3A_12 = vector.broadcast %get3A_11 : vector<1x128xf32> to vector<8000x128xf32>
    %add3A_13 = arith.addf %add3A, %add3A_12 : vector<8000x128xf32>
    %max3A = arith.constant 0.000000e+00 : f32
    %max3A_14 = vector.broadcast %max3A : f32 to vector<8000x128xf32>
    %max3A_15 = arith.maximumf %add3A_13, %max3A_14 : vector<8000x128xf32>
    %swap3A = arith.constant 0 : index
    %swap3A_16 = arith.constant 0 : index
    %swap3A_17 = vector.load %arg5[%swap3A, %swap3A_16] : memref<8000x128xf32, #tpu.memory_space<vmem>>, vector<8000x128xf32>
    tpu.vector_store %arg5[%swap3A, %swap3A_16], %max3A_15 {strides = array<i32>} : memref<8000x128xf32, #tpu.memory_space<vmem>>, vector<8000x128xf32>,
    return
  }
  func.func @transform_0(%arg0: i32) -> (i32, i32) {
    %c0_i32 = arith.constant 0 : i32
    %c0_i32_0 = arith.constant 0 : i32
    return %arg0, %c0_i32 : i32, i32
  }
  func.func @transform_1(%arg0: i32) -> (i32, i32) {
    %c0_i32 = arith.constant 0 : i32
    %c0_i32_0 = arith.constant 0 : i32
    return %arg0, %c0_i32 : i32, i32
  }
  func.func @transform_2(%arg0: i32) -> (i32, i32) {
    %c0_i32 = arith.constant 0 : i32
    %c0_i32_0 = arith.constant 0 : i32
    %c0_i32_1 = arith.constant 0 : i32
    return %c0_i32, %c0_i32_0 : i32, i32
  }
  func.func @transform_3(%arg0: i32) -> (i32, i32) {
    %c0_i32 = arith.constant 0 : i32
    %c0_i32_0 = arith.constant 0 : i32
    %c0_i32_1 = arith.constant 0 : i32
    return %c0_i32, %c0_i32_0 : i32, i32
  }
  func.func @transform_4(%arg0: i32) -> (i32, i32) {
    %c0_i32 = arith.constant 0 : i32
    %c0_i32_0 = arith.constant 0 : i32
    return %arg0, %c0_i32 : i32, i32
  }
}

</mosaic_0001>

<sc_bundles>
// kernel: kernel.5.cloned.1.call-start
scs
__scs_entry_jumppad:
0x0: {  	(pc) =	sbr.rel $0x88, $3  }
0x1: {  	(tag) =	ssettag $0x0;
	lr =	simm.s32 $0x1  }
0x2: {  	[smem:$0x3F9C] =	sst lr;
	_ =	strace $0xD0000000  }
0x3: {  	_ = 	snop  }
0x4: {  	_ = 	snop  }
0x5: {  	_ = 	snop  }
0x6: {  	_ = 	snop  }
0x7: {  	_ = 	snop  }
__scs_overlays_trampoline_lowered:
0x8: {  	[smem:$0x3FAB] =	sst s0  }
0x9: {  	[smem:$0x3FAC] =	sst s1  }
0xa: {  	[smem:$0x3FAD] =	sst s2  }
0xb: {  	[smem:$0x3FAE] =	sst s3  }
0xc: {  	[smem:$0x3FAF] =	sst s4  }
0xd: {  	[smem:$0x3FB0] =	sst s5  }
0xe: {  	[smem:$0x3FB1] =	sst s6  }
0xf: {  	[smem:$0x3FB2] =	sst s7  }
0x10: {  	[smem:$0x3FB3] =	sst s8  }
0x11: {  	[smem:$0x3FB4] =	sst s9;
	s0 =	simm.s32 @!p0 $0x0  }
0x12: {  	s1 =	sld [smem:$0x3F9A];
	s0 =	simm.s32 @p0 $0x1  }
0x13: {  	[smem:$0x3FB5] =	sst s0;
	s0 =	simm.s32 @!p1 $0x0  }
0x14: {  	s2 =	sld [smem:$0x3F99];
	s0 =	simm.s32 @p1 $0x1  }
0x15: {  	[smem:$0x3FB6] =	sst s0;
	s0 =	simm.s32 @!p2 $0x0  }
0x16: {  	s3 =	sld [smem:$0x3FDB];
	s0 =	simm.s32 @p2 $0x1  }
0x17: {  	s4 =	simm.s32 $0x1BF5;
	[smem:$0x3FB8] =	sst s0  }
0x18: {  	s0 =	sld [smem:$0x3F9B];
	_ =	swait.ge [sflag:s4], $0x0  }
0x19: {  	s7 =	sld [smem:$0x3F9C]  }
0x1a: {  	s8 =	sadd.s32 $0xFFFFE003, lr  }
0x1b: {  	s9 =	sadd.s32 $0xFFFFFEF7, lr;
	s5 =	simm.s32 $0xFFFFFFFF;
	p2 =	slt.u32 s8, $0xFFFFF086  }
0x1c: {  	p1 =	slt.u32 s9, $0xF7A;
	s5 =	simm.s32 @!p2 $0x0  }
0x1d: {  	s5 =	simm.s32 @p1 $0x1;
	p0 =	seq.s32 s7, s2  }
0x1e: {  	s7 =	smul.u32 @!p0 $0xF7A, s2;
	p2 =	seq.s32 @!p0 s5, $0x0  }
0x1f: {  	s9 =	smul.u32 $0xF7A, s1;
	s8 =	simm.s32 @!p0 $0x1BF5;
	p2 =	por !p2, p0  }
0x20: {  	[sflag:s8] =	ssyncset.s32 @!p0 $0xFFFFF086;
	s6 =	sadd.s32 @!p0 s3, s7;
	s7 =	simm.s32 @!p0 $0x108  }
0x21: {  	s3 =	sadd.s32 s3, s9;
	s6 =	sadd.s32 @!p0 $0x88, s6;
	s7 =	simm.s32 @p2 $0x1082  }
0x22: {  	[simem:s7], [sflag:s8] =	dma.local @!p0 [hbm:s6], $0xF7A  }
0x23: {  	s9 =	sor.u32 $0xD0000000, s2;
	s6 =	simm.s32 $0x108;
	_ =	swait.ge @!p0 [sflag:s8], $0x0  }
0x24: {  	s3 =	sadd.s32 $0x88, s3;
	s6 =	simm.s32 @!p1 $0x1082;
	[sflag:s4] =	ssyncset.s32 $0xFFFFF086  }
0x25: {  	[simem:s6], [sflag:s4] =	dma.local [hbm:s3], $0xF7A  }
0x26: {  	[smem:$0x3F9C] =	sst s1;
	(tag) =	ssettag s2;
	_ =	strace s9  }
0x27: {  	s1 =	sld [smem:$0x3FAC]  }
0x28: {  	s2 =	sld [smem:$0x3FAD]  }
0x29: {  	s4 =	sld [smem:$0x3FAF]  }
0x2a: {  	p0 =	seq.s32 s5, $0x0;
	s5 =	sld [smem:$0x3FB0]  }
0x2b: {  	s6 =	sld [smem:$0x3FB1]  }
0x2c: {  	s7 =	sld [smem:$0x3FB2]  }
0x2d: {  	s3 =	simm.s32 $0x108;
	s8 =	sld [smem:$0x3FB3]  }
0x2e: {  	s3 =	simm.s32 @!p0 $0x1082;
	s9 =	sld [smem:$0x3FB4]  }
0x2f: {  	lr =	sadd.s32 s0, s3;
	s0 =	sld [smem:$0x3FAB]  }
0x30: {  	s3 =	sld [smem:$0x3FAE]  }
0x31: {  	[smem:$0x3FB7] =	sst s10  }
0x32: {  	s10 =	sld [smem:$0x3FB5];
	_ =	sdelay $0x3  }
0x33: {  	p0 =	seq.s32 s10, $0x1;
	s10 =	sld [smem:$0x3FB7];
	_ =	sdelay $0x3  }
0x34: {  	[smem:$0x3FB7] =	sst s10  }
0x35: {  	s10 =	sld [smem:$0x3FB6];
	_ =	sdelay $0x3  }
0x36: {  	p1 =	seq.s32 s10, $0x1;
	s10 =	sld [smem:$0x3FB7];
	_ =	sdelay $0x3  }
0x37: {  	[smem:$0x3FB7] =	sst s10  }
0x38: {  	s10 =	sld [smem:$0x3FB8]  }
0x39: {  	_ = 	snop;
	(pc) =	sbr.ind lr, $3  }
0x3a: {  	_ = 	snop  }
0x3b: {  	_ = 	snop  }
0x3c: {  	p2 =	seq.s32 s10, $0x1;
	s10 =	sld [smem:$0x3FB7]  }
0x3d: {  	_ =	shalt  }
0x3e: {  	_ =	shalt  }
0x3f: {  	_ =	shalt  }
0x40: {  	_ =	shalt  }
0x41: {  	_ =	shalt  }
0x42: {  	_ =	shalt  }
0x43: {  	_ =	shalt  }
0x44: {  	_ =	shalt  }
0x45: {  	_ =	shalt  }
0x46: {  	_ =	shalt  }
0x47: {  	_ =	shalt  }
0x48: {  	_ =	shalt  }
0x49: {  	_ =	shalt  }
0x4a: {  	_ =	shalt  }
0x4b: {  	_ =	shalt  }
0x4c: {  	_ =	shalt  }
0x4d: {  	_ =	shalt  }
0x4e: {  	_ =	shalt  }
0x4f: {  	_ =	shalt  }
0x50: {  	_ =	shalt  }
0x51: {  	_ =	shalt  }
0x52: {  	_ =	shalt  }
0x53: {  	_ =	shalt  }
0x54: {  	_ =	shalt  }
0x55: {  	_ =	shalt  }
0x56: {  	_ =	shalt  }
0x57: {  	_ =	shalt  }
0x58: {  	_ =	shalt  }
0x59: {  	_ =	shalt  }
0x5a: {  	_ =	shalt  }
0x5b: {  	_ =	shalt  }
0x5c: {  	_ =	shalt  }
0x5d: {  	_ =	shalt  }
0x5e: {  	_ =	shalt  }
0x5f: {  	_ =	shalt  }
0x60: {  	_ =	shalt  }
0x61: {  	_ =	shalt  }
0x62: {  	_ =	shalt  }
0x63: {  	_ =	shalt  }
0x64: {  	_ =	shalt  }
0x65: {  	_ =	shalt  }
0x66: {  	_ =	shalt  }
0x67: {  	_ =	shalt  }
0x68: {  	_ =	shalt  }
0x69: {  	_ =	shalt  }
0x6a: {  	_ =	shalt  }
0x6b: {  	_ =	shalt  }
0x6c: {  	_ =	shalt  }
0x6d: {  	_ =	shalt  }
0x6e: {  	_ =	shalt  }
0x6f: {  	_ =	shalt  }
0x70: {  	_ =	shalt  }
0x71: {  	_ =	shalt  }
0x72: {  	_ =	shalt  }
0x73: {  	_ =	shalt  }
0x74: {  	_ =	shalt  }
0x75: {  	_ =	shalt  }
0x76: {  	_ =	shalt  }
0x77: {  	_ =	shalt  }
0x78: {  	_ =	shalt  }
0x79: {  	_ =	shalt  }
0x7a: {  	_ =	shalt  }
0x7b: {  	_ =	shalt  }
0x7c: {  	_ =	shalt  }
0x7d: {  	_ =	shalt  }
0x7e: {  	_ =	shalt  }
0x7f: {  	_ =	shalt  }
0x80: {  	_ =	shalt  }
0x81: {  	_ =	shalt  }
0x82: {  	_ =	shalt  }
0x83: {  	_ =	shalt  }
0x84: {  	_ =	shalt  }
0x85: {  	_ =	shalt  }
0x86: {  	_ =	shalt  }
0x87: {  	_ =	shalt  }
.Lfunc_end0:
.L_simem_size_0:
called_computation.2_lowered:
.L_overlay_start_0:
0x88: {  	s2 =	sld [smem:$0x3FD9]  }
0x89: {  	s3 =	sld [smem:$0x3FFE];
	_ =	sdelay $0x1  }
0x8a: {  	s1 =	srdreg.scid  }
0x8b: {  	s0 =	sand.u32 $0x1, s1  }
0x8c: {  	s17 =	sshll.u32 s0, $0xA;
	s2 =	sadd.s32 s3, s2  }
0x8d: {  	s2 =	sadd.s32 s2, s17  }
0x8e: {  	[smem:$0x3FC3] =	sst s2  }
0x8f: {  	_ = 	snop  }
0x90: {  	s2 =	sld [smem:$0x3FD0];
	(tm) =	ssettm $0x1  }
0x91: {  	s18 =	sld [smem:$0x3FFB];
	_ =	sdelay $0x3  }
0x92: {  	_ =	strace s18  }
0x93: {  	s3 =	sld [smem:$0x3FFC];
	_ =	sdelay $0x3  }
0x94: {  	_ =	strace s3  }
0x95: {  	s3 =	sld [smem:$0x3FFD];
	_ =	sdelay $0x3  }
0x96: {  	_ =	strace s3  }
0x97: {  	_ =	strace $0x8FFFFFFF  }
0x98: {  	s19 =	sld [smem:$0x3FDB];
	_ =	sdelay $0x1  }
0x99: {  	s4 =	simm.s32 $_scs_section_size  }
0x9a: {  	s5 =	simm.s32 $_size__tile_overlayer_lowered;
	s6 =	simm.s32 $_tile_overlayer_lowered  }
0x9b: {  	s22 =	simm.s32 $0x1BFF;
	s21 =	sshll.u32 s6, $0x1;
	s3 =	sadd.s32 s4, s19  }
0x9c: {  	s7 =	simm.s32 $0x0;
	s20 =	sshll.u32 s5, $0x1;
	s5 =	sadd.s32 s21, s3  }
0x9d: {  	[timem:s7], [sflag:s22] =	dma.local [hbm:s5], s20  }
0x9e: {  	_ =	swait.ge [sflag:s22], s20  }
0x9f: {  	s4 =	ssub.s32 $0x0, s20;
	[sflag:s22] =	ssyncset.done $0x0  }
0xa0: {  	[sflag:s22] =	ssyncadd.s32 s4;
	_ =	sdelay $0x1  }
0xa1: {  	s23 =	simm.s32 $0x1B8B  }
0xa2: {  	_ =	swait.ge [sflag:s23], $0x1  }
0xa3: {  	[sflag:s23] =	ssyncset.done $0x0  }
0xa4: {  	s25 =	simm.s32 $0x1B8E;
	s24 =	sld [smem:$0x3FFE];
	[sflag:s23] =	ssyncadd.s32 $0xFFFFFFFF  }
0xa5: {  	s26 =	simm.s32 $execute0_lowered;
	[smem:$0x3FD2] =	sst s25  }
0xa6: {  	s5 =	sshll.u32 s26, $0x1;
	_ =	strace $0x80000046;
	[dreg:$0x1] =	wrdreg $0xFFFFFFFF  }
0xa7: {  	s28 =	simm.s32 $_size_execute0_lowered;
	s3 =	sadd.s32 s3, s5;
	[dreg:$0x0] =	wrdreg $0x0  }
0xa8: {  	s5 =	sshll.u32 s28, $0x1;
	[dreg:$0x2] =	wrdreg s3  }
0xa9: {  	[dreg:$0x3] =	wrdreg s5  }
0xaa: {  	[dreg:$0x4] =	wrdreg $0xC0  }
0xab: {  	_ =	task [dreg:s7], $0x5FFFF  }
0xac: {  	[dreg:$0x1] =	wrdreg $0xFFFFFFFF  }
0xad: {  	[dreg:$0x0] =	wrdreg $0x60  }
0xae: {  	[dreg:$0x2] =	wrdreg s2  }
0xaf: {  	[dreg:$0x3] =	wrdreg s24  }
0xb0: {  	[dreg:$0x4] =	wrdreg $0x9  }
0xb1: {  	_ =	task.clear_ibuf [dreg:s7], $0x5FFFF;
	_ =	strace $0x90000046  }
0xb2: {  	s29 =	simm.s32 $0x9;
	_ =	strace $0x80000048  }
0xb3: {  	_ =	swait.ge [sflag:s29], $0x1  }
0xb4: {  	[sflag:s29] =	ssyncadd.s32 $0xFFFFFFFF  }
0xb5: {  	_ =	strace $0x90000048  }
0xb6: {  	_ =	sfence  }
0xb7: {  	s30 =	sld [smem:$0x0];
	_ =	sdelay $0x2  }
0xb8: {  	s31 =	sshll.u32 s1, $0xD;
	s1 =	sshrl.u32 s1, $0x2  }
0xb9: {  	s3 =	sand.u32 $0x4000, s31;
	s1 =	sadd.s32 s1, s30  }
0xba: {  	s0 =	sor.u32 s3, s0;
	s1 =	sshll.u32 s1, $0x11  }
0xbb: {  	s0 =	sor.u32 s1, s0  }
0xbc: {  	s0 =	sadd.s32 $0x8F2B, s0  }
0xbd: {  	[sflag:s0] =	ssyncadd.remote.s32 $0x1  }
0xbe: {  	_ =	sfence.sel $0xFFFF  }
0xbf: {  	[dreg:$0x0] =	wrdreg $0xFFFFFFFF;
	(pc) =	sbr.abs _section_cstart, $3  }
0xc0: {  	[dreg:$0x1] =	wrdreg $0xFFFFFFFF  }
0xc1: {  	_ =	task.clear_ibuf [dreg:s7], $0x2FFFF;
	_ =	strace $0x9FFFFFFF  }
0xc2: {  	(tm) =	ssettm $0x7FFFFFFF  }
0xc3: {  	_ =	shalt  }
tec
execute0_lowered:
.L_overlay_start_1:
0x0: {  	(tag) =	ssettag $0x1  }
0x1: {  	s0 =	srdreg.scid  }
0x2: {  	s9 =	stileid.u32;
	s2 =	rddreg [dreg:$0x0]  }
0x3: {  	s6 =	rddreg [dreg:$0x1];
	s0 =	sand.u32 $0x1, s0;
	s1 =	sshll.u32 s9, $0x1  }
0x4: {  	s3 =	simm.s32 $0x0;
	s19 =	simm.s32 $0x40;
	s1 =	sor.u32 s0, s1  }
0x5: {  	s28 =	simm.s32 $0xEF00;
	s29 =	simm.s32 $0x2;
	s4 =	smul.u32 $0x9C, s1  }
0x6: {  	s30 =	simm.s32 $0x12F00;
	s31 =	simm.s32 $0x3;
	s1 =	smin.u32 s1, $0x8  }
0x7: {  	[smem:$0x7FF] =	sst s3;
	s0 =	ssub.s32 $0x2, s0;
	s4 =	sadd.s32 s1, s4  }
0x8: {  	s5 =	sadd.s32 $0x14E00, s6;
	s21 =	sshrl.u32 s0, $0x1;
	s1 =	smin.u32 s4, $0x12EB  }
0x9: {  	p0 =	sgt.u32 s9, $0x3;
	s0 =	ssub.s32 s0, s21;
	s7 =	sshll.u32 s1, $0x3  }
0xa: {  	_ =	strace $0x80000047;
	s0 =	smax.u32 s0, $0x1;
	s8 =	sadd.s32 s7, s6  }
0xb: {  	s25 =	sshll.u32 s4, $0xA;
	[dreg:$0xa] =	wrdreg s0;
	s22 =	sadd.s32 $0xB000, s8  }
0xc: {  	s7 =	ssub.s32 s4, s1;
	s23 =	sadd.s32 $0x1200, s8;
	[dreg:$0x3] =	wrdreg s22  }
0xd: {  	s6 =	sadd.s32 $0x3C000, s6;
	s24 =	sshll.u32 s7, $0x6;
	[dreg:$0x4] =	wrdreg s23  }
0xe: {  	s12 =	sadd.s32 $0x3, s7;
	s10 =	sadd.s32 $0x2780, s24;
	[dreg:$0x5] =	wrdreg s24  }
.Ltmp0:
0xf: {  	s26 =	sadd.s32 $0x2700, s24;
	[dreg:$0x6] =	wrdreg s10;
	(pc) =	sbr.rel .LBB2_1-.Ltmp0, $4  }
0x10: {  	s1 =	sadd.s32 s25, s6;
	s8 =	sadd.s32 $0x4E80, s24;
	[dreg:$0x7] =	wrdreg s26  }
0x11: {  	s25 =	simm.s32 $0x10F00;
	s1 =	sadd.s32 $0x27000, s1;
	[dreg:$0x8] =	wrdreg s8  }
0x12: {  	s23 =	simm.s32 $0xCF00;
	s24 =	simm.s32 $0x1;
	[dreg:$0x9] =	wrdreg s1  }
0x13: {  	s26 =	simm.s32 $0x8F00;
	s1 =	simm.s32 $0x14F00;
	s8 =	simm.s32 $0x0  }
.LBB2_13:
0x14: {  	s8 =	sadd.s32 $0x1, s8;
	s0 =	rddreg [dreg:$0xa]  }
0x15: {  	p1 =	sne.s32 s8, s0  }
.Ltmp1:
0x16: {  	_ = 	snop;
	(pc) =	sbr.rel @!p1 .LBB2_14-.Ltmp1, $1  }
0x17: {  	_ =	sdelay $0x3  }
.LBB2_1:
0x18: {  	[dreg:$0xb] =	wrdreg s8  }
0x19: {  	s0 =	rddreg [dreg:$0x3];
	s16 =	simm.s32 $0x7  }
0x1a: {  	[tilespmem:s3], [sflag:$0x7] =	stream.linear.gather [hbm4b:s0+s3], $0x2740, $0x38;
	[tilespmem:$0x16F00] =	vst v63  }
0x1b: {  	_ =	swait.ge [sflag:s16], $0x2740  }
0x1c: {  	[sflag:s16] =	ssyncset.done $0x0  }
0x1d: {  	s9 =	simm.s32 $0x2780;
	s17 =	rddreg [dreg:$0x4];
	[sflag:s16] =	ssyncadd.s32 $0xFFFFD8C0  }
0x1e: {  	[tilespmem:s9], [sflag:$0x7] =	stream.linear.gather [hbm4b:s17+s3], $0x2740, $0x38;
	[tilespmem:$0x16F00] =	vst v63  }
0x1f: {  	_ =	swait.ge [sflag:s16], $0x2740  }
0x20: {  	[sflag:s16] =	ssyncset.done $0x0  }
0x21: {  	s20 =	simm.s32 $0x4F00;
	s18 =	rddreg [dreg:$0x5];
	[sflag:s16] =	ssyncadd.s32 $0xFFFFD8C0  }
0x22: {  	[tilespmem:s20], [sflag:$0x1] =	stream.indirect.gather [hbm4b:s2+s19], $0x80, s18, s19, $0xb8;
	[tilespmem:$0x16F00] =	vst v63  }
0x23: {  	s22 =	simm.s32 $0xAF00;
	s15 =	simm.s32 $0x0;
	s21 =	rddreg [dreg:$0x6]  }
0x24: {  	[tilespmem:s22], [sflag:$0x1] =	stream.indirect.gather [hbm4b:s5+s19], $0x80, s21, s19, $0xb8;
	[tilespmem:$0x16F00] =	vst v63  }
.LBB2_2:
0x25: {  	s20 =	smul.u32 $0x3, s15;
	_ =	sdelay $0x1  }
0x26: {  	s8 =	sadd.s32 $0x1, s20  }
0x27: {  	s0 =	sadd.s32 s7, s8  }
0x28: {  	s9 =	simm.s32 $0x6F00;
	s0 =	sshll.u32 s0, $0x6  }
0x29: {  	[tilespmem:s9], [sflag:$0x2] =	stream.indirect.gather [hbm4b:s2+s19], $0x80, s0, s19, $0xb8;
	[tilespmem:$0x16F00] =	vst v63  }
0x2a: {  	s0 =	sadd.s32 $0x2780, s0  }
0x2b: {  	[tilespmem:s23], [sflag:$0x2] =	stream.indirect.gather [hbm4b:s5+s19], $0x80, s0, s19, $0xb8;
	[tilespmem:$0x16F00] =	vst v63  }
0x2c: {  	_ =	swait.ge [sflag:s24], $0x2000  }
0x2d: {  	[sflag:s24] =	ssyncset.done $0x0  }
0x2e: {  	[sflag:s24] =	ssyncadd.s32 $0xFFFFE000  }
0x2f: {  	_ =	swait.ge [sflag:s24], $0x2000  }
0x30: {  	p1 =	seq.s32 s15, $0x0;
	[sflag:s24] =	ssyncset.done $0x0  }
0x31: {  	s0 =	simm.s32 @!p1 $0x4;
	[sflag:s24] =	ssyncadd.s32 $0xFFFFE000  }
0x32: {  	_ =	swait.ge @!p1 [sflag:s0], $0x2000  }
0x33: {  	[sflag:s0] =	ssyncset.done @!p1 $0x0  }
0x34: {  	s17 =	simm.s32 $0x4F80;
	[sflag:s0] =	ssyncadd.s32 @!p1 $0xFFFFE000  }
0x35: {  	s22 =	simm.s32 $0xAF80;
	v0 =	vld [tilespmem:s17+$0x0]  }
0x36: {  	v1 =	vld [tilespmem:s22+$0x0]  }
0x37: {  	v2 =	vld [tilespmem:s17+$0x10]  }
0x38: {  	v3 =	vld [tilespmem:s22+$0x10];
	_ =	sdelay $0x1  }
0x39: {  	v4 =	vld [tilespmem:s22+$0xFFFFFF80]  }
0x3a: {  	v5 =	vld [tilespmem:s17+$0xFFFFFF90]  }
0x3b: {  	v6 =	vld [tilespmem:s22+$0xFFFFFF90]  }
0x3c: {  	v7 =	vld [tilespmem:s17+$0xFFFFFF80];
	v0 =	vadd.f32 v1, v0;
	v1 =	vadd.f32 v3, v2;
	_ =	sdelay $0x1  }
0x3d: {  	v0 =	vadd.s32 $0x8000, v0;
	v1 =	vadd.s32 $0x8000, v1  }
0x3e: {  	v0 =	vshrl.u32 v0, $0x10;
	v1 =	vand.u32 $0xFFFF0000, v1  }
0x3f: {  	s21 =	simm.s32 $0x10F80;
	v0 =	vor.u32 v0, v1  }
0x40: {  	v2 =	vadd.f32 v4, v7;
	v1 =	vadd.f32 v6, v5;
	[tilespmem:s21+$0x0] =	vst v0  }
0x41: {  	v0 =	vld [tilespmem:s17+$0x20]  }
0x42: {  	v2 =	vadd.s32 $0x8000, v2;
	v1 =	vadd.s32 $0x8000, v1;
	v3 =	vld [tilespmem:s22+$0x20]  }
0x43: {  	v2 =	vshrl.u32 v2, $0x10;
	v4 =	vld [tilespmem:s17+$0x30];
	v1 =	vand.u32 $0xFFFF0000, v1  }
0x44: {  	v1 =	vor.u32 v2, v1;
	v2 =	vld [tilespmem:s22+$0x30]  }
0x45: {  	s11 =	simm.s32 $0x5080  }
0x46: {  	v8 =	vld [tilespmem:s11+$0x10];
	[tilespmem:s21+$0xFFFFFF80] =	vst v1  }
0x47: {  	v1 =	vld [tilespmem:s17+$0xFFFFFFA0]  }
0x48: {  	v5 =	vld [tilespmem:s22+$0xFFFFFFA0]  }
0x49: {  	v6 =	vld [tilespmem:s17+$0xFFFFFFB0];
	v0 =	vadd.f32 v3, v0;
	v2 =	vadd.f32 v2, v4  }
0x4a: {  	v7 =	vld [tilespmem:s22+$0xFFFFFFB0]  }
0x4b: {  	s16 =	simm.s32 $0xB080;
	v3 =	vld [tilespmem:s11+$0x0];
	v0 =	vadd.s32 $0x8000, v0;
	v2 =	vadd.s32 $0x8000, v2  }
0x4c: {  	v4 =	vld [tilespmem:s16+$0x0];
	v0 =	vshrl.u32 v0, $0x10;
	v2 =	vand.u32 $0xFFFF0000, v2  }
0x4d: {  	v0 =	vor.u32 v0, v2;
	v2 =	vld [tilespmem:s16+$0x10]  }
0x4e: {  	[tilespmem:s21+$0x10] =	vst v0  }
0x4f: {  	v1 =	vadd.f32 v5, v1;
	v0 =	vld [tilespmem:s17+$0x40]  }
0x50: {  	v6 =	vadd.f32 v7, v6;
	v5 =	vld [tilespmem:s22+$0x40]  }
0x51: {  	v1 =	vadd.s32 $0x8000, v1;
	v7 =	vld [tilespmem:s17+$0x50]  }
0x52: {  	v3 =	vadd.f32 v4, v3;
	v4 =	vadd.s32 $0x8000, v6;
	v9 =	vld [tilespmem:s22+$0x50];
	v2 =	vadd.f32 v2, v8  }
0x53: {  	v1 =	vshrl.u32 v1, $0x10;
	v6 =	vld [tilespmem:s16+$0xFFFFFF80];
	v4 =	vand.u32 $0xFFFF0000, v4  }
0x54: {  	v3 =	vadd.s32 $0x8000, v3;
	v1 =	vor.u32 v1, v4;
	v4 =	vld [tilespmem:s16+$0xFFFFFF90];
	v2 =	vadd.s32 $0x8000, v2  }
0x55: {  	v3 =	vshrl.u32 v3, $0x10;
	[tilespmem:s21+$0xFFFFFF90] =	vst v1;
	v1 =	vld [tilespmem:s11+$0xFFFFFF80];
	v2 =	vand.u32 $0xFFFF0000, v2  }
0x56: {  	s9 =	simm.s32 $0x11080;
	v8 =	vld [tilespmem:s11+$0xFFFFFF90];
	v2 =	vor.u32 v3, v2  }
0x57: {  	v0 =	vadd.f32 v5, v0;
	v3 =	vadd.f32 v9, v7;
	[tilespmem:s9+$0x0] =	vst v2  }
0x58: {  	v2 =	vld [tilespmem:s11+$0x20]  }
0x59: {  	v0 =	vadd.s32 $0x8000, v0;
	v3 =	vadd.s32 $0x8000, v3;
	v7 =	vld [tilespmem:s16+$0x20]  }
0x5a: {  	v0 =	vshrl.u32 v0, $0x10;
	v9 =	vld [tilespmem:s11+$0x30];
	v3 =	vand.u32 $0xFFFF0000, v3  }
0x5b: {  	s10 =	simm.s32 $0x5180;
	v1 =	vadd.f32 v6, v1;
	v0 =	vor.u32 v0, v3;
	v3 =	vadd.f32 v4, v8;
	v4 =	vld [tilespmem:s16+$0x30]  }
0x5c: {  	s13 =	simm.s32 $0xB180;
	v15 =	vld [tilespmem:s10+$0x0]  }
0x5d: {  	v16 =	vld [tilespmem:s13+$0x0];
	v1 =	vadd.s32 $0x8000, v1;
	v3 =	vadd.s32 $0x8000, v3  }
0x5e: {  	v17 =	vld [tilespmem:s13+$0xFFFFFF80];
	v1 =	vshrl.u32 v1, $0x10;
	v3 =	vand.u32 $0xFFFF0000, v3  }
0x5f: {  	v54 =	vld [tilespmem:s10+$0xFFFFFF90];
	v1 =	vor.u32 v1, v3  }
0x60: {  	v55 =	vld [tilespmem:s13+$0xFFFFFF90];
	[tilespmem:s9+$0xFFFFFF80] =	vst v1;
	v1 =	vadd.f32 v7, v2;
	v2 =	vadd.f32 v4, v9  }
0x61: {  	v56 =	vld [tilespmem:s22+$0xFFFFFFD0]  }
0x62: {  	v4 =	vld [tilespmem:s11+$0xFFFFFFA0];
	v1 =	vadd.s32 $0x8000, v1;
	v2 =	vadd.s32 $0x8000, v2  }
0x63: {  	v7 =	vld [tilespmem:s16+$0xFFFFFFA0];
	v1 =	vshrl.u32 v1, $0x10;
	v2 =	vand.u32 $0xFFFF0000, v2  }
0x64: {  	v9 =	vld [tilespmem:s11+$0xFFFFFFB0];
	v1 =	vor.u32 v1, v2  }
0x65: {  	v11 =	vld [tilespmem:s16+$0xFFFFFFB0];
	[tilespmem:s9+$0x10] =	vst v1  }
0x66: {  	v1 =	vld [tilespmem:s11+$0x40]  }
0x67: {  	v12 =	vld [tilespmem:s16+$0x40]  }
0x68: {  	v13 =	vld [tilespmem:s11+$0x50]  }
0x69: {  	v14 =	vld [tilespmem:s16+$0x50]  }
0x6a: {  	v5 =	vld [tilespmem:s17+$0xFFFFFFC0]  }
0x6b: {  	v6 =	vld [tilespmem:s22+$0xFFFFFFC0]  }
0x6c: {  	v4 =	vadd.f32 v7, v4;
	v7 =	vld [tilespmem:s10+$0x10]  }
0x6d: {  	[tilespmem:s21+$0x20] =	vst v0;
	v9 =	vadd.f32 v11, v9;
	v11 =	vld [tilespmem:s13+$0x10]  }
0x6e: {  	v0 =	vld [tilespmem:s17+$0x60];
	v4 =	vadd.s32 $0x8000, v4;
	v1 =	vadd.f32 v12, v1;
	v53 =	vadd.f32 v14, v13  }
0x6f: {  	v8 =	vld [tilespmem:s22+$0x60];
	v9 =	vadd.s32 $0x8000, v9;
	v4 =	vshrl.u32 v4, $0x10  }
0x70: {  	v10 =	vld [tilespmem:s17+$0x70];
	v9 =	vand.u32 $0xFFFF0000, v9;
	v1 =	vadd.s32 $0x8000, v1;
	v12 =	vadd.s32 $0x8000, v53  }
0x71: {  	v4 =	vor.u32 v4, v9;
	v9 =	vld [tilespmem:s10+$0xFFFFFF80];
	v1 =	vshrl.u32 v1, $0x10;
	v12 =	vand.u32 $0xFFFF0000, v12  }
0x72: {  	v3 =	vld [tilespmem:s22+$0x70];
	[tilespmem:s9+$0xFFFFFF90] =	vst v4;
	v4 =	vadd.f32 v16, v15;
	v7 =	vadd.f32 v11, v7;
	v1 =	vor.u32 v1, v12  }
0x73: {  	v2 =	vld [tilespmem:s17+$0xFFFFFFD0];
	[tilespmem:s9+$0x20] =	vst v1  }
0x74: {  	v1 =	vadd.s32 $0x8000, v4;
	v4 =	vadd.s32 $0x8000, v7;
	v7 =	vld [tilespmem:s11+$0x60]  }
0x75: {  	v1 =	vshrl.u32 v1, $0x10;
	v4 =	vand.u32 $0xFFFF0000, v4;
	v57 =	vld [tilespmem:s16+$0x60]  }
0x76: {  	s18 =	simm.s32 $0x11180;
	v13 =	vadd.f32 v55, v54;
	v9 =	vadd.f32 v17, v9;
	v1 =	vor.u32 v1, v4;
	v4 =	vld [tilespmem:s11+$0x70]  }
0x77: {  	[tilespmem:s18+$0x0] =	vst v1;
	v1 =	vld [tilespmem:s16+$0x70]  }
0x78: {  	v13 =	vadd.s32 $0x8000, v13;
	v9 =	vadd.s32 $0x8000, v9;
	v58 =	vld [tilespmem:s10+$0x20]  }
0x79: {  	v13 =	vand.u32 $0xFFFF0000, v13;
	v9 =	vshrl.u32 v9, $0x10;
	v59 =	vld [tilespmem:s13+$0x20]  }
0x7a: {  	v5 =	vadd.f32 v6, v5;
	v9 =	vor.u32 v9, v13;
	v60 =	vld [tilespmem:s10+$0x30]  }
0x7b: {  	v2 =	vadd.f32 v56, v2;
	[tilespmem:s18+$0xFFFFFF80] =	vst v9;
	v6 =	vld [tilespmem:s13+$0x30]  }
0x7c: {  	v5 =	vadd.s32 $0x8000, v5;
	v9 =	vld [tilespmem:s10+$0xFFFFFFA0]  }
0x7d: {  	v0 =	vadd.f32 v8, v0;
	v3 =	vadd.f32 v3, v10;
	v2 =	vadd.s32 $0x8000, v2;
	v8 =	vld [tilespmem:s13+$0xFFFFFFA0]  }
0x7e: {  	v5 =	vshrl.u32 v5, $0x10;
	v2 =	vand.u32 $0xFFFF0000, v2;
	v10 =	vld [tilespmem:s10+$0xFFFFFFB0]  }
0x7f: {  	v0 =	vadd.s32 $0x8000, v0;
	v3 =	vadd.s32 $0x8000, v3;
	v2 =	vor.u32 v5, v2;
	v5 =	vld [tilespmem:s13+$0xFFFFFFB0]  }
0x80: {  	v0 =	vshrl.u32 v0, $0x10;
	v3 =	vand.u32 $0xFFFF0000, v3;
	v62 =	vld [tilespmem:s11+$0xFFFFFFD0]  }
0x81: {  	v63 =	vor.u32 v0, v3;
	v3 =	vld [tilespmem:s16+$0xFFFFFFD0];
	v0 =	vadd.f32 v57, v7  }
0x82: {  	v11 =	vld [tilespmem:s11+$0xFFFFFFC0];
	v14 =	vadd.f32 v59, v58;
	v6 =	vadd.f32 v6, v60  }
0x83: {  	v61 =	vld [tilespmem:s16+$0xFFFFFFC0];
	[tilespmem:s21+$0xFFFFFFA0] =	vst v2;
	v1 =	vadd.f32 v1, v4;
	v4 =	vadd.f32 v8, v9  }
0x84: {  	v7 =	vld [tilespmem:s17+$0xFFFFFFE0];
	v5 =	vadd.f32 v5, v10;
	v2 =	vadd.s32 $0x8000, v14;
	v6 =	vadd.s32 $0x8000, v6  }
0x85: {  	v8 =	vld [tilespmem:s22+$0xFFFFFFE0];
	v9 =	vadd.s32 $0x8000, v0;
	v2 =	vshrl.u32 v2, $0x10;
	v6 =	vand.u32 $0xFFFF0000, v6  }
0x86: {  	v1 =	vadd.s32 $0x8000, v1;
	v0 =	vld [tilespmem:s17+$0xFFFFFFF0];
	v10 =	vadd.f32 v3, v62;
	v2 =	vor.u32 v2, v6  }
0x87: {  	v9 =	vshrl.u32 v9, $0x10;
	v1 =	vand.u32 $0xFFFF0000, v1;
	v4 =	vadd.s32 $0x8000, v4;
	[tilespmem:s18+$0x10] =	vst v2;
	v2 =	vld [tilespmem:s22+$0xFFFFFFF0]  }
0x88: {  	v5 =	vadd.s32 $0x8000, v5;
	v1 =	vor.u32 v9, v1;
	v6 =	vadd.f32 v61, v11;
	v3 =	vld [tilespmem:s10+$0x40]  }
0x89: {  	[tilespmem:s21+$0x30] =	vst v63;
	v10 =	vadd.s32 $0x8000, v10;
	v4 =	vshrl.u32 v4, $0x10;
	v9 =	vand.u32 $0xFFFF0000, v5;
	v5 =	vld [tilespmem:s13+$0x40]  }
0x8a: {  	[tilespmem:s9+$0x30] =	vst v1;
	v9 =	vor.u32 v4, v9;
	v11 =	vadd.s32 $0x8000, v6;
	v6 =	vld [tilespmem:s10+$0x50];
	v4 =	vadd.f32 v8, v7  }
0x8b: {  	s14 =	simm.s32 $0x4;
	s0 =	simm.s32 $0xB180;
	s17 =	simm.s32 $0x5280;
	[tilespmem:s18+$0xFFFFFF90] =	vst v9;
	v7 =	vld [tilespmem:s13+$0x50];
	v8 =	vand.u32 $0xFFFF0000, v10;
	v1 =	vshrl.u32 v11, $0x10  }
.LBB2_3:
0x8c: {  	v9 =	vld [tilespmem:s17+$0x0];
	s13 =	sadd.s32 $0x100, s13;
	v1 =	vor.u32 v1, v8;
	v0 =	vadd.f32 v2, v0;
	v2 =	vadd.s32 $0x8000, v4  }
0x8d: {  	v4 =	vld [tilespmem:s13+$0x0];
	[tilespmem:s9+$0xFFFFFFA0] =	vst v1;
	v1 =	vshrl.u32 v2, $0x10  }
0x8e: {  	v2 =	vld [tilespmem:s17+$0x10];
	v0 =	vadd.s32 $0x8000, v0  }
0x8f: {  	v8 =	vld [tilespmem:s13+$0x10];
	v0 =	vand.u32 $0xFFFF0000, v0  }
0x90: {  	v3 =	vadd.f32 v5, v3;
	v10 =	vld [tilespmem:s13+$0xFFFFFF80];
	v5 =	vadd.f32 v7, v6;
	v0 =	vor.u32 v1, v0  }
0x91: {  	v1 =	vld [tilespmem:s17+$0xFFFFFF90];
	[tilespmem:s21+$0xFFFFFFB0] =	vst v0;
	s21 =	smov.u32 s9;
	s9 =	smov.u32 s18  }
0x92: {  	v3 =	vadd.s32 $0x8000, v3;
	v0 =	vld [tilespmem:s13+$0xFFFFFF90];
	v5 =	vadd.s32 $0x8000, v5  }
0x93: {  	v3 =	vshrl.u32 v3, $0x10;
	v6 =	vld [tilespmem:s17+$0xFFFFFF80];
	v5 =	vand.u32 $0xFFFF0000, v5  }
0x94: {  	v4 =	vadd.f32 v4, v9;
	v2 =	vadd.f32 v8, v2;
	v7 =	vld [tilespmem:s10+$0xFFFFFFC0];
	v3 =	vor.u32 v3, v5  }
0x95: {  	v5 =	vld [tilespmem:s0+$0xFFFFFFC0];
	[tilespmem:s18+$0x20] =	vst v3  }
0x96: {  	v3 =	vadd.s32 $0x8000, v4;
	v2 =	vadd.s32 $0x8000, v2;
	v4 =	vld [tilespmem:s10+$0x60]  }
0x97: {  	v0 =	vadd.f32 v0, v1;
	v1 =	vshrl.u32 v3, $0x10;
	v2 =	vand.u32 $0xFFFF0000, v2;
	v3 =	vld [tilespmem:s0+$0x60]  }
0x98: {  	s14 =	sadd.s32 $0x2, s14;
	s18 =	sadd.s32 $0x100, s18;
	v6 =	vadd.f32 v10, v6;
	v1 =	vor.u32 v1, v2;
	v2 =	vld [tilespmem:s10+$0x70]  }
0x99: {  	p2 =	slt.u32 s14, $0x3E;
	v0 =	vadd.s32 $0x8000, v0;
	[tilespmem:s18+$0x0] =	vst v1;
	v8 =	vld [tilespmem:s0+$0x70]  }
0x9a: {  	v1 =	vadd.s32 $0x8000, v6;
	v0 =	vand.u32 $0xFFFF0000, v0;
	v6 =	vld [tilespmem:s17+$0x20];
	v5 =	vadd.f32 v5, v7  }
0x9b: {  	v1 =	vshrl.u32 v1, $0x10;
	v7 =	vld [tilespmem:s13+$0x20]  }
0x9c: {  	v0 =	vor.u32 v1, v0;
	v9 =	vld [tilespmem:s17+$0x30];
	v1 =	vadd.s32 $0x8000, v5  }
0x9d: {  	[tilespmem:s18+$0xFFFFFF80] =	vst v0;
	v0 =	vld [tilespmem:s13+$0x30];
	v1 =	vshrl.u32 v1, $0x10  }
0x9e: {  	v3 =	vadd.f32 v3, v4;
	v5 =	vld [tilespmem:s17+$0xFFFFFFA0];
	v2 =	vadd.f32 v8, v2  }
0x9f: {  	v4 =	vld [tilespmem:s13+$0xFFFFFFA0]  }
0xa0: {  	v3 =	vadd.s32 $0x8000, v3;
	v8 =	vld [tilespmem:s17+$0xFFFFFFB0];
	v2 =	vadd.s32 $0x8000, v2  }
0xa1: {  	v3 =	vshrl.u32 v3, $0x10;
	v10 =	vld [tilespmem:s13+$0xFFFFFFB0];
	v2 =	vand.u32 $0xFFFF0000, v2  }
0xa2: {  	v6 =	vadd.f32 v7, v6;
	v0 =	vadd.f32 v0, v9;
	v7 =	vld [tilespmem:s10+$0xFFFFFFD0];
	v2 =	vor.u32 v3, v2  }
0xa3: {  	v9 =	vld [tilespmem:s0+$0xFFFFFFD0];
	[tilespmem:s9+$0x30] =	vst v2  }
0xa4: {  	v3 =	vadd.s32 $0x8000, v6;
	v2 =	vadd.f32 v4, v5;
	v0 =	vadd.s32 $0x8000, v0;
	v4 =	vld [tilespmem:s11+$0xFFFFFFE0]  }
0xa5: {  	v3 =	vshrl.u32 v3, $0x10;
	v0 =	vand.u32 $0xFFFF0000, v0;
	v11 =	vld [tilespmem:s16+$0xFFFFFFE0]  }
0xa6: {  	v5 =	vadd.f32 v10, v8;
	v2 =	vadd.s32 $0x8000, v2;
	v3 =	vor.u32 v3, v0;
	v0 =	vld [tilespmem:s11+$0xFFFFFFF0];
	s11 =	smov.u32 s10;
	s10 =	smov.u32 s17  }
.Ltmp2:
0xa7: {  	v6 =	vshrl.u32 v2, $0x10;
	[tilespmem:s18+$0x10] =	vst v3;
	v2 =	vld [tilespmem:s16+$0xFFFFFFF0];
	s16 =	smov.u32 s0;
	s0 =	smov.u32 s13;
	(pc) =	sbr.rel @p2 .LBB2_3-.Ltmp2, $4  }
0xa8: {  	v5 =	vadd.s32 $0x8000, v5;
	v3 =	vld [tilespmem:s17+$0x40];
	v7 =	vadd.f32 v9, v7  }
0xa9: {  	v8 =	vand.u32 $0xFFFF0000, v5;
	v5 =	vld [tilespmem:s13+$0x40]  }
0xaa: {  	v8 =	vor.u32 v6, v8;
	v6 =	vld [tilespmem:s17+$0x50];
	v9 =	vadd.s32 $0x8000, v7;
	v4 =	vadd.f32 v11, v4  }
0xab: {  	s17 =	sadd.s32 $0x100, s17;
	[tilespmem:s18+$0xFFFFFF90] =	vst v8;
	v7 =	vld [tilespmem:s13+$0x50];
	v8 =	vand.u32 $0xFFFF0000, v9  }
0xac: {  	_ =	sdelay $0x1  }
0xad: {  	v9 =	vld [tilespmem:s10+$0xFFFFFFD0]  }
0xae: {  	v10 =	vld [tilespmem:s0+$0xFFFFFFD0]  }
0xaf: {  	v3 =	vadd.f32 v5, v3;
	v5 =	vadd.f32 v7, v6;
	v6 =	vld [tilespmem:s10+$0xFFFFFFC0]  }
0xb0: {  	v7 =	vld [tilespmem:s0+$0xFFFFFFC0];
	_ =	sdelay $0x1  }
0xb1: {  	v1 =	vor.u32 v1, v8  }
0xb2: {  	[tilespmem:s9+$0xFFFFFFA0] =	vst v1;
	v3 =	vadd.s32 $0x8000, v3;
	v5 =	vadd.s32 $0x8000, v5  }
0xb3: {  	v11 =	vld [tilespmem:s11+$0xFFFFFFF0];
	v3 =	vshrl.u32 v3, $0x10;
	v5 =	vand.u32 $0xFFFF0000, v5  }
0xb4: {  	v3 =	vor.u32 v3, v5;
	v6 =	vadd.f32 v7, v6;
	v7 =	vadd.f32 v10, v9;
	v9 =	vld [tilespmem:s11+$0xFFFFFFE0]  }
0xb5: {  	[tilespmem:s18+$0x20] =	vst v3;
	v10 =	vld [tilespmem:s16+$0xFFFFFFE0]  }
0xb6: {  	v3 =	vld [tilespmem:s10+$0x60]  }
0xb7: {  	v5 =	vld [tilespmem:s0+$0x60];
	v6 =	vadd.s32 $0x8000, v6;
	v7 =	vadd.s32 $0x8000, v7  }
0xb8: {  	v8 =	vld [tilespmem:s10+$0x70];
	v6 =	vshrl.u32 v6, $0x10;
	v7 =	vand.u32 $0xFFFF0000, v7  }
0xb9: {  	v1 =	vld [tilespmem:s0+$0x70];
	v6 =	vor.u32 v6, v7  }
0xba: {  	v7 =	vld [tilespmem:s16+$0xFFFFFFF0];
	[tilespmem:s18+$0xFFFFFFA0] =	vst v6  }
0xbb: {  	v0 =	vadd.f32 v2, v0;
	v6 =	vld [tilespmem:s10+$0xFFFFFFE0]  }
0xbc: {  	v2 =	vld [tilespmem:s0+$0xFFFFFFE0]  }
0xbd: {  	v4 =	vadd.s32 $0x8000, v4;
	v0 =	vadd.s32 $0x8000, v0;
	v12 =	vld [tilespmem:s10+$0xFFFFFFF0]  }
0xbe: {  	v4 =	vshrl.u32 v4, $0x10;
	v0 =	vand.u32 $0xFFFF0000, v0;
	v13 =	vld [tilespmem:s0+$0xFFFFFFF0]  }
0xbf: {  	v0 =	vor.u32 v4, v0;
	v4 =	vadd.f32 v10, v9;
	v3 =	vadd.f32 v5, v3  }
0xc0: {  	v1 =	vadd.f32 v1, v8  }
0xc1: {  	v4 =	vadd.s32 $0x8000, v4;
	v3 =	vadd.s32 $0x8000, v3  }
0xc2: {  	v1 =	vadd.s32 $0x8000, v1;
	v3 =	vshrl.u32 v3, $0x10;
	v5 =	vadd.f32 v7, v11  }
0xc3: {  	v1 =	vand.u32 $0xFFFF0000, v1;
	v2 =	vadd.f32 v2, v6;
	v6 =	vadd.f32 v13, v12  }
0xc4: {  	v1 =	vor.u32 v3, v1;
	v3 =	vshrl.u32 v4, $0x10;
	v4 =	vadd.s32 $0x8000, v5  }
0xc5: {  	[tilespmem:s21+$0xFFFFFFB0] =	vst v0;
	s21 =	sadd.s32 s4, s20;
	v0 =	vand.u32 $0xFFFF0000, v4;
	v2 =	vadd.s32 $0x8000, v2;
	v4 =	vadd.s32 $0x8000, v6  }
0xc6: {  	s0 =	sshll.u32 s21, $0xA;
	[tilespmem:s18+$0x30] =	vst v1;
	v0 =	vor.u32 v3, v0;
	v1 =	vshrl.u32 v2, $0x10;
	v2 =	vand.u32 $0xFFFF0000, v4  }
0xc7: {  	s21 =	sadd.s32 $0x2, s20;
	s0 =	sand.u32 $0x1FFFFC00, s0;
	[tilespmem:s9+$0xFFFFFFB0] =	vst v0;
	v0 =	vor.u32 v1, v2  }
0xc8: {  	s22 =	sadd.s32 s7, s21;
	s0 =	sadd.s32 s6, s0;
	[tilespmem:s18+$0xFFFFFFB0] =	vst v0  }
0xc9: {  	[hbm4b:s0+s3] =	stream.linear.scatter [tilespmem:s25], [sflag:$0x4], $0x2000, $0x38;
	[tilespmem:$0x16F00] =	vst v63  }
0xca: {  	s0 =	sshll.u32 s22, $0x6  }
0xcb: {  	[tilespmem:s26], [sflag:$0x3] =	stream.indirect.gather [hbm4b:s2+s19], $0x80, s0, s19, $0xb8;
	[tilespmem:$0x16F00] =	vst v63  }
0xcc: {  	s0 =	sadd.s32 $0x2780, s0  }
0xcd: {  	[tilespmem:s28], [sflag:$0x3] =	stream.indirect.gather [hbm4b:s5+s19], $0x80, s0, s19, $0xb8;
	[tilespmem:$0x16F00] =	vst v63  }
0xce: {  	_ =	swait.ge [sflag:s29], $0x2000  }
0xcf: {  	[sflag:s29] =	ssyncset.done $0x0  }
0xd0: {  	[sflag:s29] =	ssyncadd.s32 $0xFFFFE000  }
0xd1: {  	_ =	swait.ge [sflag:s29], $0x2000  }
0xd2: {  	[sflag:s29] =	ssyncset.done $0x0  }
0xd3: {  	s0 =	simm.s32 @!p1 $0x5;
	[sflag:s29] =	ssyncadd.s32 $0xFFFFE000  }
0xd4: {  	_ =	swait.ge @!p1 [sflag:s0], $0x2000  }
0xd5: {  	[sflag:s0] =	ssyncset.done @!p1 $0x0  }
0xd6: {  	s14 =	simm.s32 $0x6F80;
	[sflag:s0] =	ssyncadd.s32 @!p1 $0xFFFFE000  }
0xd7: {  	s17 =	simm.s32 $0xCF80;
	v0 =	vld [tilespmem:s14+$0x0]  }
0xd8: {  	v1 =	vld [tilespmem:s17+$0x0]  }
0xd9: {  	v2 =	vld [tilespmem:s14+$0x10]  }
0xda: {  	v3 =	vld [tilespmem:s17+$0x10];
	_ =	sdelay $0x1  }
0xdb: {  	v4 =	vld [tilespmem:s17+$0xFFFFFF80]  }
0xdc: {  	v5 =	vld [tilespmem:s14+$0xFFFFFF90]  }
0xdd: {  	v6 =	vld [tilespmem:s17+$0xFFFFFF90]  }
0xde: {  	v7 =	vld [tilespmem:s14+$0xFFFFFF80];
	v0 =	vadd.f32 v1, v0;
	v1 =	vadd.f32 v3, v2;
	_ =	sdelay $0x1  }
0xdf: {  	v0 =	vadd.s32 $0x8000, v0;
	v1 =	vadd.s32 $0x8000, v1  }
0xe0: {  	v0 =	vshrl.u32 v0, $0x10;
	v1 =	vand.u32 $0xFFFF0000, v1  }
0xe1: {  	s9 =	simm.s32 $0x12F80;
	v0 =	vor.u32 v0, v1  }
0xe2: {  	v2 =	vadd.f32 v4, v7;
	v1 =	vadd.f32 v6, v5;
	[tilespmem:s9+$0x0] =	vst v0  }
0xe3: {  	v0 =	vld [tilespmem:s14+$0x20]  }
0xe4: {  	v2 =	vadd.s32 $0x8000, v2;
	v1 =	vadd.s32 $0x8000, v1;
	v3 =	vld [tilespmem:s17+$0x20]  }
0xe5: {  	v2 =	vshrl.u32 v2, $0x10;
	v4 =	vld [tilespmem:s14+$0x30];
	v1 =	vand.u32 $0xFFFF0000, v1  }
0xe6: {  	v1 =	vor.u32 v2, v1;
	v2 =	vld [tilespmem:s17+$0x30]  }
0xe7: {  	s16 =	simm.s32 $0x7080  }
0xe8: {  	v8 =	vld [tilespmem:s16+$0x10];
	[tilespmem:s9+$0xFFFFFF80] =	vst v1  }
0xe9: {  	v1 =	vld [tilespmem:s14+$0xFFFFFFA0]  }
0xea: {  	v5 =	vld [tilespmem:s17+$0xFFFFFFA0]  }
0xeb: {  	v6 =	vld [tilespmem:s14+$0xFFFFFFB0];
	v0 =	vadd.f32 v3, v0;
	v2 =	vadd.f32 v2, v4  }
0xec: {  	v7 =	vld [tilespmem:s17+$0xFFFFFFB0]  }
0xed: {  	s10 =	simm.s32 $0xD080;
	v3 =	vld [tilespmem:s16+$0x0];
	v0 =	vadd.s32 $0x8000, v0;
	v2 =	vadd.s32 $0x8000, v2  }
0xee: {  	v4 =	vld [tilespmem:s10+$0x0];
	v0 =	vshrl.u32 v0, $0x10;
	v2 =	vand.u32 $0xFFFF0000, v2  }
0xef: {  	v0 =	vor.u32 v0, v2;
	v2 =	vld [tilespmem:s10+$0x10]  }
0xf0: {  	[tilespmem:s9+$0x10] =	vst v0  }
0xf1: {  	v1 =	vadd.f32 v5, v1;
	v0 =	vld [tilespmem:s14+$0x40]  }
0xf2: {  	v6 =	vadd.f32 v7, v6;
	v5 =	vld [tilespmem:s17+$0x40]  }
0xf3: {  	v1 =	vadd.s32 $0x8000, v1;
	v7 =	vld [tilespmem:s14+$0x50]  }
0xf4: {  	v3 =	vadd.f32 v4, v3;
	v4 =	vadd.s32 $0x8000, v6;
	v9 =	vld [tilespmem:s17+$0x50];
	v2 =	vadd.f32 v2, v8  }
0xf5: {  	v1 =	vshrl.u32 v1, $0x10;
	v6 =	vld [tilespmem:s10+$0xFFFFFF80];
	v4 =	vand.u32 $0xFFFF0000, v4  }
0xf6: {  	v3 =	vadd.s32 $0x8000, v3;
	v1 =	vor.u32 v1, v4;
	v4 =	vld [tilespmem:s10+$0xFFFFFF90];
	v2 =	vadd.s32 $0x8000, v2  }
0xf7: {  	v3 =	vshrl.u32 v3, $0x10;
	[tilespmem:s9+$0xFFFFFF90] =	vst v1;
	v1 =	vld [tilespmem:s16+$0xFFFFFF80];
	v2 =	vand.u32 $0xFFFF0000, v2  }
0xf8: {  	s11 =	simm.s32 $0x13080;
	v8 =	vld [tilespmem:s16+$0xFFFFFF90];
	v2 =	vor.u32 v3, v2  }
0xf9: {  	v0 =	vadd.f32 v5, v0;
	v3 =	vadd.f32 v9, v7;
	[tilespmem:s11+$0x0] =	vst v2  }
0xfa: {  	v2 =	vld [tilespmem:s16+$0x20]  }
0xfb: {  	v0 =	vadd.s32 $0x8000, v0;
	v3 =	vadd.s32 $0x8000, v3;
	v7 =	vld [tilespmem:s10+$0x20]  }
0xfc: {  	v0 =	vshrl.u32 v0, $0x10;
	v9 =	vld [tilespmem:s16+$0x30];
	v3 =	vand.u32 $0xFFFF0000, v3  }
0xfd: {  	s18 =	simm.s32 $0x7180;
	v1 =	vadd.f32 v6, v1;
	v0 =	vor.u32 v0, v3;
	v3 =	vadd.f32 v4, v8;
	v4 =	vld [tilespmem:s10+$0x30]  }
0xfe: {  	s0 =	simm.s32 $0xD180;
	v15 =	vld [tilespmem:s18+$0x0]  }
0xff: {  	v16 =	vld [tilespmem:s0+$0x0];
	v1 =	vadd.s32 $0x8000, v1;
	v3 =	vadd.s32 $0x8000, v3  }
0x100: {  	v17 =	vld [tilespmem:s0+$0xFFFFFF80];
	v1 =	vshrl.u32 v1, $0x10;
	v3 =	vand.u32 $0xFFFF0000, v3  }
0x101: {  	v54 =	vld [tilespmem:s18+$0xFFFFFF90];
	v1 =	vor.u32 v1, v3  }
0x102: {  	v55 =	vld [tilespmem:s0+$0xFFFFFF90];
	[tilespmem:s11+$0xFFFFFF80] =	vst v1;
	v1 =	vadd.f32 v7, v2;
	v2 =	vadd.f32 v4, v9  }
0x103: {  	v56 =	vld [tilespmem:s17+$0xFFFFFFD0]  }
0x104: {  	v4 =	vld [tilespmem:s16+$0xFFFFFFA0];
	v1 =	vadd.s32 $0x8000, v1;
	v2 =	vadd.s32 $0x8000, v2  }
0x105: {  	v7 =	vld [tilespmem:s10+$0xFFFFFFA0];
	v1 =	vshrl.u32 v1, $0x10;
	v2 =	vand.u32 $0xFFFF0000, v2  }
0x106: {  	v9 =	vld [tilespmem:s16+$0xFFFFFFB0];
	v1 =	vor.u32 v1, v2  }
0x107: {  	v11 =	vld [tilespmem:s10+$0xFFFFFFB0];
	[tilespmem:s11+$0x10] =	vst v1  }
0x108: {  	v1 =	vld [tilespmem:s16+$0x40]  }
0x109: {  	v51 =	vld [tilespmem:s10+$0x40]  }
0x10a: {  	v52 =	vld [tilespmem:s16+$0x50]  }
0x10b: {  	v14 =	vld [tilespmem:s10+$0x50]  }
0x10c: {  	v5 =	vld [tilespmem:s14+$0xFFFFFFC0]  }
0x10d: {  	v6 =	vld [tilespmem:s17+$0xFFFFFFC0]  }
0x10e: {  	v4 =	vadd.f32 v7, v4;
	v7 =	vld [tilespmem:s18+$0x10]  }
0x10f: {  	[tilespmem:s9+$0x20] =	vst v0;
	v9 =	vadd.f32 v11, v9;
	v11 =	vld [tilespmem:s0+$0x10]  }
0x110: {  	v0 =	vld [tilespmem:s14+$0x60];
	v4 =	vadd.s32 $0x8000, v4;
	v1 =	vadd.f32 v51, v1;
	v53 =	vadd.f32 v14, v52  }
0x111: {  	v8 =	vld [tilespmem:s17+$0x60];
	v9 =	vadd.s32 $0x8000, v9;
	v4 =	vshrl.u32 v4, $0x10  }
0x112: {  	v10 =	vld [tilespmem:s14+$0x70];
	v9 =	vand.u32 $0xFFFF0000, v9;
	v1 =	vadd.s32 $0x8000, v1;
	v12 =	vadd.s32 $0x8000, v53  }
0x113: {  	v4 =	vor.u32 v4, v9;
	v9 =	vld [tilespmem:s18+$0xFFFFFF80];
	v1 =	vshrl.u32 v1, $0x10;
	v12 =	vand.u32 $0xFFFF0000, v12  }
0x114: {  	v3 =	vld [tilespmem:s17+$0x70];
	[tilespmem:s11+$0xFFFFFF90] =	vst v4;
	v4 =	vadd.f32 v16, v15;
	v7 =	vadd.f32 v11, v7;
	v1 =	vor.u32 v1, v12  }
0x115: {  	v2 =	vld [tilespmem:s14+$0xFFFFFFD0];
	[tilespmem:s11+$0x20] =	vst v1  }
0x116: {  	v1 =	vadd.s32 $0x8000, v4;
	v4 =	vadd.s32 $0x8000, v7;
	v7 =	vld [tilespmem:s16+$0x60]  }
0x117: {  	v1 =	vshrl.u32 v1, $0x10;
	v4 =	vand.u32 $0xFFFF0000, v4;
	v57 =	vld [tilespmem:s10+$0x60]  }
0x118: {  	s13 =	simm.s32 $0x13180;
	v13 =	vadd.f32 v55, v54;
	v9 =	vadd.f32 v17, v9;
	v1 =	vor.u32 v1, v4;
	v4 =	vld [tilespmem:s16+$0x70]  }
0x119: {  	[tilespmem:s13+$0x0] =	vst v1;
	v1 =	vld [tilespmem:s10+$0x70]  }
0x11a: {  	v13 =	vadd.s32 $0x8000, v13;
	v9 =	vadd.s32 $0x8000, v9;
	v58 =	vld [tilespmem:s18+$0x20]  }
0x11b: {  	v13 =	vand.u32 $0xFFFF0000, v13;
	v9 =	vshrl.u32 v9, $0x10;
	v59 =	vld [tilespmem:s0+$0x20]  }
0x11c: {  	v5 =	vadd.f32 v6, v5;
	v9 =	vor.u32 v9, v13;
	v60 =	vld [tilespmem:s18+$0x30]  }
0x11d: {  	v2 =	vadd.f32 v56, v2;
	[tilespmem:s13+$0xFFFFFF80] =	vst v9;
	v6 =	vld [tilespmem:s0+$0x30]  }
0x11e: {  	v5 =	vadd.s32 $0x8000, v5;
	v9 =	vld [tilespmem:s18+$0xFFFFFFA0]  }
0x11f: {  	v0 =	vadd.f32 v8, v0;
	v3 =	vadd.f32 v3, v10;
	v2 =	vadd.s32 $0x8000, v2;
	v8 =	vld [tilespmem:s0+$0xFFFFFFA0]  }
0x120: {  	v5 =	vshrl.u32 v5, $0x10;
	v2 =	vand.u32 $0xFFFF0000, v2;
	v10 =	vld [tilespmem:s18+$0xFFFFFFB0]  }
0x121: {  	v0 =	vadd.s32 $0x8000, v0;
	v3 =	vadd.s32 $0x8000, v3;
	v2 =	vor.u32 v5, v2;
	v5 =	vld [tilespmem:s0+$0xFFFFFFB0]  }
0x122: {  	v0 =	vshrl.u32 v0, $0x10;
	v3 =	vand.u32 $0xFFFF0000, v3;
	v62 =	vld [tilespmem:s16+$0xFFFFFFD0]  }
0x123: {  	v63 =	vor.u32 v0, v3;
	v3 =	vld [tilespmem:s10+$0xFFFFFFD0];
	v0 =	vadd.f32 v57, v7  }
0x124: {  	v11 =	vld [tilespmem:s16+$0xFFFFFFC0];
	v14 =	vadd.f32 v59, v58;
	v6 =	vadd.f32 v6, v60  }
0x125: {  	v61 =	vld [tilespmem:s10+$0xFFFFFFC0];
	[tilespmem:s9+$0xFFFFFFA0] =	vst v2;
	v1 =	vadd.f32 v1, v4;
	v4 =	vadd.f32 v8, v9  }
0x126: {  	v7 =	vld [tilespmem:s14+$0xFFFFFFE0];
	v5 =	vadd.f32 v5, v10;
	v2 =	vadd.s32 $0x8000, v14;
	v6 =	vadd.s32 $0x8000, v6  }
0x127: {  	v8 =	vld [tilespmem:s17+$0xFFFFFFE0];
	v9 =	vadd.s32 $0x8000, v0;
	v2 =	vshrl.u32 v2, $0x10;
	v6 =	vand.u32 $0xFFFF0000, v6  }
0x128: {  	v1 =	vadd.s32 $0x8000, v1;
	v0 =	vld [tilespmem:s14+$0xFFFFFFF0];
	v10 =	vadd.f32 v3, v62;
	v2 =	vor.u32 v2, v6  }
0x129: {  	v9 =	vshrl.u32 v9, $0x10;
	v1 =	vand.u32 $0xFFFF0000, v1;
	v4 =	vadd.s32 $0x8000, v4;
	[tilespmem:s13+$0x10] =	vst v2;
	v2 =	vld [tilespmem:s17+$0xFFFFFFF0]  }
0x12a: {  	v5 =	vadd.s32 $0x8000, v5;
	v1 =	vor.u32 v9, v1;
	v6 =	vadd.f32 v61, v11;
	v3 =	vld [tilespmem:s18+$0x40]  }
0x12b: {  	[tilespmem:s9+$0x30] =	vst v63;
	v10 =	vadd.s32 $0x8000, v10;
	v4 =	vshrl.u32 v4, $0x10;
	v9 =	vand.u32 $0xFFFF0000, v5;
	v5 =	vld [tilespmem:s0+$0x40]  }
0x12c: {  	[tilespmem:s11+$0x30] =	vst v1;
	v9 =	vor.u32 v4, v9;
	v11 =	vadd.s32 $0x8000, v6;
	v6 =	vld [tilespmem:s18+$0x50];
	v4 =	vadd.f32 v8, v7  }
0x12d: {  	s22 =	simm.s32 $0x7280;
	s14 =	simm.s32 $0xD180;
	s17 =	simm.s32 $0x4;
	[tilespmem:s13+$0xFFFFFF90] =	vst v9;
	v7 =	vld [tilespmem:s0+$0x50];
	v8 =	vand.u32 $0xFFFF0000, v10;
	v1 =	vshrl.u32 v11, $0x10  }
.LBB2_5:
0x12e: {  	v9 =	vld [tilespmem:s22+$0x0];
	s0 =	sadd.s32 $0x100, s0;
	v1 =	vor.u32 v1, v8;
	v0 =	vadd.f32 v2, v0;
	v2 =	vadd.s32 $0x8000, v4  }
0x12f: {  	v4 =	vld [tilespmem:s0+$0x0];
	[tilespmem:s11+$0xFFFFFFA0] =	vst v1;
	v1 =	vshrl.u32 v2, $0x10  }
0x130: {  	v2 =	vld [tilespmem:s22+$0x10];
	v0 =	vadd.s32 $0x8000, v0  }
0x131: {  	v8 =	vld [tilespmem:s0+$0x10];
	v0 =	vand.u32 $0xFFFF0000, v0  }
0x132: {  	v3 =	vadd.f32 v5, v3;
	v10 =	vld [tilespmem:s0+$0xFFFFFF80];
	v5 =	vadd.f32 v7, v6;
	v0 =	vor.u32 v1, v0  }
0x133: {  	v1 =	vld [tilespmem:s22+$0xFFFFFF90];
	[tilespmem:s9+$0xFFFFFFB0] =	vst v0;
	s9 =	smov.u32 s11;
	s11 =	smov.u32 s13  }
0x134: {  	v3 =	vadd.s32 $0x8000, v3;
	v0 =	vld [tilespmem:s0+$0xFFFFFF90];
	v5 =	vadd.s32 $0x8000, v5  }
0x135: {  	v3 =	vshrl.u32 v3, $0x10;
	v6 =	vld [tilespmem:s22+$0xFFFFFF80];
	v5 =	vand.u32 $0xFFFF0000, v5  }
0x136: {  	v4 =	vadd.f32 v4, v9;
	v2 =	vadd.f32 v8, v2;
	v7 =	vld [tilespmem:s18+$0xFFFFFFC0];
	v3 =	vor.u32 v3, v5  }
0x137: {  	v5 =	vld [tilespmem:s14+$0xFFFFFFC0];
	[tilespmem:s13+$0x20] =	vst v3  }
0x138: {  	v3 =	vadd.s32 $0x8000, v4;
	v2 =	vadd.s32 $0x8000, v2;
	v4 =	vld [tilespmem:s18+$0x60]  }
0x139: {  	v0 =	vadd.f32 v0, v1;
	v1 =	vshrl.u32 v3, $0x10;
	v2 =	vand.u32 $0xFFFF0000, v2;
	v3 =	vld [tilespmem:s14+$0x60]  }
0x13a: {  	s17 =	sadd.s32 $0x2, s17;
	s13 =	sadd.s32 $0x100, s13;
	v6 =	vadd.f32 v10, v6;
	v1 =	vor.u32 v1, v2;
	v2 =	vld [tilespmem:s18+$0x70]  }
0x13b: {  	p2 =	slt.u32 s17, $0x3E;
	v0 =	vadd.s32 $0x8000, v0;
	[tilespmem:s13+$0x0] =	vst v1;
	v8 =	vld [tilespmem:s14+$0x70]  }
0x13c: {  	v1 =	vadd.s32 $0x8000, v6;
	v0 =	vand.u32 $0xFFFF0000, v0;
	v6 =	vld [tilespmem:s22+$0x20];
	v5 =	vadd.f32 v5, v7  }
0x13d: {  	v1 =	vshrl.u32 v1, $0x10;
	v7 =	vld [tilespmem:s0+$0x20]  }
0x13e: {  	v0 =	vor.u32 v1, v0;
	v9 =	vld [tilespmem:s22+$0x30];
	v1 =	vadd.s32 $0x8000, v5  }
0x13f: {  	[tilespmem:s13+$0xFFFFFF80] =	vst v0;
	v0 =	vld [tilespmem:s0+$0x30];
	v1 =	vshrl.u32 v1, $0x10  }
0x140: {  	v3 =	vadd.f32 v3, v4;
	v5 =	vld [tilespmem:s22+$0xFFFFFFA0];
	v2 =	vadd.f32 v8, v2  }
0x141: {  	v4 =	vld [tilespmem:s0+$0xFFFFFFA0]  }
0x142: {  	v3 =	vadd.s32 $0x8000, v3;
	v8 =	vld [tilespmem:s22+$0xFFFFFFB0];
	v2 =	vadd.s32 $0x8000, v2  }
0x143: {  	v3 =	vshrl.u32 v3, $0x10;
	v10 =	vld [tilespmem:s0+$0xFFFFFFB0];
	v2 =	vand.u32 $0xFFFF0000, v2  }
0x144: {  	v6 =	vadd.f32 v7, v6;
	v0 =	vadd.f32 v0, v9;
	v7 =	vld [tilespmem:s18+$0xFFFFFFD0];
	v2 =	vor.u32 v3, v2  }
0x145: {  	v9 =	vld [tilespmem:s14+$0xFFFFFFD0];
	[tilespmem:s11+$0x30] =	vst v2  }
0x146: {  	v3 =	vadd.s32 $0x8000, v6;
	v2 =	vadd.f32 v4, v5;
	v0 =	vadd.s32 $0x8000, v0;
	v4 =	vld [tilespmem:s16+$0xFFFFFFE0]  }
0x147: {  	v3 =	vshrl.u32 v3, $0x10;
	v0 =	vand.u32 $0xFFFF0000, v0;
	v11 =	vld [tilespmem:s10+$0xFFFFFFE0]  }
0x148: {  	v5 =	vadd.f32 v10, v8;
	v2 =	vadd.s32 $0x8000, v2;
	v3 =	vor.u32 v3, v0;
	v0 =	vld [tilespmem:s16+$0xFFFFFFF0];
	s16 =	smov.u32 s18;
	s18 =	smov.u32 s22  }
.Ltmp3:
0x149: {  	v6 =	vshrl.u32 v2, $0x10;
	[tilespmem:s13+$0x10] =	vst v3;
	v2 =	vld [tilespmem:s10+$0xFFFFFFF0];
	s10 =	smov.u32 s14;
	s14 =	smov.u32 s0;
	(pc) =	sbr.rel @p2 .LBB2_5-.Ltmp3, $4  }
0x14a: {  	v5 =	vadd.s32 $0x8000, v5;
	v3 =	vld [tilespmem:s22+$0x40];
	v7 =	vadd.f32 v9, v7  }
0x14b: {  	v8 =	vand.u32 $0xFFFF0000, v5;
	v5 =	vld [tilespmem:s0+$0x40]  }
0x14c: {  	v8 =	vor.u32 v6, v8;
	v6 =	vld [tilespmem:s22+$0x50];
	v9 =	vadd.s32 $0x8000, v7;
	v4 =	vadd.f32 v11, v4  }
0x14d: {  	s22 =	sadd.s32 $0x100, s22;
	[tilespmem:s13+$0xFFFFFF90] =	vst v8;
	v7 =	vld [tilespmem:s0+$0x50];
	v8 =	vand.u32 $0xFFFF0000, v9  }
0x14e: {  	_ =	sdelay $0x1  }
0x14f: {  	v9 =	vld [tilespmem:s18+$0xFFFFFFD0]  }
0x150: {  	v10 =	vld [tilespmem:s14+$0xFFFFFFD0]  }
0x151: {  	v3 =	vadd.f32 v5, v3;
	v5 =	vadd.f32 v7, v6;
	v6 =	vld [tilespmem:s18+$0xFFFFFFC0]  }
0x152: {  	v7 =	vld [tilespmem:s14+$0xFFFFFFC0];
	_ =	sdelay $0x1  }
0x153: {  	v1 =	vor.u32 v1, v8  }
0x154: {  	[tilespmem:s11+$0xFFFFFFA0] =	vst v1;
	v3 =	vadd.s32 $0x8000, v3;
	v5 =	vadd.s32 $0x8000, v5  }
0x155: {  	v11 =	vld [tilespmem:s16+$0xFFFFFFF0];
	v3 =	vshrl.u32 v3, $0x10;
	v5 =	vand.u32 $0xFFFF0000, v5  }
0x156: {  	v3 =	vor.u32 v3, v5;
	v6 =	vadd.f32 v7, v6;
	v7 =	vadd.f32 v10, v9;
	v9 =	vld [tilespmem:s16+$0xFFFFFFE0]  }
0x157: {  	[tilespmem:s13+$0x20] =	vst v3;
	v10 =	vld [tilespmem:s10+$0xFFFFFFE0]  }
0x158: {  	v3 =	vld [tilespmem:s18+$0x60]  }
0x159: {  	v5 =	vld [tilespmem:s14+$0x60];
	v6 =	vadd.s32 $0x8000, v6;
	v7 =	vadd.s32 $0x8000, v7  }
0x15a: {  	v8 =	vld [tilespmem:s18+$0x70];
	v6 =	vshrl.u32 v6, $0x10;
	v7 =	vand.u32 $0xFFFF0000, v7  }
0x15b: {  	v1 =	vld [tilespmem:s14+$0x70];
	v6 =	vor.u32 v6, v7  }
0x15c: {  	v7 =	vld [tilespmem:s10+$0xFFFFFFF0];
	[tilespmem:s13+$0xFFFFFFA0] =	vst v6  }
0x15d: {  	v0 =	vadd.f32 v2, v0;
	v6 =	vld [tilespmem:s18+$0xFFFFFFE0]  }
0x15e: {  	v2 =	vld [tilespmem:s14+$0xFFFFFFE0]  }
0x15f: {  	v4 =	vadd.s32 $0x8000, v4;
	v0 =	vadd.s32 $0x8000, v0;
	v12 =	vld [tilespmem:s18+$0xFFFFFFF0]  }
0x160: {  	v4 =	vshrl.u32 v4, $0x10;
	v0 =	vand.u32 $0xFFFF0000, v0;
	v13 =	vld [tilespmem:s14+$0xFFFFFFF0]  }
0x161: {  	v0 =	vor.u32 v4, v0;
	v4 =	vadd.f32 v10, v9;
	v3 =	vadd.f32 v5, v3  }
0x162: {  	v1 =	vadd.f32 v1, v8  }
0x163: {  	v4 =	vadd.s32 $0x8000, v4;
	v3 =	vadd.s32 $0x8000, v3  }
0x164: {  	v1 =	vadd.s32 $0x8000, v1;
	v3 =	vshrl.u32 v3, $0x10;
	v5 =	vadd.f32 v7, v11  }
0x165: {  	v1 =	vand.u32 $0xFFFF0000, v1;
	v2 =	vadd.f32 v2, v6;
	v6 =	vadd.f32 v13, v12  }
0x166: {  	v1 =	vor.u32 v3, v1;
	v3 =	vshrl.u32 v4, $0x10;
	v4 =	vadd.s32 $0x8000, v5  }
0x167: {  	s0 =	sadd.s32 s4, s8;
	[tilespmem:s9+$0xFFFFFFB0] =	vst v0;
	v0 =	vand.u32 $0xFFFF0000, v4;
	v2 =	vadd.s32 $0x8000, v2;
	v4 =	vadd.s32 $0x8000, v6  }
0x168: {  	s0 =	sshll.u32 s0, $0xA;
	[tilespmem:s13+$0x30] =	vst v1;
	v0 =	vor.u32 v3, v0;
	v1 =	vshrl.u32 v2, $0x10;
	v2 =	vand.u32 $0xFFFF0000, v4  }
0x169: {  	s0 =	sand.u32 $0x1FFFFC00, s0;
	[tilespmem:s11+$0xFFFFFFB0] =	vst v0;
	v0 =	vor.u32 v1, v2  }
0x16a: {  	p2 =	seq.s32 s15, $0x33;
	s0 =	sadd.s32 s6, s0;
	[tilespmem:s13+$0xFFFFFFB0] =	vst v0  }
0x16b: {  	[hbm4b:s0+s3] =	stream.linear.scatter [tilespmem:s30], [sflag:$0x5], $0x2000, $0x38;
	[tilespmem:$0x16F00] =	vst v63  }
0x16c: {  	s0 =	sadd.s32 @!p2 s20, s12  }
0x16d: {  	s8 =	simm.s32 @!p2 $0x40;
	s9 =	simm.s32 @!p2 $0x4F00;
	s0 =	sshll.u32 @!p2 s0, $0x6  }
0x16e: {  	[tilespmem:s9], [sflag:$0x1] =	stream.indirect.gather @!p2 [hbm4b:s2+s8], $0x80, s0, s8, $0xb8;
	[tilespmem:$0x16F00] =	vst v63  }
0x16f: {  	s0 =	sadd.s32 @!p2 $0x2780, s0;
	s9 =	simm.s32 @!p2 $0xAF00  }
0x170: {  	[tilespmem:s9], [sflag:$0x1] =	stream.indirect.gather @!p2 [hbm4b:s5+s8], $0x80, s0, s8, $0xb8;
	[tilespmem:$0x16F00] =	vst v63  }
0x171: {  	_ =	swait.ge [sflag:s31], $0x2000  }
0x172: {  	[sflag:s31] =	ssyncset.done $0x0  }
0x173: {  	[sflag:s31] =	ssyncadd.s32 $0xFFFFE000  }
0x174: {  	_ =	swait.ge [sflag:s31], $0x2000  }
0x175: {  	[sflag:s31] =	ssyncset.done $0x0  }
0x176: {  	s0 =	simm.s32 @!p1 $0x6;
	[sflag:s31] =	ssyncadd.s32 $0xFFFFE000  }
0x177: {  	_ =	swait.ge @!p1 [sflag:s0], $0x2000  }
0x178: {  	[sflag:s0] =	ssyncset.done @!p1 $0x0  }
0x179: {  	s22 =	simm.s32 $0x8F80;
	[sflag:s0] =	ssyncadd.s32 @!p1 $0xFFFFE000  }
0x17a: {  	s17 =	simm.s32 $0xEF80;
	v0 =	vld [tilespmem:s22+$0x0]  }
0x17b: {  	v1 =	vld [tilespmem:s17+$0x0]  }
0x17c: {  	v2 =	vld [tilespmem:s22+$0x10]  }
0x17d: {  	v3 =	vld [tilespmem:s17+$0x10];
	_ =	sdelay $0x1  }
0x17e: {  	v4 =	vld [tilespmem:s17+$0xFFFFFF80]  }
0x17f: {  	v5 =	vld [tilespmem:s22+$0xFFFFFF90]  }
0x180: {  	v6 =	vld [tilespmem:s17+$0xFFFFFF90]  }
0x181: {  	v7 =	vld [tilespmem:s22+$0xFFFFFF80];
	v0 =	vadd.f32 v1, v0;
	v1 =	vadd.f32 v3, v2;
	_ =	sdelay $0x1  }
0x182: {  	v0 =	vadd.s32 $0x8000, v0;
	v1 =	vadd.s32 $0x8000, v1  }
0x183: {  	v0 =	vshrl.u32 v0, $0x10;
	v1 =	vand.u32 $0xFFFF0000, v1  }
0x184: {  	s8 =	simm.s32 $0x14F80;
	v0 =	vor.u32 v0, v1  }
0x185: {  	v2 =	vadd.f32 v4, v7;
	v1 =	vadd.f32 v6, v5;
	[tilespmem:s8+$0x0] =	vst v0  }
0x186: {  	v0 =	vld [tilespmem:s22+$0x20]  }
0x187: {  	v2 =	vadd.s32 $0x8000, v2;
	v1 =	vadd.s32 $0x8000, v1;
	v3 =	vld [tilespmem:s17+$0x20]  }
0x188: {  	v2 =	vshrl.u32 v2, $0x10;
	v4 =	vld [tilespmem:s22+$0x30];
	v1 =	vand.u32 $0xFFFF0000, v1  }
0x189: {  	v1 =	vor.u32 v2, v1;
	v2 =	vld [tilespmem:s17+$0x30]  }
0x18a: {  	s10 =	simm.s32 $0x9080  }
0x18b: {  	v8 =	vld [tilespmem:s10+$0x10];
	[tilespmem:s8+$0xFFFFFF80] =	vst v1  }
0x18c: {  	v1 =	vld [tilespmem:s22+$0xFFFFFFA0]  }
0x18d: {  	v5 =	vld [tilespmem:s17+$0xFFFFFFA0]  }
0x18e: {  	v6 =	vld [tilespmem:s22+$0xFFFFFFB0];
	v0 =	vadd.f32 v3, v0;
	v2 =	vadd.f32 v2, v4  }
0x18f: {  	v7 =	vld [tilespmem:s17+$0xFFFFFFB0]  }
0x190: {  	s11 =	simm.s32 $0xF080;
	v3 =	vld [tilespmem:s10+$0x0];
	v0 =	vadd.s32 $0x8000, v0;
	v2 =	vadd.s32 $0x8000, v2  }
0x191: {  	v4 =	vld [tilespmem:s11+$0x0];
	v0 =	vshrl.u32 v0, $0x10;
	v2 =	vand.u32 $0xFFFF0000, v2  }
0x192: {  	v0 =	vor.u32 v0, v2;
	v2 =	vld [tilespmem:s11+$0x10]  }
0x193: {  	[tilespmem:s8+$0x10] =	vst v0  }
0x194: {  	v1 =	vadd.f32 v5, v1;
	v0 =	vld [tilespmem:s22+$0x40]  }
0x195: {  	v6 =	vadd.f32 v7, v6;
	v5 =	vld [tilespmem:s17+$0x40]  }
0x196: {  	v1 =	vadd.s32 $0x8000, v1;
	v7 =	vld [tilespmem:s22+$0x50]  }
0x197: {  	v3 =	vadd.f32 v4, v3;
	v4 =	vadd.s32 $0x8000, v6;
	v9 =	vld [tilespmem:s17+$0x50];
	v2 =	vadd.f32 v2, v8  }
0x198: {  	v1 =	vshrl.u32 v1, $0x10;
	v6 =	vld [tilespmem:s11+$0xFFFFFF80];
	v4 =	vand.u32 $0xFFFF0000, v4  }
0x199: {  	v3 =	vadd.s32 $0x8000, v3;
	v1 =	vor.u32 v1, v4;
	v4 =	vld [tilespmem:s11+$0xFFFFFF90];
	v2 =	vadd.s32 $0x8000, v2  }
0x19a: {  	v3 =	vshrl.u32 v3, $0x10;
	[tilespmem:s8+$0xFFFFFF90] =	vst v1;
	v1 =	vld [tilespmem:s10+$0xFFFFFF80];
	v2 =	vand.u32 $0xFFFF0000, v2  }
0x19b: {  	s9 =	simm.s32 $0x15080;
	v8 =	vld [tilespmem:s10+$0xFFFFFF90];
	v2 =	vor.u32 v3, v2  }
0x19c: {  	v0 =	vadd.f32 v5, v0;
	v3 =	vadd.f32 v9, v7;
	[tilespmem:s9+$0x0] =	vst v2  }
0x19d: {  	v2 =	vld [tilespmem:s10+$0x20]  }
0x19e: {  	v0 =	vadd.s32 $0x8000, v0;
	v3 =	vadd.s32 $0x8000, v3;
	v7 =	vld [tilespmem:s11+$0x20]  }
0x19f: {  	v0 =	vshrl.u32 v0, $0x10;
	v9 =	vld [tilespmem:s10+$0x30];
	v3 =	vand.u32 $0xFFFF0000, v3  }
0x1a0: {  	s16 =	simm.s32 $0x9180;
	v1 =	vadd.f32 v6, v1;
	v0 =	vor.u32 v0, v3;
	v3 =	vadd.f32 v4, v8;
	v4 =	vld [tilespmem:s11+$0x30]  }
0x1a1: {  	s0 =	simm.s32 $0xF180;
	v15 =	vld [tilespmem:s16+$0x0]  }
0x1a2: {  	v16 =	vld [tilespmem:s0+$0x0];
	v1 =	vadd.s32 $0x8000, v1;
	v3 =	vadd.s32 $0x8000, v3  }
0x1a3: {  	v17 =	vld [tilespmem:s0+$0xFFFFFF80];
	v1 =	vshrl.u32 v1, $0x10;
	v3 =	vand.u32 $0xFFFF0000, v3  }
0x1a4: {  	v54 =	vld [tilespmem:s16+$0xFFFFFF90];
	v1 =	vor.u32 v1, v3  }
0x1a5: {  	v55 =	vld [tilespmem:s0+$0xFFFFFF90];
	[tilespmem:s9+$0xFFFFFF80] =	vst v1;
	v1 =	vadd.f32 v7, v2;
	v2 =	vadd.f32 v4, v9  }
0x1a6: {  	v56 =	vld [tilespmem:s17+$0xFFFFFFD0]  }
0x1a7: {  	v4 =	vld [tilespmem:s10+$0xFFFFFFA0];
	v1 =	vadd.s32 $0x8000, v1;
	v2 =	vadd.s32 $0x8000, v2  }
0x1a8: {  	v7 =	vld [tilespmem:s11+$0xFFFFFFA0];
	v1 =	vshrl.u32 v1, $0x10;
	v2 =	vand.u32 $0xFFFF0000, v2  }
0x1a9: {  	v9 =	vld [tilespmem:s10+$0xFFFFFFB0];
	v1 =	vor.u32 v1, v2  }
0x1aa: {  	v11 =	vld [tilespmem:s11+$0xFFFFFFB0];
	[tilespmem:s9+$0x10] =	vst v1  }
0x1ab: {  	v1 =	vld [tilespmem:s10+$0x40]  }
0x1ac: {  	v51 =	vld [tilespmem:s11+$0x40]  }
0x1ad: {  	v52 =	vld [tilespmem:s10+$0x50]  }
0x1ae: {  	v14 =	vld [tilespmem:s11+$0x50]  }
0x1af: {  	v5 =	vld [tilespmem:s22+$0xFFFFFFC0]  }
0x1b0: {  	v6 =	vld [tilespmem:s17+$0xFFFFFFC0]  }
0x1b1: {  	v4 =	vadd.f32 v7, v4;
	v7 =	vld [tilespmem:s16+$0x10]  }
0x1b2: {  	[tilespmem:s8+$0x20] =	vst v0;
	v9 =	vadd.f32 v11, v9;
	v11 =	vld [tilespmem:s0+$0x10]  }
0x1b3: {  	v0 =	vld [tilespmem:s22+$0x60];
	v4 =	vadd.s32 $0x8000, v4;
	v1 =	vadd.f32 v51, v1;
	v53 =	vadd.f32 v14, v52  }
0x1b4: {  	v8 =	vld [tilespmem:s17+$0x60];
	v9 =	vadd.s32 $0x8000, v9;
	v4 =	vshrl.u32 v4, $0x10  }
0x1b5: {  	v10 =	vld [tilespmem:s22+$0x70];
	v9 =	vand.u32 $0xFFFF0000, v9;
	v1 =	vadd.s32 $0x8000, v1;
	v12 =	vadd.s32 $0x8000, v53  }
0x1b6: {  	v4 =	vor.u32 v4, v9;
	v9 =	vld [tilespmem:s16+$0xFFFFFF80];
	v1 =	vshrl.u32 v1, $0x10;
	v12 =	vand.u32 $0xFFFF0000, v12  }
0x1b7: {  	v3 =	vld [tilespmem:s17+$0x70];
	[tilespmem:s9+$0xFFFFFF90] =	vst v4;
	v4 =	vadd.f32 v16, v15;
	v7 =	vadd.f32 v11, v7;
	v1 =	vor.u32 v1, v12  }
0x1b8: {  	v2 =	vld [tilespmem:s22+$0xFFFFFFD0];
	[tilespmem:s9+$0x20] =	vst v1  }
0x1b9: {  	v1 =	vadd.s32 $0x8000, v4;
	v4 =	vadd.s32 $0x8000, v7;
	v7 =	vld [tilespmem:s10+$0x60]  }
0x1ba: {  	v1 =	vshrl.u32 v1, $0x10;
	v4 =	vand.u32 $0xFFFF0000, v4;
	v57 =	vld [tilespmem:s11+$0x60]  }
0x1bb: {  	s13 =	simm.s32 $0x15180;
	v13 =	vadd.f32 v55, v54;
	v9 =	vadd.f32 v17, v9;
	v1 =	vor.u32 v1, v4;
	v4 =	vld [tilespmem:s10+$0x70]  }
0x1bc: {  	[tilespmem:s13+$0x0] =	vst v1;
	v1 =	vld [tilespmem:s11+$0x70]  }
0x1bd: {  	v13 =	vadd.s32 $0x8000, v13;
	v9 =	vadd.s32 $0x8000, v9;
	v58 =	vld [tilespmem:s16+$0x20]  }
0x1be: {  	v13 =	vand.u32 $0xFFFF0000, v13;
	v9 =	vshrl.u32 v9, $0x10;
	v59 =	vld [tilespmem:s0+$0x20]  }
0x1bf: {  	v5 =	vadd.f32 v6, v5;
	v9 =	vor.u32 v9, v13;
	v60 =	vld [tilespmem:s16+$0x30]  }
0x1c0: {  	v2 =	vadd.f32 v56, v2;
	[tilespmem:s13+$0xFFFFFF80] =	vst v9;
	v6 =	vld [tilespmem:s0+$0x30]  }
0x1c1: {  	v5 =	vadd.s32 $0x8000, v5;
	v9 =	vld [tilespmem:s16+$0xFFFFFFA0]  }
0x1c2: {  	v0 =	vadd.f32 v8, v0;
	v3 =	vadd.f32 v3, v10;
	v2 =	vadd.s32 $0x8000, v2;
	v8 =	vld [tilespmem:s0+$0xFFFFFFA0]  }
0x1c3: {  	v5 =	vshrl.u32 v5, $0x10;
	v2 =	vand.u32 $0xFFFF0000, v2;
	v10 =	vld [tilespmem:s16+$0xFFFFFFB0]  }
0x1c4: {  	v0 =	vadd.s32 $0x8000, v0;
	v3 =	vadd.s32 $0x8000, v3;
	v2 =	vor.u32 v5, v2;
	v5 =	vld [tilespmem:s0+$0xFFFFFFB0]  }
0x1c5: {  	v0 =	vshrl.u32 v0, $0x10;
	v3 =	vand.u32 $0xFFFF0000, v3;
	v62 =	vld [tilespmem:s10+$0xFFFFFFD0]  }
0x1c6: {  	v63 =	vor.u32 v0, v3;
	v3 =	vld [tilespmem:s11+$0xFFFFFFD0];
	v0 =	vadd.f32 v57, v7  }
0x1c7: {  	v11 =	vld [tilespmem:s10+$0xFFFFFFC0];
	v14 =	vadd.f32 v59, v58;
	v6 =	vadd.f32 v6, v60  }
0x1c8: {  	v61 =	vld [tilespmem:s11+$0xFFFFFFC0];
	[tilespmem:s8+$0xFFFFFFA0] =	vst v2;
	v1 =	vadd.f32 v1, v4;
	v4 =	vadd.f32 v8, v9  }
0x1c9: {  	v7 =	vld [tilespmem:s22+$0xFFFFFFE0];
	v5 =	vadd.f32 v5, v10;
	v2 =	vadd.s32 $0x8000, v14;
	v6 =	vadd.s32 $0x8000, v6  }
0x1ca: {  	v8 =	vld [tilespmem:s17+$0xFFFFFFE0];
	v9 =	vadd.s32 $0x8000, v0;
	v2 =	vshrl.u32 v2, $0x10;
	v6 =	vand.u32 $0xFFFF0000, v6  }
0x1cb: {  	v1 =	vadd.s32 $0x8000, v1;
	v0 =	vld [tilespmem:s22+$0xFFFFFFF0];
	v10 =	vadd.f32 v3, v62;
	v2 =	vor.u32 v2, v6  }
0x1cc: {  	v9 =	vshrl.u32 v9, $0x10;
	v1 =	vand.u32 $0xFFFF0000, v1;
	v4 =	vadd.s32 $0x8000, v4;
	[tilespmem:s13+$0x10] =	vst v2;
	v2 =	vld [tilespmem:s17+$0xFFFFFFF0]  }
0x1cd: {  	v5 =	vadd.s32 $0x8000, v5;
	v1 =	vor.u32 v9, v1;
	v6 =	vadd.f32 v61, v11;
	v3 =	vld [tilespmem:s16+$0x40]  }
0x1ce: {  	[tilespmem:s8+$0x30] =	vst v63;
	v10 =	vadd.s32 $0x8000, v10;
	v4 =	vshrl.u32 v4, $0x10;
	v9 =	vand.u32 $0xFFFF0000, v5;
	v5 =	vld [tilespmem:s0+$0x40]  }
0x1cf: {  	[tilespmem:s9+$0x30] =	vst v1;
	v9 =	vor.u32 v4, v9;
	v11 =	vadd.s32 $0x8000, v6;
	v6 =	vld [tilespmem:s16+$0x50];
	v4 =	vadd.f32 v8, v7  }
0x1d0: {  	s18 =	simm.s32 $0x9280;
	s14 =	simm.s32 $0xF180;
	s17 =	simm.s32 $0x4;
	[tilespmem:s13+$0xFFFFFF90] =	vst v9;
	v7 =	vld [tilespmem:s0+$0x50];
	v8 =	vand.u32 $0xFFFF0000, v10;
	v1 =	vshrl.u32 v11, $0x10  }
.LBB2_7:
0x1d1: {  	v9 =	vld [tilespmem:s18+$0x0];
	s0 =	sadd.s32 $0x100, s0;
	v1 =	vor.u32 v1, v8;
	v0 =	vadd.f32 v2, v0;
	v2 =	vadd.s32 $0x8000, v4  }
0x1d2: {  	v4 =	vld [tilespmem:s0+$0x0];
	[tilespmem:s9+$0xFFFFFFA0] =	vst v1;
	v1 =	vshrl.u32 v2, $0x10  }
0x1d3: {  	v2 =	vld [tilespmem:s18+$0x10];
	v0 =	vadd.s32 $0x8000, v0  }
0x1d4: {  	v8 =	vld [tilespmem:s0+$0x10];
	v0 =	vand.u32 $0xFFFF0000, v0  }
0x1d5: {  	v3 =	vadd.f32 v5, v3;
	v10 =	vld [tilespmem:s0+$0xFFFFFF80];
	v5 =	vadd.f32 v7, v6;
	v0 =	vor.u32 v1, v0  }
0x1d6: {  	v1 =	vld [tilespmem:s18+$0xFFFFFF90];
	[tilespmem:s8+$0xFFFFFFB0] =	vst v0;
	s8 =	smov.u32 s9;
	s9 =	smov.u32 s13  }
0x1d7: {  	v3 =	vadd.s32 $0x8000, v3;
	v0 =	vld [tilespmem:s0+$0xFFFFFF90];
	v5 =	vadd.s32 $0x8000, v5  }
0x1d8: {  	v3 =	vshrl.u32 v3, $0x10;
	v6 =	vld [tilespmem:s18+$0xFFFFFF80];
	v5 =	vand.u32 $0xFFFF0000, v5  }
0x1d9: {  	v4 =	vadd.f32 v4, v9;
	v2 =	vadd.f32 v8, v2;
	v7 =	vld [tilespmem:s16+$0xFFFFFFC0];
	v3 =	vor.u32 v3, v5  }
0x1da: {  	v5 =	vld [tilespmem:s14+$0xFFFFFFC0];
	[tilespmem:s13+$0x20] =	vst v3  }
0x1db: {  	v3 =	vadd.s32 $0x8000, v4;
	v2 =	vadd.s32 $0x8000, v2;
	v4 =	vld [tilespmem:s16+$0x60]  }
0x1dc: {  	v0 =	vadd.f32 v0, v1;
	v1 =	vshrl.u32 v3, $0x10;
	v2 =	vand.u32 $0xFFFF0000, v2;
	v3 =	vld [tilespmem:s14+$0x60]  }
0x1dd: {  	s17 =	sadd.s32 $0x2, s17;
	s13 =	sadd.s32 $0x100, s13;
	v6 =	vadd.f32 v10, v6;
	v1 =	vor.u32 v1, v2;
	v2 =	vld [tilespmem:s16+$0x70]  }
0x1de: {  	p1 =	slt.u32 s17, $0x3E;
	v0 =	vadd.s32 $0x8000, v0;
	[tilespmem:s13+$0x0] =	vst v1;
	v8 =	vld [tilespmem:s14+$0x70]  }
0x1df: {  	v1 =	vadd.s32 $0x8000, v6;
	v0 =	vand.u32 $0xFFFF0000, v0;
	v6 =	vld [tilespmem:s18+$0x20];
	v5 =	vadd.f32 v5, v7  }
0x1e0: {  	v1 =	vshrl.u32 v1, $0x10;
	v7 =	vld [tilespmem:s0+$0x20]  }
0x1e1: {  	v0 =	vor.u32 v1, v0;
	v9 =	vld [tilespmem:s18+$0x30];
	v1 =	vadd.s32 $0x8000, v5  }
0x1e2: {  	[tilespmem:s13+$0xFFFFFF80] =	vst v0;
	v0 =	vld [tilespmem:s0+$0x30];
	v1 =	vshrl.u32 v1, $0x10  }
0x1e3: {  	v3 =	vadd.f32 v3, v4;
	v5 =	vld [tilespmem:s18+$0xFFFFFFA0];
	v2 =	vadd.f32 v8, v2  }
0x1e4: {  	v4 =	vld [tilespmem:s0+$0xFFFFFFA0]  }
0x1e5: {  	v3 =	vadd.s32 $0x8000, v3;
	v8 =	vld [tilespmem:s18+$0xFFFFFFB0];
	v2 =	vadd.s32 $0x8000, v2  }
0x1e6: {  	v3 =	vshrl.u32 v3, $0x10;
	v10 =	vld [tilespmem:s0+$0xFFFFFFB0];
	v2 =	vand.u32 $0xFFFF0000, v2  }
0x1e7: {  	v6 =	vadd.f32 v7, v6;
	v0 =	vadd.f32 v0, v9;
	v7 =	vld [tilespmem:s16+$0xFFFFFFD0];
	v2 =	vor.u32 v3, v2  }
0x1e8: {  	v9 =	vld [tilespmem:s14+$0xFFFFFFD0];
	[tilespmem:s9+$0x30] =	vst v2  }
0x1e9: {  	v3 =	vadd.s32 $0x8000, v6;
	v2 =	vadd.f32 v4, v5;
	v0 =	vadd.s32 $0x8000, v0;
	v4 =	vld [tilespmem:s10+$0xFFFFFFE0]  }
0x1ea: {  	v3 =	vshrl.u32 v3, $0x10;
	v0 =	vand.u32 $0xFFFF0000, v0;
	v11 =	vld [tilespmem:s11+$0xFFFFFFE0]  }
0x1eb: {  	v5 =	vadd.f32 v10, v8;
	v2 =	vadd.s32 $0x8000, v2;
	v3 =	vor.u32 v3, v0;
	v0 =	vld [tilespmem:s10+$0xFFFFFFF0];
	s10 =	smov.u32 s16;
	s16 =	smov.u32 s18  }
.Ltmp4:
0x1ec: {  	v6 =	vshrl.u32 v2, $0x10;
	[tilespmem:s13+$0x10] =	vst v3;
	v2 =	vld [tilespmem:s11+$0xFFFFFFF0];
	s11 =	smov.u32 s14;
	s14 =	smov.u32 s0;
	(pc) =	sbr.rel @p1 .LBB2_7-.Ltmp4, $4  }
0x1ed: {  	v5 =	vadd.s32 $0x8000, v5;
	v3 =	vld [tilespmem:s18+$0x40];
	v7 =	vadd.f32 v9, v7  }
0x1ee: {  	v8 =	vand.u32 $0xFFFF0000, v5;
	v5 =	vld [tilespmem:s0+$0x40]  }
0x1ef: {  	v8 =	vor.u32 v6, v8;
	v6 =	vld [tilespmem:s18+$0x50];
	v9 =	vadd.s32 $0x8000, v7;
	v4 =	vadd.f32 v11, v4  }
0x1f0: {  	s18 =	sadd.s32 $0x100, s18;
	[tilespmem:s13+$0xFFFFFF90] =	vst v8;
	v7 =	vld [tilespmem:s0+$0x50];
	v8 =	vand.u32 $0xFFFF0000, v9  }
0x1f1: {  	v45 =	vld [tilespmem:s16+$0xFFFFFFC0]  }
0x1f2: {  	v46 =	vld [tilespmem:s14+$0xFFFFFFC0]  }
0x1f3: {  	v9 =	vld [tilespmem:s16+$0xFFFFFFD0]  }
0x1f4: {  	v10 =	vld [tilespmem:s14+$0xFFFFFFD0]  }
0x1f5: {  	v1 =	vor.u32 v1, v8;
	v3 =	vadd.f32 v5, v3;
	v44 =	vadd.f32 v7, v6  }
0x1f6: {  	[tilespmem:s9+$0xFFFFFFA0] =	vst v1  }
0x1f7: {  	v51 =	vld [tilespmem:s10+$0xFFFFFFE0];
	v3 =	vadd.s32 $0x8000, v3;
	v5 =	vadd.s32 $0x8000, v44  }
0x1f8: {  	v52 =	vld [tilespmem:s11+$0xFFFFFFE0];
	v3 =	vshrl.u32 v3, $0x10;
	v5 =	vand.u32 $0xFFFF0000, v5  }
0x1f9: {  	v11 =	vld [tilespmem:s10+$0xFFFFFFF0];
	v6 =	vadd.f32 v46, v45;
	v49 =	vadd.f32 v10, v9;
	v3 =	vor.u32 v3, v5  }
0x1fa: {  	v53 =	vld [tilespmem:s11+$0xFFFFFFF0];
	[tilespmem:s13+$0x20] =	vst v3  }
0x1fb: {  	v6 =	vadd.s32 $0x8000, v6;
	v7 =	vadd.s32 $0x8000, v49;
	v3 =	vld [tilespmem:s16+$0x60]  }
0x1fc: {  	v6 =	vshrl.u32 v6, $0x10;
	v7 =	vand.u32 $0xFFFF0000, v7;
	v47 =	vld [tilespmem:s14+$0x60]  }
0x1fd: {  	v6 =	vor.u32 v6, v7;
	v48 =	vld [tilespmem:s16+$0x70]  }
0x1fe: {  	v50 =	vld [tilespmem:s14+$0x70];
	[tilespmem:s13+$0xFFFFFFA0] =	vst v6  }
0x1ff: {  	v6 =	vld [tilespmem:s16+$0xFFFFFFE0]  }
0x200: {  	v0 =	vadd.f32 v2, v0;
	v54 =	vld [tilespmem:s14+$0xFFFFFFE0]  }
0x201: {  	v4 =	vadd.s32 $0x8000, v4;
	v12 =	vld [tilespmem:s16+$0xFFFFFFF0]  }
0x202: {  	v4 =	vshrl.u32 v4, $0x10;
	v0 =	vadd.s32 $0x8000, v0;
	v55 =	vld [tilespmem:s14+$0xFFFFFFF0]  }
0x203: {  	v0 =	vand.u32 $0xFFFF0000, v0;
	v56 =	vadd.f32 v52, v51;
	v7 =	vadd.f32 v53, v11  }
0x204: {  	v0 =	vor.u32 v4, v0  }
0x205: {  	v4 =	vadd.s32 $0x8000, v56;
	v58 =	vadd.s32 $0x8000, v7;
	v3 =	vadd.f32 v47, v3  }
0x206: {  	v57 =	vshrl.u32 v4, $0x10;
	v59 =	vand.u32 $0xFFFF0000, v58;
	v1 =	vadd.f32 v50, v48  }
0x207: {  	s15 =	sadd.s32 $0x1, s15;
	v2 =	vadd.f32 v54, v6;
	v5 =	vadd.f32 v55, v12;
	v3 =	vadd.s32 $0x8000, v3  }
0x208: {  	p1 =	sne.s32 s15, $0x34;
	[tilespmem:s8+$0xFFFFFFB0] =	vst v0;
	v0 =	vor.u32 v57, v59;
	v1 =	vadd.s32 $0x8000, v1;
	v3 =	vshrl.u32 v3, $0x10  }
.Ltmp5:
0x209: {  	s0 =	sadd.s32 s4, s21;
	v1 =	vand.u32 $0xFFFF0000, v1;
	v2 =	vadd.s32 $0x8000, v2;
	v60 =	vadd.s32 $0x8000, v5;
	(pc) =	sbr.rel @p1 .LBB2_2-.Ltmp5, $4  }
0x20a: {  	s0 =	sshll.u32 s0, $0xA;
	[tilespmem:s9+$0xFFFFFFB0] =	vst v0;
	v1 =	vor.u32 v3, v1;
	v61 =	vshrl.u32 v2, $0x10;
	v62 =	vand.u32 $0xFFFF0000, v60  }
0x20b: {  	s0 =	sand.u32 $0x1FFFFC00, s0;
	[tilespmem:s13+$0x30] =	vst v1;
	v63 =	vor.u32 v61, v62  }
0x20c: {  	s0 =	sadd.s32 s6, s0;
	[tilespmem:s13+$0xFFFFFFB0] =	vst v63  }
0x20d: {  	[hbm4b:s0+s3] =	stream.linear.scatter [tilespmem:s1], [sflag:$0x6], $0x2000, $0x38;
	[tilespmem:$0x16F00] =	vst v63  }
0x20e: {  	s0 =	simm.s32 $0x4  }
0x20f: {  	_ =	swait.ge [sflag:s0], $0x2000  }
0x210: {  	[sflag:s0] =	ssyncset.done $0x0  }
0x211: {  	s21 =	simm.s32 $0x5;
	[sflag:s0] =	ssyncadd.s32 $0xFFFFE000  }
0x212: {  	_ =	swait.ge [sflag:s21], $0x2000  }
.Ltmp6:
0x213: {  	[sflag:s21] =	ssyncset.done $0x0;
	(pc) =	sbr.rel @p0 .LBB2_13-.Ltmp6, $4  }
0x214: {  	s22 =	simm.s32 $0x6;
	[sflag:s21] =	ssyncadd.s32 $0xFFFFE000  }
0x215: {  	_ =	swait.ge [sflag:s22], $0x2000  }
0x216: {  	[sflag:s22] =	ssyncset.done $0x0  }
0x217: {  	s8 =	rddreg [dreg:$0xb];
	[sflag:s22] =	ssyncadd.s32 $0xFFFFE000  }
0x218: {  	s0 =	rddreg [dreg:$0x7];
	s8 =	simm.s32 $0x4F00  }
0x219: {  	[tilespmem:s8], [sflag:$0x1] =	stream.indirect.gather [hbm4b:s2+s19], $0x80, s0, s19, $0xb8;
	[tilespmem:$0x16F00] =	vst v63  }
0x21a: {  	s21 =	rddreg [dreg:$0x8];
	s22 =	simm.s32 $0xAF00  }
0x21b: {  	[tilespmem:s22], [sflag:$0x1] =	stream.indirect.gather [hbm4b:s5+s19], $0x80, s21, s19, $0xb8;
	[tilespmem:$0x16F00] =	vst v63  }
0x21c: {  	_ =	swait.ge [sflag:s24], $0x2000  }
0x21d: {  	[sflag:s24] =	ssyncset.done $0x0  }
0x21e: {  	[sflag:s24] =	ssyncadd.s32 $0xFFFFE000  }
0x21f: {  	_ =	swait.ge [sflag:s24], $0x2000  }
0x220: {  	[sflag:s24] =	ssyncset.done $0x0  }
0x221: {  	s14 =	simm.s32 $0x4F80;
	[sflag:s24] =	ssyncadd.s32 $0xFFFFE000  }
0x222: {  	s16 =	simm.s32 $0xAF80;
	v0 =	vld [tilespmem:s14+$0x0]  }
0x223: {  	v1 =	vld [tilespmem:s16+$0x0]  }
0x224: {  	v2 =	vld [tilespmem:s14+$0x10]  }
0x225: {  	v3 =	vld [tilespmem:s16+$0x10];
	_ =	sdelay $0x1  }
0x226: {  	v4 =	vld [tilespmem:s16+$0xFFFFFF80]  }
0x227: {  	v5 =	vld [tilespmem:s14+$0xFFFFFF90]  }
0x228: {  	v6 =	vld [tilespmem:s16+$0xFFFFFF90]  }
0x229: {  	v7 =	vld [tilespmem:s14+$0xFFFFFF80];
	v0 =	vadd.f32 v1, v0;
	v1 =	vadd.f32 v3, v2;
	_ =	sdelay $0x1  }
0x22a: {  	v0 =	vadd.s32 $0x8000, v0;
	v1 =	vadd.s32 $0x8000, v1  }
0x22b: {  	v0 =	vshrl.u32 v0, $0x10;
	v1 =	vand.u32 $0xFFFF0000, v1  }
0x22c: {  	s8 =	simm.s32 $0x10F80;
	v0 =	vor.u32 v0, v1  }
0x22d: {  	v2 =	vadd.f32 v4, v7;
	v1 =	vadd.f32 v6, v5;
	[tilespmem:s8+$0x0] =	vst v0  }
0x22e: {  	v0 =	vld [tilespmem:s14+$0x20]  }
0x22f: {  	v2 =	vadd.s32 $0x8000, v2;
	v1 =	vadd.s32 $0x8000, v1;
	v3 =	vld [tilespmem:s16+$0x20]  }
0x230: {  	v2 =	vshrl.u32 v2, $0x10;
	v4 =	vld [tilespmem:s14+$0x30];
	v1 =	vand.u32 $0xFFFF0000, v1  }
0x231: {  	v1 =	vor.u32 v2, v1;
	v2 =	vld [tilespmem:s16+$0x30]  }
0x232: {  	s10 =	simm.s32 $0x5080  }
0x233: {  	v8 =	vld [tilespmem:s10+$0x10];
	[tilespmem:s8+$0xFFFFFF80] =	vst v1  }
0x234: {  	v1 =	vld [tilespmem:s14+$0xFFFFFFA0]  }
0x235: {  	v5 =	vld [tilespmem:s16+$0xFFFFFFA0]  }
0x236: {  	v6 =	vld [tilespmem:s14+$0xFFFFFFB0];
	v0 =	vadd.f32 v3, v0;
	v2 =	vadd.f32 v2, v4  }
0x237: {  	v7 =	vld [tilespmem:s16+$0xFFFFFFB0]  }
0x238: {  	s11 =	simm.s32 $0xB080;
	v3 =	vld [tilespmem:s10+$0x0];
	v0 =	vadd.s32 $0x8000, v0;
	v2 =	vadd.s32 $0x8000, v2  }
0x239: {  	v4 =	vld [tilespmem:s11+$0x0];
	v0 =	vshrl.u32 v0, $0x10;
	v2 =	vand.u32 $0xFFFF0000, v2  }
0x23a: {  	v0 =	vor.u32 v0, v2;
	v2 =	vld [tilespmem:s11+$0x10]  }
0x23b: {  	[tilespmem:s8+$0x10] =	vst v0  }
0x23c: {  	v1 =	vadd.f32 v5, v1;
	v0 =	vld [tilespmem:s14+$0x40]  }
0x23d: {  	v6 =	vadd.f32 v7, v6;
	v5 =	vld [tilespmem:s16+$0x40]  }
0x23e: {  	v1 =	vadd.s32 $0x8000, v1;
	v7 =	vld [tilespmem:s14+$0x50]  }
0x23f: {  	v3 =	vadd.f32 v4, v3;
	v4 =	vadd.s32 $0x8000, v6;
	v9 =	vld [tilespmem:s16+$0x50];
	v2 =	vadd.f32 v2, v8  }
0x240: {  	v1 =	vshrl.u32 v1, $0x10;
	v6 =	vld [tilespmem:s11+$0xFFFFFF80];
	v4 =	vand.u32 $0xFFFF0000, v4  }
0x241: {  	v3 =	vadd.s32 $0x8000, v3;
	v1 =	vor.u32 v1, v4;
	v4 =	vld [tilespmem:s11+$0xFFFFFF90];
	v2 =	vadd.s32 $0x8000, v2  }
0x242: {  	v3 =	vshrl.u32 v3, $0x10;
	[tilespmem:s8+$0xFFFFFF90] =	vst v1;
	v1 =	vld [tilespmem:s10+$0xFFFFFF80];
	v2 =	vand.u32 $0xFFFF0000, v2  }
0x243: {  	s9 =	simm.s32 $0x11080;
	v8 =	vld [tilespmem:s10+$0xFFFFFF90];
	v2 =	vor.u32 v3, v2  }
0x244: {  	v0 =	vadd.f32 v5, v0;
	v3 =	vadd.f32 v9, v7;
	[tilespmem:s9+$0x0] =	vst v2  }
0x245: {  	v2 =	vld [tilespmem:s10+$0x20]  }
0x246: {  	v0 =	vadd.s32 $0x8000, v0;
	v3 =	vadd.s32 $0x8000, v3;
	v7 =	vld [tilespmem:s11+$0x20]  }
0x247: {  	v0 =	vshrl.u32 v0, $0x10;
	v9 =	vld [tilespmem:s10+$0x30];
	v3 =	vand.u32 $0xFFFF0000, v3  }
0x248: {  	s15 =	simm.s32 $0x5180;
	v1 =	vadd.f32 v6, v1;
	v0 =	vor.u32 v0, v3;
	v3 =	vadd.f32 v4, v8;
	v4 =	vld [tilespmem:s11+$0x30]  }
0x249: {  	s0 =	simm.s32 $0xB180;
	v15 =	vld [tilespmem:s15+$0x0]  }
0x24a: {  	v16 =	vld [tilespmem:s0+$0x0];
	v1 =	vadd.s32 $0x8000, v1;
	v3 =	vadd.s32 $0x8000, v3  }
0x24b: {  	v17 =	vld [tilespmem:s0+$0xFFFFFF80];
	v1 =	vshrl.u32 v1, $0x10;
	v3 =	vand.u32 $0xFFFF0000, v3  }
0x24c: {  	v54 =	vld [tilespmem:s15+$0xFFFFFF90];
	v1 =	vor.u32 v1, v3  }
0x24d: {  	v55 =	vld [tilespmem:s0+$0xFFFFFF90];
	[tilespmem:s9+$0xFFFFFF80] =	vst v1;
	v1 =	vadd.f32 v7, v2;
	v2 =	vadd.f32 v4, v9  }
0x24e: {  	v56 =	vld [tilespmem:s16+$0xFFFFFFD0]  }
0x24f: {  	v4 =	vld [tilespmem:s10+$0xFFFFFFA0];
	v1 =	vadd.s32 $0x8000, v1;
	v2 =	vadd.s32 $0x8000, v2  }
0x250: {  	v7 =	vld [tilespmem:s11+$0xFFFFFFA0];
	v1 =	vshrl.u32 v1, $0x10;
	v2 =	vand.u32 $0xFFFF0000, v2  }
0x251: {  	v9 =	vld [tilespmem:s10+$0xFFFFFFB0];
	v1 =	vor.u32 v1, v2  }
0x252: {  	v11 =	vld [tilespmem:s11+$0xFFFFFFB0];
	[tilespmem:s9+$0x10] =	vst v1  }
0x253: {  	v1 =	vld [tilespmem:s10+$0x40]  }
0x254: {  	v12 =	vld [tilespmem:s11+$0x40]  }
0x255: {  	v13 =	vld [tilespmem:s10+$0x50]  }
0x256: {  	v14 =	vld [tilespmem:s11+$0x50]  }
0x257: {  	v5 =	vld [tilespmem:s14+$0xFFFFFFC0]  }
0x258: {  	v6 =	vld [tilespmem:s16+$0xFFFFFFC0]  }
0x259: {  	v4 =	vadd.f32 v7, v4;
	v7 =	vld [tilespmem:s15+$0x10]  }
0x25a: {  	[tilespmem:s8+$0x20] =	vst v0;
	v9 =	vadd.f32 v11, v9;
	v11 =	vld [tilespmem:s0+$0x10]  }
0x25b: {  	v0 =	vld [tilespmem:s14+$0x60];
	v4 =	vadd.s32 $0x8000, v4;
	v1 =	vadd.f32 v12, v1;
	v53 =	vadd.f32 v14, v13  }
0x25c: {  	v8 =	vld [tilespmem:s16+$0x60];
	v9 =	vadd.s32 $0x8000, v9;
	v4 =	vshrl.u32 v4, $0x10  }
0x25d: {  	v10 =	vld [tilespmem:s14+$0x70];
	v9 =	vand.u32 $0xFFFF0000, v9;
	v1 =	vadd.s32 $0x8000, v1;
	v12 =	vadd.s32 $0x8000, v53  }
0x25e: {  	v4 =	vor.u32 v4, v9;
	v9 =	vld [tilespmem:s15+$0xFFFFFF80];
	v1 =	vshrl.u32 v1, $0x10;
	v12 =	vand.u32 $0xFFFF0000, v12  }
0x25f: {  	v3 =	vld [tilespmem:s16+$0x70];
	[tilespmem:s9+$0xFFFFFF90] =	vst v4;
	v4 =	vadd.f32 v16, v15;
	v7 =	vadd.f32 v11, v7;
	v1 =	vor.u32 v1, v12  }
0x260: {  	v2 =	vld [tilespmem:s14+$0xFFFFFFD0];
	[tilespmem:s9+$0x20] =	vst v1  }
0x261: {  	v1 =	vadd.s32 $0x8000, v4;
	v4 =	vadd.s32 $0x8000, v7;
	v7 =	vld [tilespmem:s10+$0x60]  }
0x262: {  	v1 =	vshrl.u32 v1, $0x10;
	v4 =	vand.u32 $0xFFFF0000, v4;
	v57 =	vld [tilespmem:s11+$0x60]  }
0x263: {  	s13 =	simm.s32 $0x11180;
	v13 =	vadd.f32 v55, v54;
	v9 =	vadd.f32 v17, v9;
	v1 =	vor.u32 v1, v4;
	v4 =	vld [tilespmem:s10+$0x70]  }
0x264: {  	[tilespmem:s13+$0x0] =	vst v1;
	v1 =	vld [tilespmem:s11+$0x70]  }
0x265: {  	v13 =	vadd.s32 $0x8000, v13;
	v9 =	vadd.s32 $0x8000, v9;
	v58 =	vld [tilespmem:s15+$0x20]  }
0x266: {  	v13 =	vand.u32 $0xFFFF0000, v13;
	v9 =	vshrl.u32 v9, $0x10;
	v59 =	vld [tilespmem:s0+$0x20]  }
0x267: {  	v5 =	vadd.f32 v6, v5;
	v9 =	vor.u32 v9, v13;
	v60 =	vld [tilespmem:s15+$0x30]  }
0x268: {  	v2 =	vadd.f32 v56, v2;
	[tilespmem:s13+$0xFFFFFF80] =	vst v9;
	v6 =	vld [tilespmem:s0+$0x30]  }
0x269: {  	v5 =	vadd.s32 $0x8000, v5;
	v9 =	vld [tilespmem:s15+$0xFFFFFFA0]  }
0x26a: {  	v0 =	vadd.f32 v8, v0;
	v3 =	vadd.f32 v3, v10;
	v2 =	vadd.s32 $0x8000, v2;
	v8 =	vld [tilespmem:s0+$0xFFFFFFA0]  }
0x26b: {  	v5 =	vshrl.u32 v5, $0x10;
	v2 =	vand.u32 $0xFFFF0000, v2;
	v10 =	vld [tilespmem:s15+$0xFFFFFFB0]  }
0x26c: {  	v0 =	vadd.s32 $0x8000, v0;
	v3 =	vadd.s32 $0x8000, v3;
	v2 =	vor.u32 v5, v2;
	v5 =	vld [tilespmem:s0+$0xFFFFFFB0]  }
0x26d: {  	v0 =	vshrl.u32 v0, $0x10;
	v3 =	vand.u32 $0xFFFF0000, v3;
	v62 =	vld [tilespmem:s10+$0xFFFFFFD0]  }
0x26e: {  	v63 =	vor.u32 v0, v3;
	v3 =	vld [tilespmem:s11+$0xFFFFFFD0];
	v0 =	vadd.f32 v57, v7  }
0x26f: {  	v11 =	vld [tilespmem:s10+$0xFFFFFFC0];
	v14 =	vadd.f32 v59, v58;
	v6 =	vadd.f32 v6, v60  }
0x270: {  	v61 =	vld [tilespmem:s11+$0xFFFFFFC0];
	[tilespmem:s8+$0xFFFFFFA0] =	vst v2;
	v1 =	vadd.f32 v1, v4;
	v4 =	vadd.f32 v8, v9  }
0x271: {  	v7 =	vld [tilespmem:s14+$0xFFFFFFE0];
	v5 =	vadd.f32 v5, v10;
	v2 =	vadd.s32 $0x8000, v14;
	v6 =	vadd.s32 $0x8000, v6  }
0x272: {  	v8 =	vld [tilespmem:s16+$0xFFFFFFE0];
	v9 =	vadd.s32 $0x8000, v0;
	v2 =	vshrl.u32 v2, $0x10;
	v6 =	vand.u32 $0xFFFF0000, v6  }
0x273: {  	v1 =	vadd.s32 $0x8000, v1;
	v0 =	vld [tilespmem:s14+$0xFFFFFFF0];
	v10 =	vadd.f32 v3, v62;
	v2 =	vor.u32 v2, v6  }
0x274: {  	v9 =	vshrl.u32 v9, $0x10;
	v1 =	vand.u32 $0xFFFF0000, v1;
	v4 =	vadd.s32 $0x8000, v4;
	[tilespmem:s13+$0x10] =	vst v2;
	v2 =	vld [tilespmem:s16+$0xFFFFFFF0]  }
0x275: {  	v5 =	vadd.s32 $0x8000, v5;
	v1 =	vor.u32 v9, v1;
	v6 =	vadd.f32 v61, v11;
	v3 =	vld [tilespmem:s15+$0x40]  }
0x276: {  	[tilespmem:s8+$0x30] =	vst v63;
	v10 =	vadd.s32 $0x8000, v10;
	v4 =	vshrl.u32 v4, $0x10;
	v9 =	vand.u32 $0xFFFF0000, v5;
	v5 =	vld [tilespmem:s0+$0x40]  }
0x277: {  	[tilespmem:s9+$0x30] =	vst v1;
	v9 =	vor.u32 v4, v9;
	v11 =	vadd.s32 $0x8000, v6;
	v6 =	vld [tilespmem:s15+$0x50];
	v4 =	vadd.f32 v8, v7  }
0x278: {  	s17 =	simm.s32 $0x5280;
	s14 =	simm.s32 $0xB180;
	s16 =	simm.s32 $0x4;
	[tilespmem:s13+$0xFFFFFF90] =	vst v9;
	v7 =	vld [tilespmem:s0+$0x50];
	v8 =	vand.u32 $0xFFFF0000, v10;
	v1 =	vshrl.u32 v11, $0x10  }
.LBB2_11:
0x279: {  	v9 =	vld [tilespmem:s17+$0x0];
	s0 =	sadd.s32 $0x100, s0;
	v1 =	vor.u32 v1, v8;
	v0 =	vadd.f32 v2, v0;
	v2 =	vadd.s32 $0x8000, v4  }
0x27a: {  	v4 =	vld [tilespmem:s0+$0x0];
	[tilespmem:s9+$0xFFFFFFA0] =	vst v1;
	v1 =	vshrl.u32 v2, $0x10  }
0x27b: {  	v2 =	vld [tilespmem:s17+$0x10];
	v0 =	vadd.s32 $0x8000, v0  }
0x27c: {  	v8 =	vld [tilespmem:s0+$0x10];
	v0 =	vand.u32 $0xFFFF0000, v0  }
0x27d: {  	v3 =	vadd.f32 v5, v3;
	v10 =	vld [tilespmem:s0+$0xFFFFFF80];
	v5 =	vadd.f32 v7, v6;
	v0 =	vor.u32 v1, v0  }
0x27e: {  	v1 =	vld [tilespmem:s17+$0xFFFFFF90];
	[tilespmem:s8+$0xFFFFFFB0] =	vst v0;
	s8 =	smov.u32 s9;
	s9 =	smov.u32 s13  }
0x27f: {  	v3 =	vadd.s32 $0x8000, v3;
	v0 =	vld [tilespmem:s0+$0xFFFFFF90];
	v5 =	vadd.s32 $0x8000, v5  }
0x280: {  	v3 =	vshrl.u32 v3, $0x10;
	v6 =	vld [tilespmem:s17+$0xFFFFFF80];
	v5 =	vand.u32 $0xFFFF0000, v5  }
0x281: {  	v4 =	vadd.f32 v4, v9;
	v2 =	vadd.f32 v8, v2;
	v7 =	vld [tilespmem:s15+$0xFFFFFFC0];
	v3 =	vor.u32 v3, v5  }
0x282: {  	v5 =	vld [tilespmem:s14+$0xFFFFFFC0];
	[tilespmem:s13+$0x20] =	vst v3  }
0x283: {  	v3 =	vadd.s32 $0x8000, v4;
	v2 =	vadd.s32 $0x8000, v2;
	v4 =	vld [tilespmem:s15+$0x60]  }
0x284: {  	v0 =	vadd.f32 v0, v1;
	v1 =	vshrl.u32 v3, $0x10;
	v2 =	vand.u32 $0xFFFF0000, v2;
	v3 =	vld [tilespmem:s14+$0x60]  }
0x285: {  	s16 =	sadd.s32 $0x2, s16;
	s13 =	sadd.s32 $0x100, s13;
	v6 =	vadd.f32 v10, v6;
	v1 =	vor.u32 v1, v2;
	v2 =	vld [tilespmem:s15+$0x70]  }
0x286: {  	p1 =	slt.u32 s16, $0x3E;
	v0 =	vadd.s32 $0x8000, v0;
	[tilespmem:s13+$0x0] =	vst v1;
	v8 =	vld [tilespmem:s14+$0x70]  }
0x287: {  	v1 =	vadd.s32 $0x8000, v6;
	v0 =	vand.u32 $0xFFFF0000, v0;
	v6 =	vld [tilespmem:s17+$0x20];
	v5 =	vadd.f32 v5, v7  }
0x288: {  	v1 =	vshrl.u32 v1, $0x10;
	v7 =	vld [tilespmem:s0+$0x20]  }
0x289: {  	v0 =	vor.u32 v1, v0;
	v9 =	vld [tilespmem:s17+$0x30];
	v1 =	vadd.s32 $0x8000, v5  }
0x28a: {  	[tilespmem:s13+$0xFFFFFF80] =	vst v0;
	v0 =	vld [tilespmem:s0+$0x30];
	v1 =	vshrl.u32 v1, $0x10  }
0x28b: {  	v3 =	vadd.f32 v3, v4;
	v5 =	vld [tilespmem:s17+$0xFFFFFFA0];
	v2 =	vadd.f32 v8, v2  }
0x28c: {  	v4 =	vld [tilespmem:s0+$0xFFFFFFA0]  }
0x28d: {  	v3 =	vadd.s32 $0x8000, v3;
	v8 =	vld [tilespmem:s17+$0xFFFFFFB0];
	v2 =	vadd.s32 $0x8000, v2  }
0x28e: {  	v3 =	vshrl.u32 v3, $0x10;
	v10 =	vld [tilespmem:s0+$0xFFFFFFB0];
	v2 =	vand.u32 $0xFFFF0000, v2  }
0x28f: {  	v6 =	vadd.f32 v7, v6;
	v0 =	vadd.f32 v0, v9;
	v7 =	vld [tilespmem:s15+$0xFFFFFFD0];
	v2 =	vor.u32 v3, v2  }
0x290: {  	v9 =	vld [tilespmem:s14+$0xFFFFFFD0];
	[tilespmem:s9+$0x30] =	vst v2  }
0x291: {  	v3 =	vadd.s32 $0x8000, v6;
	v2 =	vadd.f32 v4, v5;
	v0 =	vadd.s32 $0x8000, v0;
	v4 =	vld [tilespmem:s10+$0xFFFFFFE0]  }
0x292: {  	v3 =	vshrl.u32 v3, $0x10;
	v0 =	vand.u32 $0xFFFF0000, v0;
	v11 =	vld [tilespmem:s11+$0xFFFFFFE0]  }
0x293: {  	v5 =	vadd.f32 v10, v8;
	v2 =	vadd.s32 $0x8000, v2;
	v3 =	vor.u32 v3, v0;
	v0 =	vld [tilespmem:s10+$0xFFFFFFF0];
	s10 =	smov.u32 s15;
	s15 =	smov.u32 s17  }
.Ltmp7:
0x294: {  	v6 =	vshrl.u32 v2, $0x10;
	[tilespmem:s13+$0x10] =	vst v3;
	v2 =	vld [tilespmem:s11+$0xFFFFFFF0];
	s11 =	smov.u32 s14;
	s14 =	smov.u32 s0;
	(pc) =	sbr.rel @p1 .LBB2_11-.Ltmp7, $4  }
0x295: {  	v5 =	vadd.s32 $0x8000, v5;
	v3 =	vld [tilespmem:s17+$0x40];
	v7 =	vadd.f32 v9, v7  }
0x296: {  	v8 =	vand.u32 $0xFFFF0000, v5;
	v5 =	vld [tilespmem:s0+$0x40]  }
0x297: {  	v8 =	vor.u32 v6, v8;
	v6 =	vld [tilespmem:s17+$0x50];
	v9 =	vadd.s32 $0x8000, v7;
	v4 =	vadd.f32 v11, v4  }
0x298: {  	s17 =	sadd.s32 $0x100, s17;
	[tilespmem:s13+$0xFFFFFF90] =	vst v8;
	v7 =	vld [tilespmem:s0+$0x50];
	v8 =	vand.u32 $0xFFFF0000, v9  }
0x299: {  	v45 =	vld [tilespmem:s15+$0xFFFFFFC0]  }
0x29a: {  	v46 =	vld [tilespmem:s14+$0xFFFFFFC0]  }
0x29b: {  	v9 =	vld [tilespmem:s15+$0xFFFFFFD0]  }
0x29c: {  	v10 =	vld [tilespmem:s14+$0xFFFFFFD0]  }
0x29d: {  	v1 =	vor.u32 v1, v8;
	v3 =	vadd.f32 v5, v3;
	v44 =	vadd.f32 v7, v6  }
0x29e: {  	[tilespmem:s9+$0xFFFFFFA0] =	vst v1  }
0x29f: {  	v51 =	vld [tilespmem:s10+$0xFFFFFFE0];
	v3 =	vadd.s32 $0x8000, v3;
	v5 =	vadd.s32 $0x8000, v44  }
0x2a0: {  	v52 =	vld [tilespmem:s11+$0xFFFFFFE0];
	v3 =	vshrl.u32 v3, $0x10;
	v5 =	vand.u32 $0xFFFF0000, v5  }
0x2a1: {  	v11 =	vld [tilespmem:s10+$0xFFFFFFF0];
	v6 =	vadd.f32 v46, v45;
	v49 =	vadd.f32 v10, v9;
	v3 =	vor.u32 v3, v5  }
0x2a2: {  	v53 =	vld [tilespmem:s11+$0xFFFFFFF0];
	[tilespmem:s13+$0x20] =	vst v3  }
0x2a3: {  	v6 =	vadd.s32 $0x8000, v6;
	v7 =	vadd.s32 $0x8000, v49;
	v3 =	vld [tilespmem:s15+$0x60]  }
0x2a4: {  	v6 =	vshrl.u32 v6, $0x10;
	v7 =	vand.u32 $0xFFFF0000, v7;
	v47 =	vld [tilespmem:s14+$0x60]  }
0x2a5: {  	v6 =	vor.u32 v6, v7;
	v48 =	vld [tilespmem:s15+$0x70]  }
0x2a6: {  	v50 =	vld [tilespmem:s14+$0x70];
	[tilespmem:s13+$0xFFFFFFA0] =	vst v6  }
0x2a7: {  	v6 =	vld [tilespmem:s15+$0xFFFFFFE0]  }
0x2a8: {  	v0 =	vadd.f32 v2, v0;
	v54 =	vld [tilespmem:s14+$0xFFFFFFE0]  }
0x2a9: {  	v4 =	vadd.s32 $0x8000, v4;
	v12 =	vld [tilespmem:s15+$0xFFFFFFF0]  }
0x2aa: {  	v4 =	vshrl.u32 v4, $0x10;
	v0 =	vadd.s32 $0x8000, v0;
	v55 =	vld [tilespmem:s14+$0xFFFFFFF0]  }
0x2ab: {  	v0 =	vand.u32 $0xFFFF0000, v0;
	v56 =	vadd.f32 v52, v51;
	v7 =	vadd.f32 v53, v11  }
0x2ac: {  	v0 =	vor.u32 v4, v0  }
0x2ad: {  	v4 =	vadd.s32 $0x8000, v56;
	v58 =	vadd.s32 $0x8000, v7;
	v3 =	vadd.f32 v47, v3  }
0x2ae: {  	v57 =	vshrl.u32 v4, $0x10;
	v59 =	vand.u32 $0xFFFF0000, v58;
	v1 =	vadd.f32 v50, v48  }
0x2af: {  	v2 =	vadd.f32 v54, v6;
	v5 =	vadd.f32 v55, v12;
	v3 =	vadd.s32 $0x8000, v3  }
0x2b0: {  	[tilespmem:s8+$0xFFFFFFB0] =	vst v0;
	v0 =	vor.u32 v57, v59;
	v1 =	vadd.s32 $0x8000, v1;
	v3 =	vshrl.u32 v3, $0x10  }
0x2b1: {  	v1 =	vand.u32 $0xFFFF0000, v1;
	v2 =	vadd.s32 $0x8000, v2;
	v60 =	vadd.s32 $0x8000, v5  }
0x2b2: {  	[tilespmem:s9+$0xFFFFFFB0] =	vst v0;
	v1 =	vor.u32 v3, v1;
	v61 =	vshrl.u32 v2, $0x10;
	v62 =	vand.u32 $0xFFFF0000, v60  }
0x2b3: {  	[tilespmem:s13+$0x30] =	vst v1;
	v63 =	vor.u32 v61, v62  }
0x2b4: {  	[tilespmem:s13+$0xFFFFFFB0] =	vst v63  }
.Ltmp8:
0x2b5: {  	s22 =	simm.s32 $0x4;
	s0 =	rddreg [dreg:$0x9];
	(pc) =	sbr.rel .LBB2_13-.Ltmp8, $4  }
0x2b6: {  	[hbm4b:s0+s3] =	stream.linear.scatter [tilespmem:s25], [sflag:$0x4], $0x2000, $0x38;
	[tilespmem:$0x16F00] =	vst v63  }
0x2b7: {  	_ =	swait.ge [sflag:s22], $0x2000  }
0x2b8: {  	[sflag:s22] =	ssyncset.done $0x0  }
0x2b9: {  	s8 =	rddreg [dreg:$0xb];
	[sflag:s22] =	ssyncadd.s32 $0xFFFFE000  }
.LBB2_14:
0x2ba: {  	_ =	sfence.sel $0x180000  }
0x2bb: {  	[bflag:$0x0] =	sbarrier.arrive $0xFFFF  }
0x2bc: {  	_ =	strace $0x90000047  }
0x2bd: {  	s0 =	stileid.u32;
	[bflag:$0x2] =	sbarrier.arrive $0xFFFF  }
0x2be: {  	p0 =	sne.s32 s0, $0x0;
	s0 =	rddreg [dreg:$0x2]  }
0x2bf: {  	s0 =	sadd.s32 @!p0 $0x100000, s0  }
0x2c0: {  	[sflag:s0] =	ssyncadd.tile.s32 @!p0 $0x1;
	_ =	shalt  }
.Lfunc_end2:
_tile_overlayer_lowered:
.L_overlay_start_2:
0x2c1: {  	(tag) =	ssettag $0x2  }
0x2c2: {  	s0 =	rddreg [dreg:$0x0];
	s2 =	stileid.u32  }
0x2c3: {  	s1 =	rddreg [dreg:$0x1];
	p0 =	sne.s32 s2, $0x0  }
0x2c4: {  	s3 =	rddreg [dreg:$0x2];
	[bflag:$0x3] =	sbarrier.arrive $0xFFFF;
	s2 =	simm.s32 @!p0 $0x1C07  }
0x2c5: {  	[timem:s3], [sflag:s2] =	dma.local @!p0 [hbm:s0], s1  }
0x2c6: {  	s0 =	simm.s32 @!p0 $0x7  }
0x2c7: {  	_ =	swait.ge @!p0 [sflag:s0], s1  }
0x2c8: {  	s1 =	ssub.s32 @!p0 $0x0, s1;
	[sflag:s0] =	ssyncset.done @!p0 $0x0  }
0x2c9: {  	[sflag:s0] =	ssyncadd.s32 @!p0 s1  }
0x2ca: {  	[bflag:$0x3] =	sbarrier.arrive $0xFFFF  }
0x2cb: {  	_ =	shalt  }

// kernel: sparse-core-data-format-call.1.cloned.1.call-start
scs
called_computation.1_lowered:
.L_overlay_start_0:
0x0: {  	s2 =	sld [smem:$0x3FD9]  }
0x1: {  	s3 =	sld [smem:$0x3FFE];
	_ =	sdelay $0x1  }
0x2: {  	s1 =	srdreg.scid  }
0x3: {  	s0 =	sand.u32 $0x1, s1  }
0x4: {  	s18 =	sshll.u32 s0, $0xA;
	s2 =	sadd.s32 s3, s2  }
0x5: {  	s2 =	sadd.s32 s2, s18  }
0x6: {  	[smem:$0x3FC3] =	sst s2  }
0x7: {  	_ = 	snop  }
0x8: {  	s2 =	sld [smem:$0x3FD0];
	(tm) =	ssettm $0x1  }
0x9: {  	s19 =	sld [smem:$0x3FFB];
	_ =	sdelay $0x3  }
0xa: {  	_ =	strace s19  }
0xb: {  	s3 =	sld [smem:$0x3FFC];
	_ =	sdelay $0x3  }
0xc: {  	_ =	strace s3  }
0xd: {  	s3 =	sld [smem:$0x3FFD];
	_ =	sdelay $0x3  }
0xe: {  	_ =	strace s3  }
0xf: {  	_ =	strace $0x8FFFFFFF  }
0x10: {  	s20 =	sld [smem:$0x3FDB];
	_ =	sdelay $0x1  }
0x11: {  	s4 =	simm.s32 $_scs_section_size  }
0x12: {  	s5 =	simm.s32 $_size__tile_overlayer_lowered;
	s6 =	simm.s32 $_tile_overlayer_lowered  }
0x13: {  	s23 =	simm.s32 $0x1BFF;
	s22 =	sshll.u32 s6, $0x1;
	s3 =	sadd.s32 s4, s20  }
0x14: {  	s7 =	simm.s32 $0x0;
	s21 =	sshll.u32 s5, $0x1;
	s5 =	sadd.s32 s22, s3  }
0x15: {  	[timem:s7], [sflag:s23] =	dma.local [hbm:s5], s21  }
0x16: {  	_ =	swait.ge [sflag:s23], s21  }
0x17: {  	s4 =	ssub.s32 $0x0, s21;
	[sflag:s23] =	ssyncset.done $0x0  }
0x18: {  	[sflag:s23] =	ssyncadd.s32 s4;
	_ =	sdelay $0x1  }
0x19: {  	s24 =	simm.s32 $0x1B8B  }
0x1a: {  	_ =	swait.ge [sflag:s24], $0x1  }
0x1b: {  	[sflag:s24] =	ssyncset.done $0x0  }
0x1c: {  	s26 =	simm.s32 $0x1B8E;
	s25 =	sld [smem:$0x3FFE];
	[sflag:s24] =	ssyncadd.s32 $0xFFFFFFFF  }
0x1d: {  	s27 =	simm.s32 $execute0_lowered;
	[smem:$0x3FD2] =	sst s26  }
0x1e: {  	s5 =	sshll.u32 s27, $0x1;
	_ =	strace $0x80000049;
	[dreg:$0x1] =	wrdreg $0xFFFFFFFF  }
0x1f: {  	s28 =	simm.s32 $_size_execute0_lowered;
	s3 =	sadd.s32 s3, s5;
	[dreg:$0x0] =	wrdreg $0x0  }
0x20: {  	s5 =	sshll.u32 s28, $0x1;
	[dreg:$0x2] =	wrdreg s3  }
0x21: {  	[dreg:$0x3] =	wrdreg s5  }
0x22: {  	[dreg:$0x4] =	wrdreg $0xC0  }
0x23: {  	_ =	task [dreg:s7], $0x5FFFF  }
0x24: {  	[dreg:$0x1] =	wrdreg $0xFFFFFFFF  }
0x25: {  	[dreg:$0x0] =	wrdreg $0x60  }
0x26: {  	[dreg:$0x2] =	wrdreg s2  }
0x27: {  	[dreg:$0x3] =	wrdreg s25  }
0x28: {  	[dreg:$0x4] =	wrdreg $0x9  }
0x29: {  	_ =	task.clear_ibuf [dreg:s7], $0x5FFFF;
	_ =	strace $0x90000049  }
0x2a: {  	s29 =	simm.s32 $0x9;
	_ =	strace $0x8000004B  }
0x2b: {  	_ =	swait.ge [sflag:s29], $0x1  }
0x2c: {  	[sflag:s29] =	ssyncadd.s32 $0xFFFFFFFF  }
0x2d: {  	_ =	strace $0x9000004B  }
0x2e: {  	_ =	sfence  }
0x2f: {  	s30 =	sld [smem:$0x0];
	_ =	sdelay $0x2  }
0x30: {  	s31 =	sshll.u32 s1, $0xD;
	s1 =	sshrl.u32 s1, $0x2  }
0x31: {  	s3 =	sand.u32 $0x4000, s31;
	s1 =	sadd.s32 s1, s30  }
0x32: {  	s0 =	sor.u32 s3, s0;
	s1 =	sshll.u32 s1, $0x11  }
0x33: {  	s0 =	sor.u32 s1, s0  }
0x34: {  	s0 =	sadd.s32 $0x8F2B, s0  }
0x35: {  	[sflag:s0] =	ssyncadd.remote.s32 $0x1  }
0x36: {  	_ =	sfence.sel $0xFFFF  }
0x37: {  	[dreg:$0x0] =	wrdreg $0xFFFFFFFF;
	(pc) =	sbr.abs _section_cstart, $3  }
0x38: {  	[dreg:$0x1] =	wrdreg $0xFFFFFFFF  }
0x39: {  	_ =	task.clear_ibuf [dreg:s7], $0x2FFFF;
	_ =	strace $0x9FFFFFFF  }
0x3a: {  	(tm) =	ssettm $0x7FFFFFFF  }
0x3b: {  	_ =	shalt  }
tec
execute0_lowered:
.L_overlay_start_1:
0x0: {  	(tag) =	ssettag $0x1  }
0x1: {  	s0 =	srdreg.scid  }
0x2: {  	s1 =	sshll.u32 s0, $0x4  }
0x3: {  	s2 =	rddreg [dreg:$0x0];
	s0 =	stileid.u32;
	s1 =	sand.u32 $0x10, s1  }
0x4: {  	s4 =	rddreg [dreg:$0x1];
	s7 =	simm.s32 $0x1;
	s1 =	sor.u32 s0, s1  }
0x5: {  	s8 =	simm.s32 $0x2;
	s11 =	simm.s32 $0x0;
	s3 =	sshll.u32 s1, $0x7  }
0x6: {  	s10 =	simm.s32 $0x0;
	s4 =	sadd.s32 $0x1200, s4;
	s6 =	ssub.s32 $0x4E200, s3  }
.Ltmp0:
0x7: {  	s1 =	rddreg [dreg:$0x2];
	s5 =	sand.u32 $0xF80, s6;
	(pc) =	sbr.rel .LBB1_1-.Ltmp0, $4  }
0x8: {  	_ =	strace $0x8000004A;
	s9 =	smov.u32 s3;
	p0 =	sne.s32 s5, $0x0  }
0x9: {  	s6 =	sshrl.u32 s6, $0xC;
	s5 =	simm.s32 $0x1;
	s7 =	simm.s32 @!p0 $0x0  }
0xa: {  	[sflag:s5] =	ssyncpa.u1 $0x0;
	p0 =	por $0x0, $0x0;
	s6 =	sadd.s32 s7, s6  }
0xb: {  	[sflag:s8] =	ssyncpa.u1 $0x0;
	s8 =	simm.s32 $0x271000;
	s7 =	sadd.s32 $0x1, s6  }
.LBB1_4:
0xc: {  	s14 =	sshll.u32 s11, $0x3  }
0xd: {  	s30 =	sand.u32 $0x7F, s11;
	s14 =	sand.u32 $0xFFFFFC00, s14  }
0xe: {  	s11 =	sor.u32 s30, s14  }
0xf: {  	s15 =	smulhi.u32 $0xD1B71759, s11;
	_ =	sdelay $0x1  }
0x10: {  	s14 =	smulhi.u32 $0xD1B71759, s14;
	s15 =	sshrl.u32 s15, $0x12  }
0x11: {  	s15 =	smul.u32 $0x4E200, s15  }
0x12: {  	s14 =	sshrl.u32 s14, $0x12  }
0x13: {  	s14 =	sand.u32 $0x3F, s14;
	s11 =	ssub.s32 s11, s15  }
0x14: {  	[tilespmem:s13+$0x810 ss:$0x81] =	vst.msk $0xffff, v2;
	s14 =	smul.u32 $0x9C40, s14;
	s15 =	sshrl.u32 s11, $0x3;
	s11 =	sand.u32 $0x7, s11  }
0x15: {  	[tilespmem:s13+$0x1020 ss:$0x81] =	vst.msk $0xffff, v0;
	s15 =	sadd.s32 s4, s15;
	s11 =	sshll.u32 s11, $0x12  }
0x16: {  	[tilespmem:s13+$0x0 ss:$0x81] =	vst.msk $0xffff, v1;
	s31 =	sadd.s32 s14, s15;
	s11 =	sor.u32 $0x400, s11  }
0x17: {  	[hbm4b:s31+s11] =	stream.strided.scatter [tilespmem:s12], [sflag:$0x2], $0x2000, s8, s11, $0x20;
	[tilespmem:$0x8080] =	vst v63  }
.LBB1_5:
0x18: {  	s13 =	sadd.s32 $0x1000, s9  }
0x19: {  	p2 =	sgt.s32 s13, $0x4E1FF  }
0x1a: {  	s13 =	smov.u32 @p2 s3;
	p2 =	sne.s32 s10, s7  }
.Ltmp1:
0x1b: {  	p1 =	slt.u32 s10, $0x2;
	(pc) =	sbr.rel @!p2 .LBB1_6-.Ltmp1, $4  }
0x1c: {  	s12 =	simm.s32 @!p1 $0x2  }
0x1d: {  	s14 =	sadd.s32 $0x1, s10;
	_ =	swait.ge @!p1 [sflag:s12], $0x2000  }
0x1e: {  	s11 =	smov.u32 s9;
	p0 =	por !p0, !p0;
	[sflag:s12] =	ssyncset.done @!p1 $0x0  }
0x1f: {  	s10 =	smov.u32 s14;
	s9 =	smov.u32 s13;
	[sflag:s12] =	ssyncadd.s32 @!p1 $0xFFFFE000  }
.LBB1_1:
0x20: {  	p1 =	sge.u32 s10, s6  }
0x21: {  	s12 =	sand.u32 @!p1 $0x1FFFFFF, s9  }
0x22: {  	s13 =	smulhi.u32 @!p1 $0x1A36E2F, s12;
	_ =	sdelay $0x1  }
0x23: {  	s13 =	sshrl.u32 @!p1 s13, $0xB  }
0x24: {  	s13 =	smul.u32 @!p1 $0x4E200, s13;
	_ =	sdelay $0x1  }
0x25: {  	s31 =	sadd.s32 $0xFFFFFFFF, s10;
	s14 =	sxor.u32 @!p1 $0xFFFFFFFF, s10;
	s12 =	ssub.s32 @!p1 s12, s13  }
0x26: {  	s15 =	simm.s32 @!p1 $0x80;
	s14 =	sshll.u32 @!p1 s14, $0xD;
	s12 =	sshll.u32 @!p1 s12, $0x4  }
0x27: {  	s13 =	sand.u32 @!p1 $0x2000, s14;
	s14 =	simm.s32 @!p1 $0x40;
	s12 =	sadd.s32 @!p1 s2, s12  }
0x28: {  	[tilespmem:s13], [sflag:$0x1] =	stream.strided.gather @!p1 [hbm4b:s12+s14], $0x2000, s15, s14, $0x38;
	[tilespmem:$0x8080] =	vst v63  }
0x29: {  	p1 =	sge.u32 s31, s6  }
.Ltmp2:
0x2a: {  	_ = 	snop;
	(pc) =	sbr.rel @p1 .LBB1_5-.Ltmp2, $1  }
0x2b: {  	_ =	sdelay $0x3  }
0x2c: {  	s12 =	simm.s32 $0x1  }
0x2d: {  	_ =	swait.ge [sflag:s5], $0x2000;
	s12 =	simm.s32 @!p0 $0x0  }
0x2e: {  	[sflag:s5] =	ssyncset.done $0x0;
	s13 =	sshll.u32 s12, $0xD  }
0x2f: {  	[sflag:s5] =	ssyncadd.s32 $0xFFFFE000;
	s16 =	sor.u32 $0x20, s13  }
0x30: {  	s12 =	smul.u32 $0x8100, s12;
	v3 =	vld [tilespmem:s16+$0x10]  }
0x31: {  	s30 =	sand.u32 $0x1, s10;
	v2 =	vld [tilespmem:s16+$0xFFFFFFF0]  }
0x32: {  	s13 =	smul.u32 $0x8100, s30;
	s12 =	sshrl.u32 s12, $0x2;
	v0 =	vld [tilespmem:s16+$0x0]  }
0x33: {  	v1 =	vld [tilespmem:s16+$0xFFFFFFE0];
	s14 =	sor.u32 $0x4000, s12  }
0x34: {  	s31 =	sshrl.u32 s13, $0x2;
	s13 =	sadd.s32 $0x0, s14  }
0x35: {  	s15 =	simm.s32 $0x4;
	s16 =	sadd.s32 $0x40, s16;
	s12 =	sor.u32 $0x4000, s31;
	[tilespmem:s13+$0x1830 ss:$0x81] =	vst.msk $0xffff, v3  }
.LBB1_3:
0x36: {  	v3 =	vld [tilespmem:s16+$0x10];
	p1 =	sne.s32 s15, $0x1FC;
	[tilespmem:s13+$0x810 ss:$0x81] =	vst.msk $0xffff, v2;
	s17 =	smov.u32 s15;
	s15 =	sadd.s32 $0x4, s15  }
.Ltmp3:
0x37: {  	v2 =	vld [tilespmem:s16+$0xFFFFFFF0];
	[tilespmem:s13+$0x1020 ss:$0x81] =	vst.msk $0xffff, v0;
	(pc) =	sbr.rel @p1 .LBB1_3-.Ltmp3, $4  }
0x38: {  	v0 =	vld [tilespmem:s16+$0x0];
	[tilespmem:s13+$0x0 ss:$0x81] =	vst.msk $0xffff, v1  }
0x39: {  	s13 =	sshra.s32 s17, $0x2;
	v1 =	vld [tilespmem:s16+$0xFFFFFFE0]  }
0x3a: {  	s13 =	sadd.s32 s13, s14  }
0x3b: {  	s16 =	sadd.s32 $0x40, s16;
	[tilespmem:s13+$0x1830 ss:$0x81] =	vst.msk $0xffff, v3  }
.Ltmp4:
0x3c: {  	_ = 	snop;
	(pc) =	sbr.rel .LBB1_4-.Ltmp4, $1  }
0x3d: {  	_ =	sdelay $0x3  }
.LBB1_6:
0x3e: {  	_ =	sfence.sel $0x180000  }
0x3f: {  	s2 =	simm.s32 $0x1;
	[bflag:$0x0] =	sbarrier.arrive $0xFFFF  }
0x40: {  	s31 =	simm.s32 $0x2;
	[sflag:s2] =	ssyncpa.u1 $0x1  }
0x41: {  	[sflag:s31] =	ssyncpa.u1 $0x1  }
0x42: {  	p0 =	sne.s32 s0, $0x0;
	_ =	strace $0x9000004A  }
0x43: {  	s0 =	sadd.s32 @!p0 $0x100000, s1;
	[bflag:$0x2] =	sbarrier.arrive $0xFFFF  }
0x44: {  	[sflag:s0] =	ssyncadd.tile.s32 @!p0 $0x1;
	_ =	shalt  }
.Lfunc_end1:
_tile_overlayer_lowered:
.L_overlay_start_2:
0x45: {  	(tag) =	ssettag $0x2  }
0x46: {  	s0 =	rddreg [dreg:$0x0];
	s2 =	stileid.u32  }
0x47: {  	s1 =	rddreg [dreg:$0x1];
	p0 =	sne.s32 s2, $0x0  }
0x48: {  	s3 =	rddreg [dreg:$0x2];
	[bflag:$0x3] =	sbarrier.arrive $0xFFFF;
	s2 =	simm.s32 @!p0 $0x1C01  }
0x49: {  	[timem:s3], [sflag:s2] =	dma.local @!p0 [hbm:s0], s1  }
0x4a: {  	s0 =	simm.s32 @!p0 $0x1  }
0x4b: {  	_ =	swait.ge @!p0 [sflag:s0], s1  }
0x4c: {  	s1 =	ssub.s32 @!p0 $0x0, s1;
	[sflag:s0] =	ssyncset.done @!p0 $0x0  }
0x4d: {  	[sflag:s0] =	ssyncadd.s32 @!p0 s1  }
0x4e: {  	[bflag:$0x3] =	sbarrier.arrive $0xFFFF  }
0x4f: {  	_ =	shalt  }

// kernel: sparse-core-data-format-call.cloned.1.call-start
scs
called_computation_lowered:
.L_overlay_start_0:
0x0: {  	s2 =	sld [smem:$0x3FD9]  }
0x1: {  	s3 =	sld [smem:$0x3FFE];
	_ =	sdelay $0x1  }
0x2: {  	s1 =	srdreg.scid  }
0x3: {  	s0 =	sand.u32 $0x1, s1  }
0x4: {  	s18 =	sshll.u32 s0, $0xA;
	s2 =	sadd.s32 s3, s2  }
0x5: {  	s2 =	sadd.s32 s2, s18  }
0x6: {  	[smem:$0x3FC3] =	sst s2  }
0x7: {  	_ = 	snop  }
0x8: {  	s2 =	sld [smem:$0x3FD0];
	(tm) =	ssettm $0x1  }
0x9: {  	s19 =	sld [smem:$0x3FFB];
	_ =	sdelay $0x3  }
0xa: {  	_ =	strace s19  }
0xb: {  	s3 =	sld [smem:$0x3FFC];
	_ =	sdelay $0x3  }
0xc: {  	_ =	strace s3  }
0xd: {  	s3 =	sld [smem:$0x3FFD];
	_ =	sdelay $0x3  }
0xe: {  	_ =	strace s3  }
0xf: {  	_ =	strace $0x8FFFFFFF  }
0x10: {  	s20 =	sld [smem:$0x3FDB];
	_ =	sdelay $0x1  }
0x11: {  	s4 =	simm.s32 $_scs_section_size  }
0x12: {  	s5 =	simm.s32 $_size__tile_overlayer_lowered;
	s6 =	simm.s32 $_tile_overlayer_lowered  }
0x13: {  	s23 =	simm.s32 $0x1BFF;
	s22 =	sshll.u32 s6, $0x1;
	s3 =	sadd.s32 s4, s20  }
0x14: {  	s7 =	simm.s32 $0x0;
	s21 =	sshll.u32 s5, $0x1;
	s5 =	sadd.s32 s22, s3  }
0x15: {  	[timem:s7], [sflag:s23] =	dma.local [hbm:s5], s21  }
0x16: {  	_ =	swait.ge [sflag:s23], s21  }
0x17: {  	s4 =	ssub.s32 $0x0, s21;
	[sflag:s23] =	ssyncset.done $0x0  }
0x18: {  	[sflag:s23] =	ssyncadd.s32 s4;
	_ =	sdelay $0x1  }
0x19: {  	s24 =	simm.s32 $0x1B8B  }
0x1a: {  	_ =	swait.ge [sflag:s24], $0x1  }
0x1b: {  	[sflag:s24] =	ssyncset.done $0x0  }
0x1c: {  	s26 =	simm.s32 $0x1B8E;
	s25 =	sld [smem:$0x3FFE];
	[sflag:s24] =	ssyncadd.s32 $0xFFFFFFFF  }
0x1d: {  	s27 =	simm.s32 $execute0_lowered;
	[smem:$0x3FD2] =	sst s26  }
0x1e: {  	s5 =	sshll.u32 s27, $0x1;
	_ =	strace $0x8000004C;
	[dreg:$0x1] =	wrdreg $0xFFFFFFFF  }
0x1f: {  	s28 =	simm.s32 $_size_execute0_lowered;
	s3 =	sadd.s32 s3, s5;
	[dreg:$0x0] =	wrdreg $0x0  }
0x20: {  	s5 =	sshll.u32 s28, $0x1;
	[dreg:$0x2] =	wrdreg s3  }
0x21: {  	[dreg:$0x3] =	wrdreg s5  }
0x22: {  	[dreg:$0x4] =	wrdreg $0xC0  }
0x23: {  	_ =	task [dreg:s7], $0x5FFFF  }
0x24: {  	[dreg:$0x1] =	wrdreg $0xFFFFFFFF  }
0x25: {  	[dreg:$0x0] =	wrdreg $0x60  }
0x26: {  	[dreg:$0x2] =	wrdreg s25  }
0x27: {  	[dreg:$0x3] =	wrdreg s2  }
0x28: {  	[dreg:$0x4] =	wrdreg $0x9  }
0x29: {  	_ =	task.clear_ibuf [dreg:s7], $0x5FFFF;
	_ =	strace $0x9000004C  }
0x2a: {  	s29 =	simm.s32 $0x9;
	_ =	strace $0x8000004E  }
0x2b: {  	_ =	swait.ge [sflag:s29], $0x1  }
0x2c: {  	[sflag:s29] =	ssyncadd.s32 $0xFFFFFFFF  }
0x2d: {  	_ =	strace $0x9000004E  }
0x2e: {  	_ =	sfence  }
0x2f: {  	s30 =	sld [smem:$0x0];
	_ =	sdelay $0x2  }
0x30: {  	s31 =	sshll.u32 s1, $0xD;
	s1 =	sshrl.u32 s1, $0x2  }
0x31: {  	s3 =	sand.u32 $0x4000, s31;
	s1 =	sadd.s32 s1, s30  }
0x32: {  	s0 =	sor.u32 s3, s0;
	s1 =	sshll.u32 s1, $0x11  }
0x33: {  	s0 =	sor.u32 s1, s0  }
0x34: {  	s0 =	sadd.s32 $0x8F2B, s0  }
0x35: {  	[sflag:s0] =	ssyncadd.remote.s32 $0x1  }
0x36: {  	_ =	sfence.sel $0xFFFF  }
0x37: {  	[dreg:$0x0] =	wrdreg $0xFFFFFFFF;
	(pc) =	sbr.abs _section_cstart, $3  }
0x38: {  	[dreg:$0x1] =	wrdreg $0xFFFFFFFF  }
0x39: {  	_ =	task.clear_ibuf [dreg:s7], $0x2FFFF;
	_ =	strace $0x9FFFFFFF  }
0x3a: {  	(tm) =	ssettm $0x7FFFFFFF  }
0x3b: {  	_ =	shalt  }
tec
execute0_lowered:
.L_overlay_start_1:
0x0: {  	(tag) =	ssettag $0x1  }
0x1: {  	s0 =	srdreg.scid  }
0x2: {  	s5 =	rddreg [dreg:$0x0];
	s1 =	sshll.u32 s0, $0x4  }
0x3: {  	s2 =	rddreg [dreg:$0x1];
	s0 =	stileid.u32;
	s1 =	sand.u32 $0x10, s1  }
0x4: {  	s4 =	simm.s32 $0x1;
	s8 =	simm.s32 $0x2;
	s1 =	sor.u32 s0, s1  }
0x5: {  	s12 =	simm.s32 $0x0;
	s11 =	simm.s32 $0x0;
	s3 =	sshll.u32 s1, $0x7  }
0x6: {  	s9 =	simm.s32 $0x0;
	s10 =	simm.s32 $0x0;
	s6 =	ssub.s32 $0x4E200, s3  }
.Ltmp0:
0x7: {  	s1 =	rddreg [dreg:$0x2];
	s7 =	sand.u32 $0xF80, s6;
	(pc) =	sbr.rel .LBB1_1-.Ltmp0, $4  }
0x8: {  	_ =	strace $0x8000004D;
	p0 =	sne.s32 s7, $0x0;
	s7 =	simm.s32 $0x1  }
0x9: {  	[sflag:s4] =	ssyncpa.u1 $0x0;
	s6 =	sshrl.u32 s6, $0xC;
	s7 =	simm.s32 @!p0 $0x0  }
0xa: {  	s5 =	sadd.s32 $0x1200, s5;
	[sflag:s8] =	ssyncpa.u1 $0x0;
	s6 =	sadd.s32 s7, s6  }
0xb: {  	s8 =	smov.u32 s3;
	p0 =	por $0x0, $0x0;
	s7 =	sadd.s32 $0x1, s6  }
.LBB1_4:
0xc: {  	s12 =	sshll.u32 s12, $0x7;
	s18 =	sshll.u32 s11, $0x3  }
0xd: {  	v5 =	vld [tilespmem:s16+$0xFFFFFFD0];
	[tilespmem:s15+$0x2040 ss:$0x81] =	vst.msk $0xffff, v4;
	s19 =	sand.u32 $0xFFFFFC00, s12;
	s18 =	sand.u32 $0xFFFFFC00, s18  }
0xe: {  	v58 =	vld [tilespmem:s16+$0xFFFFFFE0];
	[tilespmem:s15+$0x2850 ss:$0x81] =	vst.msk $0xffff, v3;
	s12 =	sand.u32 $0x380, s12;
	s18 =	sadd.s32 s18, s19  }
0xf: {  	s17 =	sshra.s32 s17, $0x2;
	v59 =	vld [tilespmem:s16+$0xFFFFFFF0];
	[tilespmem:s15+$0x3060 ss:$0x81] =	vst.msk $0xffff, v2;
	s12 =	sor.u32 s12, s18  }
0x10: {  	v60 =	vld [tilespmem:s16+$0x0];
	[tilespmem:s15+$0x0 ss:$0x81] =	vst.msk $0xffff, v0;
	s14 =	sadd.s32 s17, s14;
	s12 =	sshrl.u32 s12, $0x7  }
0x11: {  	v61 =	vld [tilespmem:s16+$0x10];
	[tilespmem:s14+$0x3870 ss:$0x81] =	vst.msk $0xffff, v1;
	s28 =	smulhi.u32 $0x1A36E2F, s12  }
0x12: {  	v62 =	vld [tilespmem:s16+$0x20];
	[tilespmem:s14+$0x810 ss:$0x81] =	vst.msk $0xffff, v5  }
0x13: {  	v63 =	vld [tilespmem:s16+$0xFFFFFFC0];
	[tilespmem:s14+$0x1020 ss:$0x81] =	vst.msk $0xffff, v58;
	s15 =	sshrl.u32 s28, $0xB  }
0x14: {  	[tilespmem:s14+$0x1830 ss:$0x81] =	vst.msk $0xffff, v59;
	s15 =	smul.u32 $0x4E200, s15  }
0x15: {  	s29 =	sshrl.u32 s11, $0x3;
	[tilespmem:s14+$0x2040 ss:$0x81] =	vst.msk $0xffff, v60  }
0x16: {  	s30 =	sand.u32 $0xF, s29;
	[tilespmem:s14+$0x2850 ss:$0x81] =	vst.msk $0xffff, v61;
	s12 =	ssub.s32 s12, s15  }
0x17: {  	[tilespmem:s14+$0x3060 ss:$0x81] =	vst.msk $0xffff, v62;
	s15 =	sadd.s32 s2, s30;
	s12 =	sshll.u32 s12, $0x4  }
0x18: {  	s31 =	sand.u32 $0x7, s11;
	[tilespmem:s14+$0x0 ss:$0x81] =	vst.msk $0xffff, v63;
	s12 =	sadd.s32 s12, s15  }
0x19: {  	[hbm4b:s12+s31] =	stream.linear.scatter [tilespmem:s13], [sflag:$0x2], $0x4000, $0x20;
	[tilespmem:$0x10100] =	vst v63  }
.LBB1_5:
0x1a: {  	s13 =	sadd.s32 $0x1000, s8  }
0x1b: {  	s11 =	sadd.s32 $0x80, s9;
	s15 =	smov.u32 s9;
	p2 =	sgt.s32 s13, $0x4E1FF  }
0x1c: {  	s15 =	smov.u32 @p2 s11  }
0x1d: {  	s13 =	smov.u32 @p2 s3;
	p2 =	sgt.s32 s15, $0x7F  }
0x1e: {  	s15 =	simm.s32 @p2 $0x0;
	p2 =	sne.s32 s10, s7  }
.Ltmp1:
0x1f: {  	p1 =	slt.u32 s10, $0x2;
	(pc) =	sbr.rel @!p2 .LBB1_6-.Ltmp1, $4  }
0x20: {  	s14 =	simm.s32 @!p1 $0x2  }
0x21: {  	s12 =	smov.u32 s8;
	p0 =	por !p0, !p0;
	_ =	swait.ge @!p1 [sflag:s14], $0x4000  }
0x22: {  	s11 =	smov.u32 s9;
	[sflag:s14] =	ssyncset.done @!p1 $0x0;
	s8 =	smov.u32 s13  }
0x23: {  	s10 =	sadd.s32 $0x1, s10;
	[sflag:s14] =	ssyncadd.s32 @!p1 $0xFFFFC000;
	s9 =	smov.u32 s15  }
.LBB1_1:
0x24: {  	p1 =	sge.u32 s10, s6  }
0x25: {  	s13 =	sshrl.u32 @!p1 s9, $0x3  }
0x26: {  	s14 =	sshll.u32 @!p1 s8, $0x3;
	s13 =	smul.u32 @!p1 $0x271000, s13  }
0x27: {  	s15 =	sshll.u32 @!p1 s9, $0x7;
	s14 =	sand.u32 @!p1 $0xFFFFFC00, s14  }
0x28: {  	s13 =	sadd.s32 @!p1 s13, s14;
	s14 =	sand.u32 @!p1 $0x380, s15  }
0x29: {  	s15 =	sand.u32 @!p1 $0x7F, s8;
	s13 =	sor.u32 @!p1 s14, s13  }
0x2a: {  	s14 =	sor.u32 @!p1 s15, s13  }
0x2b: {  	s15 =	smulhi.u32 @!p1 $0xD1B71759, s14;
	_ =	sdelay $0x1  }
0x2c: {  	s13 =	smulhi.u32 @!p1 $0xD1B71759, s13;
	s15 =	sshrl.u32 @!p1 s15, $0x12  }
0x2d: {  	s15 =	smul.u32 @!p1 $0x4E200, s15  }
0x2e: {  	s31 =	sadd.s32 $0xFFFFFFFF, s10;
	s16 =	sxor.u32 @!p1 $0xFFFFFFFF, s10;
	s13 =	sshrl.u32 @!p1 s13, $0x12  }
0x2f: {  	s16 =	sshll.u32 @!p1 s16, $0xE;
	s13 =	sand.u32 @!p1 $0x7F, s13;
	s14 =	ssub.s32 @!p1 s14, s15  }
0x30: {  	s13 =	smul.u32 @!p1 $0x9C40, s13;
	s15 =	sshrl.u32 @!p1 s14, $0x3;
	s14 =	sand.u32 @!p1 $0x7, s14  }
0x31: {  	s16 =	sand.u32 @!p1 $0x4000, s16;
	s15 =	sadd.s32 @!p1 s5, s15;
	s14 =	sshll.u32 @!p1 s14, $0x12  }
0x32: {  	s13 =	sadd.s32 @!p1 s13, s15;
	s14 =	sor.u32 @!p1 $0x400, s14;
	s15 =	simm.s32 @!p1 $0x271000  }
0x33: {  	[tilespmem:s16], [sflag:$0x1] =	stream.strided.gather @!p1 [hbm4b:s13+s14], $0x4000, s15, s14, $0x38;
	[tilespmem:$0x10100] =	vst v63  }
0x34: {  	p1 =	sge.u32 s31, s6  }
.Ltmp2:
0x35: {  	_ = 	snop;
	(pc) =	sbr.rel @p1 .LBB1_5-.Ltmp2, $1  }
0x36: {  	_ =	sdelay $0x3  }
0x37: {  	s13 =	simm.s32 $0x1  }
0x38: {  	_ =	swait.ge [sflag:s4], $0x4000;
	s13 =	simm.s32 @!p0 $0x0  }
0x39: {  	[sflag:s4] =	ssyncset.done $0x0;
	s14 =	sshll.u32 s13, $0xE  }
0x3a: {  	[sflag:s4] =	ssyncadd.s32 $0xFFFFC000;
	s16 =	sor.u32 $0x40, s14  }
0x3b: {  	s13 =	smul.u32 $0x10200, s13;
	v0 =	vld [tilespmem:s16+$0x30]  }
0x3c: {  	v1 =	vld [tilespmem:s16+$0xFFFFFFD0]  }
0x3d: {  	s13 =	sshrl.u32 s13, $0x2;
	v5 =	vld [tilespmem:s16+$0xFFFFFFE0]  }
0x3e: {  	v6 =	vld [tilespmem:s16+$0xFFFFFFF0];
	s14 =	sor.u32 $0x8000, s13  }
0x3f: {  	s31 =	sand.u32 $0x1, s10;
	v4 =	vld [tilespmem:s16+$0x0];
	s15 =	sadd.s32 $0x0, s14  }
0x40: {  	v3 =	vld [tilespmem:s16+$0x10];
	s13 =	smul.u32 $0x10200, s31;
	[tilespmem:s15+$0x3870 ss:$0x81] =	vst.msk $0xffff, v0  }
0x41: {  	v2 =	vld [tilespmem:s16+$0x20];
	[tilespmem:s15+$0x810 ss:$0x81] =	vst.msk $0xffff, v1  }
0x42: {  	s13 =	sshrl.u32 s13, $0x2;
	v0 =	vld [tilespmem:s16+$0xFFFFFFC0];
	[tilespmem:s15+$0x1020 ss:$0x81] =	vst.msk $0xffff, v5;
	s16 =	sadd.s32 $0x80, s16  }
0x43: {  	s17 =	simm.s32 $0x4;
	s18 =	simm.s32 $0x8;
	s13 =	sor.u32 $0x8000, s13;
	[tilespmem:s15+$0x1830 ss:$0x81] =	vst.msk $0xffff, v6;
	v1 =	vld [tilespmem:s16+$0x30]  }
.LBB1_3:
0x44: {  	p1 =	sne.s32 s18, $0x1FC;
	v5 =	vld [tilespmem:s16+$0xFFFFFFD0];
	[tilespmem:s15+$0x2040 ss:$0x81] =	vst.msk $0xffff, v4  }
0x45: {  	v6 =	vld [tilespmem:s16+$0xFFFFFFE0];
	[tilespmem:s15+$0x2850 ss:$0x81] =	vst.msk $0xffff, v3  }
0x46: {  	s19 =	sshra.s32 s17, $0x2;
	s17 =	smov.u32 s18;
	v7 =	vld [tilespmem:s16+$0xFFFFFFF0];
	[tilespmem:s15+$0x3060 ss:$0x81] =	vst.msk $0xffff, v2  }
.Ltmp3:
0x47: {  	v4 =	vld [tilespmem:s16+$0x0];
	[tilespmem:s15+$0x0 ss:$0x81] =	vst.msk $0xffff, v0;
	s15 =	sadd.s32 s19, s14;
	(pc) =	sbr.rel @p1 .LBB1_3-.Ltmp3, $4  }
0x48: {  	v3 =	vld [tilespmem:s16+$0x10];
	[tilespmem:s15+$0x3870 ss:$0x81] =	vst.msk $0xffff, v1  }
0x49: {  	[tilespmem:s15+$0x810 ss:$0x81] =	vst.msk $0xffff, v5;
	v2 =	vld [tilespmem:s16+$0x20]  }
0x4a: {  	v0 =	vld [tilespmem:s16+$0xFFFFFFC0];
	[tilespmem:s15+$0x1020 ss:$0x81] =	vst.msk $0xffff, v6;
	s16 =	sadd.s32 $0x80, s16  }
0x4b: {  	s18 =	sadd.s32 $0x4, s18;
	v1 =	vld [tilespmem:s16+$0x30];
	[tilespmem:s15+$0x1830 ss:$0x81] =	vst.msk $0xffff, v7  }
.Ltmp4:
0x4c: {  	_ = 	snop;
	(pc) =	sbr.rel .LBB1_4-.Ltmp4, $1  }
0x4d: {  	_ =	sdelay $0x3  }
.LBB1_6:
0x4e: {  	_ =	sfence.sel $0x180000  }
0x4f: {  	s2 =	simm.s32 $0x1;
	[bflag:$0x0] =	sbarrier.arrive $0xFFFF  }
0x50: {  	s31 =	simm.s32 $0x2;
	[sflag:s2] =	ssyncpa.u1 $0x1  }
0x51: {  	[sflag:s31] =	ssyncpa.u1 $0x1  }
0x52: {  	p0 =	sne.s32 s0, $0x0;
	_ =	strace $0x9000004D  }
0x53: {  	s0 =	sadd.s32 @!p0 $0x100000, s1;
	[bflag:$0x2] =	sbarrier.arrive $0xFFFF  }
0x54: {  	[sflag:s0] =	ssyncadd.tile.s32 @!p0 $0x1;
	_ =	shalt  }
.Lfunc_end1:
_tile_overlayer_lowered:
.L_overlay_start_2:
0x55: {  	(tag) =	ssettag $0x2  }
0x56: {  	s0 =	rddreg [dreg:$0x0];
	s2 =	stileid.u32  }
0x57: {  	s1 =	rddreg [dreg:$0x1];
	p0 =	sne.s32 s2, $0x0  }
0x58: {  	s3 =	rddreg [dreg:$0x2];
	[bflag:$0x3] =	sbarrier.arrive $0xFFFF;
	s2 =	simm.s32 @!p0 $0x1C01  }
0x59: {  	[timem:s3], [sflag:s2] =	dma.local @!p0 [hbm:s0], s1  }
0x5a: {  	s0 =	simm.s32 @!p0 $0x1  }
0x5b: {  	_ =	swait.ge @!p0 [sflag:s0], s1  }
0x5c: {  	s1 =	ssub.s32 @!p0 $0x0, s1;
	[sflag:s0] =	ssyncset.done @!p0 $0x0  }
0x5d: {  	[sflag:s0] =	ssyncadd.s32 @!p0 s1  }
0x5e: {  	[bflag:$0x3] =	sbarrier.arrive $0xFFFF  }
0x5f: {  	_ =	shalt  }

</sc_bundles>
